<compile_context>
chip_gen: v7x
topology: tpu7x:2x2x1
jax: 0.10.2.dev20260603
libtpu: 0.0.44.dev20260713+nightly
codegen_flags: <defaults>
</compile_context>

<pallas_src>
import functools

import jax
import jax.numpy as jnp
from jax import lax
from jax.experimental import pallas as pl
from jax.experimental.pallas import tpu as pltpu
from jax.experimental.pallas import tpu_sc as plsc

NC = 2
NS = 16
NW = NC * NS
K = 80


def _sc_mesh():
    return plsc.VectorSubcoreMesh(
        core_axis_name="c", subcore_axis_name="s",
        num_cores=NC, num_subcores=NS)


def _deg_partials(dst_t, zslab, ones_k, n_pad, slab):
    j_steps = dst_t.shape[1]

    @functools.partial(
        pl.kernel,
        out_type=jax.ShapeDtypeStruct((NC * n_pad,), jnp.float32),
        mesh=_sc_mesh(),
        scratch_types=[
            pltpu.VMEM((j_steps, K), jnp.int32),
            pltpu.VMEM((K,), jnp.float32),
            pltpu.VMEM_SHARED((n_pad,), jnp.float32),
            pltpu.SemaphoreType.DMA,
        ],
    )
    def k(dst_hbm, z_hbm, ones_hbm, out_hbm, idx_v, ones_v, acc, sem):
        cid = lax.axis_index("c")
        sid = lax.axis_index("s")
        gid = cid * NS + sid
        pltpu.sync_copy(z_hbm, acc.at[pl.ds(sid * slab, slab)])
        pltpu.sync_copy(ones_hbm, ones_v)
        pltpu.sync_copy(dst_hbm.at[gid], idx_v)
        plsc.subcore_barrier()

        def body(j, carry):
            pltpu.sync_copy(ones_v, acc.at[idx_v.at[j]], add=True)
            return carry

        lax.fori_loop(0, j_steps, body, 0)
        plsc.subcore_barrier()
        pltpu.sync_copy(acc.at[pl.ds(sid * slab, slab)],
                        out_hbm.at[pl.ds(cid * n_pad + sid * slab, slab)])

    return k(dst_t, zslab, ones_k)


def _segsum_partials(hp, src_t, dst_t, zslab, n_pad, slab):
    f = hp.shape[1]
    kk = {16: 1008, 32: 720, 64: 240, 128: 48}[f]
    src_t = src_t.reshape(NW, -1, kk)
    dst_t = dst_t.reshape(NW, -1, kk)
    j_steps = src_t.shape[1]

    assert j_steps % 2 == 0

    @functools.partial(
        pl.kernel,
        out_type=jax.ShapeDtypeStruct((NC, n_pad, f), jnp.float32),
        mesh=_sc_mesh(),
        scratch_types=[
            pltpu.VMEM_SHARED((n_pad, f), jnp.float32),
            pltpu.VMEM((j_steps, kk), jnp.int32),
            pltpu.VMEM((j_steps, kk), jnp.int32),
            pltpu.VMEM((kk, f), jnp.float32),
            pltpu.VMEM((kk, f), jnp.float32),
            pltpu.SemaphoreType.DMA,
            pltpu.SemaphoreType.DMA,
            pltpu.SemaphoreType.DMA,
            pltpu.SemaphoreType.DMA,
        ],
        compiler_params=pltpu.CompilerParams(use_tc_tiling_on_sc=False),
    )
    def k(hp_hbm, src_hbm, dst_hbm, z_hbm, out_hbm,
          acc, src_v, dst_v, rows_a, rows_b, gsem_a, gsem_b, ssem_a, ssem_b):
        cid = lax.axis_index("c")
        sid = lax.axis_index("s")
        gid = cid * NS + sid
        pltpu.sync_copy(z_hbm, acc.at[pl.ds(sid * slab, slab)])
        pltpu.sync_copy(src_hbm.at[gid], src_v)
        pltpu.sync_copy(dst_hbm.at[gid], dst_v)
        plsc.subcore_barrier()

        def g_start(j, buf, sem):
            pltpu.async_copy(hp_hbm.at[src_v.at[j]], buf, sem)

        def g_wait(j, buf, sem):
            pltpu.make_async_copy(hp_hbm.at[src_v.at[j]], buf, sem).wait()

        def s_start(j, buf, sem):
            pltpu.async_copy(buf, acc.at[dst_v.at[j]], sem, add=True)

        def s_wait(j, buf, sem):
            pltpu.make_async_copy(buf, acc.at[dst_v.at[j]], sem).wait()

        g_start(0, rows_a, gsem_a)

        def body(jj, carry):
            j0 = 2 * jj
            j1 = j0 + 1
            g_wait(j0, rows_a, gsem_a)
            g_start(j1, rows_b, gsem_b)
            s_start(j0, rows_a, ssem_a)
            s_wait(j0, rows_a, ssem_a)

            @pl.when(jj != j_steps // 2 - 1)
            def _():
                g_start(j0 + 2, rows_a, gsem_a)

            g_wait(j1, rows_b, gsem_b)
            s_start(j1, rows_b, ssem_b)
            s_wait(j1, rows_b, ssem_b)
            return carry

        lax.fori_loop(0, j_steps // 2, body, 0)
        plsc.subcore_barrier()
        pltpu.sync_copy(acc.at[pl.ds(sid * slab, slab)],
                        out_hbm.at[cid, pl.ds(sid * slab, slab)])

    return k(hp, src_t, dst_t, zslab)


def _segsum_featsplit(hp2, src2, dst, zslab, n_pad, slab):
    fh = hp2.shape[1]
    kk = {8: 672, 16: 672, 32: 480}[fh]
    src_t = src2.reshape(NC * NS, -1, kk)
    dst_t = dst.reshape(NS, -1, kk)
    j_steps = src_t.shape[1]
    assert j_steps % 2 == 0 and j_steps == dst_t.shape[1]

    @functools.partial(
        pl.kernel,
        out_type=jax.ShapeDtypeStruct((NC, n_pad, fh), jnp.float32),
        mesh=_sc_mesh(),
        scratch_types=[
            pltpu.VMEM_SHARED((n_pad, fh), jnp.float32),
            pltpu.VMEM((j_steps, kk), jnp.int32),
            pltpu.VMEM((j_steps, kk), jnp.int32),
            pltpu.VMEM((kk, fh), jnp.float32),
            pltpu.VMEM((kk, fh), jnp.float32),
            pltpu.SemaphoreType.DMA,
            pltpu.SemaphoreType.DMA,
            pltpu.SemaphoreType.DMA,
            pltpu.SemaphoreType.DMA,
        ],
        compiler_params=pltpu.CompilerParams(use_tc_tiling_on_sc=False),
    )
    def k(hp_hbm, src_hbm, dst_hbm, z_hbm, out_hbm,
          acc, src_v, dst_v, rows_a, rows_b,
          gsem_a, gsem_b, ssem_a, ssem_b):
        cid = lax.axis_index("c")
        sid = lax.axis_index("s")
        pltpu.sync_copy(z_hbm, acc.at[pl.ds(sid * slab, slab)])
        pltpu.sync_copy(src_hbm.at[cid * NS + sid], src_v)
        pltpu.sync_copy(dst_hbm.at[sid], dst_v)
        plsc.subcore_barrier()

        def g_start(j, buf, sem):
            pltpu.async_copy(hp_hbm.at[src_v.at[j]], buf, sem)

        def g_wait(j, buf, sem):
            pltpu.make_async_copy(hp_hbm.at[src_v.at[j]], buf, sem).wait()

        def s_start(j, buf, sem):
            pltpu.async_copy(buf, acc.at[dst_v.at[j]], sem, add=True)

        def s_wait(j, buf, sem):
            pltpu.make_async_copy(buf, acc.at[dst_v.at[j]], sem).wait()

        g_start(0, rows_a, gsem_a)

        def body(jj, carry):
            j0 = 2 * jj
            j1 = j0 + 1
            g_wait(j0, rows_a, gsem_a)
            g_start(j1, rows_b, gsem_b)
            s_start(j0, rows_a, ssem_a)
            s_wait(j0, rows_a, ssem_a)

            @pl.when(jj != j_steps // 2 - 1)
            def _():
                g_start(j0 + 2, rows_a, gsem_a)

            g_wait(j1, rows_b, gsem_b)
            s_start(j1, rows_b, ssem_b)
            s_wait(j1, rows_b, ssem_b)
            return carry

        lax.fori_loop(0, j_steps // 2, body, 0)
        plsc.subcore_barrier()
        pltpu.sync_copy(acc.at[pl.ds(sid * slab, slab)],
                        out_hbm.at[cid, pl.ds(sid * slab, slab)])

    return k(hp2, src_t, dst_t, zslab)


def _tc_prep(deg_p, x, w1, n):
    n_pad = deg_p.shape[1]

    def body(degp_ref, x_ref, w_ref, dinv_ref, hp_ref):
        deg = degp_ref[0] + degp_ref[1] + 1.0
        dinv = lax.rsqrt(deg)
        dinv_ref[...] = dinv
        hp_ref[...] = dinv[:n] * jnp.dot(
            x_ref[...], w_ref[...], preferred_element_type=jnp.float32)

    return pl.pallas_call(
        body,
        out_shape=[
            jax.ShapeDtypeStruct((n_pad, 1), jnp.float32),
            jax.ShapeDtypeStruct((n, w1.shape[1]), jnp.float32),
        ],
    )(deg_p, x, w1)


def _tc_combine(agg_p, hp, dinv, b, n):

    def body(aggp_ref, hp_ref, dinv_ref, b_ref, out_ref):
        agg = aggp_ref[0, :n, :] + aggp_ref[1, :n, :]
        dinv = dinv_ref[:n]
        out_ref[...] = dinv * jnp.maximum(
            dinv * (agg + hp_ref[...]) + b_ref[...], 0.0)

    return pl.pallas_call(
        body,
        out_shape=jax.ShapeDtypeStruct(hp.shape, jnp.float32),
    )(agg_p, hp, dinv, b)


def _tc_mid(agg_p, hp, dinv, b, w, n, in_split=False, out_split=False):

    def body(aggp_ref, hp_ref, dinv_ref, b_ref, w_ref, out_ref):
        if in_split:
            agg = jnp.concatenate(
                [aggp_ref[0, :n, :], aggp_ref[1, :n, :]], axis=1)
            hpv = jnp.concatenate([hp_ref[:n, :], hp_ref[n:, :]], axis=1)
        else:
            agg = aggp_ref[0, :n, :] + aggp_ref[1, :n, :]
            hpv = hp_ref[...]
        dinv = dinv_ref[:n]
        m = dinv * (agg + hpv)
        act = jnp.maximum(
            jnp.dot(m, w_ref[...], preferred_element_type=jnp.float32)
            + b_ref[...], 0.0)
        r = dinv * act
        if out_split:
            fh = w.shape[1] // 2
            out_ref[:n, :] = r[:, :fh]
            out_ref[n:, :] = r[:, fh:]
        else:
            out_ref[...] = r

    out_shape = (jax.ShapeDtypeStruct((2 * n, w.shape[1] // 2), jnp.float32)
                 if out_split else
                 jax.ShapeDtypeStruct((n, w.shape[1]), jnp.float32))
    return pl.pallas_call(body, out_shape=out_shape)(agg_p, hp, dinv, b, w)


def _tc_final(agg_p, hp, dinv, b4, w4, wf1, bf1, wf2, bf2, n):

    def body(aggp_ref, hp_ref, dinv_ref, b4_ref, w4_ref, wf1_ref, bf1_ref,
             wf2_ref, bf2_ref, out_ref):
        agg = jnp.concatenate(
            [aggp_ref[0, :n, :], aggp_ref[1, :n, :]], axis=1)
        hpv = jnp.concatenate([hp_ref[:n, :], hp_ref[n:, :]], axis=1)
        dinv = dinv_ref[:n]
        m = dinv * (agg + hpv)
        act = jnp.maximum(
            jnp.dot(m, w4_ref[...], preferred_element_type=jnp.float32)
            + b4_ref[...], 0.0)
        z = jnp.maximum(jnp.dot(act, wf1_ref[...],
                                preferred_element_type=jnp.float32)
                        + bf1_ref[...], 0.0)
        out_ref[...] = jnp.tanh(
            jnp.dot(z, wf2_ref[...], preferred_element_type=jnp.float32)
            + bf2_ref[...])

    return pl.pallas_call(
        body,
        out_shape=jax.ShapeDtypeStruct((n, wf2.shape[1]), jnp.float32),
    )(agg_p, hp, dinv, b4, w4, wf1, bf1, wf2, bf2)


def kernel(x, edge_index, W1, b1, W2, b2, W3, b3, W4, b4, Wf1, bf1, Wf2, bf2):
    n = x.shape[0]
    e = edge_index.shape[1]

    slab = ((n + 1 + NS * 64 - 1) // (NS * 64)) * 64
    n_pad = slab * NS

    epg = NW * K
    e_pad = ((e + 2 * epg - 1) // (2 * epg)) * (2 * epg)
    src = edge_index[0]
    dst = edge_index[1]
    if e_pad != e:
        src = jnp.concatenate([src, jnp.zeros((e_pad - e,), jnp.int32)])
        dst = jnp.concatenate([dst, jnp.full((e_pad - e,), n, jnp.int32)])
    j_steps = e_pad // epg
    src_t = src.reshape(NW, j_steps, K)
    dst_t = dst.reshape(NW, j_steps, K)

    zslab1 = jnp.zeros((slab,), jnp.float32)
    ones_k = jnp.ones((K,), jnp.float32)

    def segsum(hp):
        f = hp.shape[1]
        return _segsum_partials(hp, src_t, dst_t,
                                jnp.zeros((slab, f), jnp.float32),
                                n_pad, slab)

    src2 = jnp.stack([src, src + n])

    def segsum_fs(hp2):
        fh = hp2.shape[1]
        return _segsum_featsplit(hp2, src2, dst,
                                 jnp.zeros((slab, fh), jnp.float32),
                                 n_pad, slab)

    deg_p = _deg_partials(dst_t, zslab1, ones_k, n_pad, slab)
    dinv, hp = _tc_prep(deg_p.reshape(NC, n_pad, 1), x, W1, n)

    hp = _tc_combine(segsum(hp), hp, dinv, b1.reshape(1, -1), n)
    hp = _tc_mid(segsum(hp), hp, dinv, b2.reshape(1, -1), W2, n,
                 out_split=True)
    hp = _tc_mid(segsum_fs(hp), hp, dinv, b3.reshape(1, -1), W3, n,
                 in_split=True, out_split=True)
    return _tc_final(segsum_fs(hp), hp, dinv, b4.reshape(1, -1), W4, Wf1,
                     bf1.reshape(1, -1), Wf2, bf2.reshape(1, -1), n)

# --- scband reference (transcript-rebuilt; emitter-appended) ---
"""Pipeline reference for scband-nngcn-conv-16149077033572 (READ-ONLY COPY).

The authoritative reference and input builder live on the scoring server;
editing this copy changes nothing except your own understanding.
"""

import jax, jax.numpy as jnp
import numpy as np

N = 10000
E = 320000
D_IN = 128
CLASSES = 10


def _glorot(key, shape):
    lim = float(np.sqrt(6.0 / (shape[0] + shape[1])))
    return jax.random.uniform(key, shape, jnp.float32, -lim, lim)


def setup_inputs(seed: int = 0) -> dict:
    key = jax.random.key(seed)
    ks = jax.random.split(key, 16)
    x = jax.random.normal(ks[0], (N, D_IN), jnp.float32)
    edge_index = jax.random.randint(ks[1], (2, E), 0, N, jnp.int32)
    W1 = _glorot(ks[2], (D_IN, 16)); b1 = jnp.zeros((16,), jnp.float32)
    W2 = _glorot(ks[3], (16, 32)); b2 = jnp.zeros((32,), jnp.float32)
    W3 = _glorot(ks[4], (32, 64)); b3 = jnp.zeros((64,), jnp.float32)
    W4 = _glorot(ks[5], (64, 128)); b4 = jnp.zeros((128,), jnp.float32)
    Wf1 = _glorot(ks[6], (128, 32)); bf1 = jnp.zeros((32,), jnp.float32)
    Wf2 = _glorot(ks[7], (32, CLASSES)); bf2 = jnp.zeros((CLASSES,), jnp.float32)
    return {"x": x, "edge_index": edge_index,
            "W1": W1, "b1": b1, "W2": W2, "b2": b2,
            "W3": W3, "b3": b3, "W4": W4, "b4": b4,
            "Wf1": Wf1, "bf1": bf1, "Wf2": Wf2, "bf2": bf2}


def gcn_conv(x, edge_index, W, b):
    # PyG GCNConv: add self-loops, symmetric D^{-1/2} A D^{-1/2} normalization
    n = x.shape[0]
    loop = jnp.arange(n, dtype=edge_index.dtype)
    src = jnp.concatenate([edge_index[0], loop])
    dst = jnp.concatenate([edge_index[1], loop])
    deg = jax.ops.segment_sum(jnp.ones(src.shape[0], x.dtype), dst, num_segments=n)
    dinv = jnp.where(deg > 0, jax.lax.rsqrt(jnp.maximum(deg, 1e-12)), 0.0)
    norm = dinv[src] * dinv[dst]
    h = x @ W
    out = jax.ops.segment_sum(h[src] * norm[:, None], dst, num_segments=n)
    return out + b


def reference(x, edge_index, W1, b1, W2, b2, W3, b3, W4, b4, Wf1, bf1, Wf2, bf2):
    h = jax.nn.relu(gcn_conv(x, edge_index, W1, b1))
    h = jax.nn.relu(gcn_conv(h, edge_index, W2, b2))
    h = jax.nn.relu(gcn_conv(h, edge_index, W3, b3))
    h = jax.nn.relu(gcn_conv(h, edge_index, W4, b4))
    h = jax.nn.relu(h @ Wf1 + bf1)
    # F.dropout(p=0.5, training=self.training) -> identity in eval mode
    h = h @ Wf2 + bf2
    return jnp.tanh(h)

if __name__ == "__main__":
    import jax
    _d = setup_inputs()
    print(jax.jit(kernel)(*tuple(_d.values())))

</pallas_src>

<mosaic_0001>
#map = affine_map<(d0, d1) -> (0, 0)>
#map1 = affine_map<(d0, d1) -> (0, 0, 0)>
module attributes {stable_mosaic.version = 14 : i64} {
  func.func @k(%arg0: i32, %arg1: i32, %arg2: memref<10000x16xf32, #tpu.memory_space<hbm>>, %arg3: memref<32x10x1008xi32, #tpu.memory_space<hbm>>, %arg4: memref<32x10x1008xi32, #tpu.memory_space<hbm>>, %arg5: memref<640x16xf32, #tpu.memory_space<hbm>>, %arg6: memref<2x10240x16xf32, #tpu.memory_space<hbm>>, %arg7: memref<10240x16xf32, #tpu.memory_space<vmem_shared>>, %arg8: memref<10x1008xi32, #tpu.memory_space<vmem>>, %arg9: memref<10x1008xi32, #tpu.memory_space<vmem>>, %arg10: memref<1008x16xf32, #tpu.memory_space<vmem>>, %arg11: memref<1008x16xf32, #tpu.memory_space<vmem>>, %arg12: memref<!tpu.dma_semaphore, #tpu.memory_space<semaphore_mem>>, %arg13: memref<!tpu.dma_semaphore, #tpu.memory_space<semaphore_mem>>, %arg14: memref<!tpu.dma_semaphore, #tpu.memory_space<semaphore_mem>>, %arg15: memref<!tpu.dma_semaphore, #tpu.memory_space<semaphore_mem>>) attributes {dimension_semantics = [#tpu.dimension_semantics<core_parallel>, #tpu.dimension_semantics<subcore_parallel>], iteration_bounds = array<i64: 2, 16>, scalar_prefetch = 0 : i64, scratch_operands = 9 : i64, tpu.core_type = #tpu.core_type<sc_vector_subcore>, window_params = [{transform_indices = #map}, {transform_indices = #map1}, {transform_indices = #map1}, {transform_indices = #map}, {transform_indices = #map1}]} {
    %mul3A = arith.constant 16 : i32
    %mul3A_0 = arith.muli %arg0, %mul3A : i32
    %add3A = arith.addi %mul3A_0, %arg1 : i32
    %mul3A_1 = arith.constant 640 : i32
    %mul3A_2 = arith.muli %arg1, %mul3A_1 : i32
    "tpu.region"() ({
      %run_scoped3A = tpu.sem_alloc : memref<!tpu.dma_semaphore, #tpu.memory_space<semaphore_mem>>
      %dma_start3A_19 = arith.constant 0 : i32
      %dma_start3A_20 = tpu.memref_slice %arg7[%mul3A_2, %dma_start3A_19] : memref<10240x16xf32, #tpu.memory_space<vmem_shared>> -> memref<640x16xf32, #tpu.memory_space<vmem_shared>>
      tpu.enqueue_dma source(%arg5 : memref<640x16xf32, #tpu.memory_space<hbm>>) target(%dma_start3A_20 : memref<640x16xf32, #tpu.memory_space<vmem_shared>>) target_semaphore(%run_scoped3A : memref<!tpu.dma_semaphore, #tpu.memory_space<semaphore_mem>>)
      %dma_wait3A = arith.constant 0 : i32
      %dma_wait3A_21 = tpu.memref_slice %arg7[%mul3A_2, %dma_wait3A] : memref<10240x16xf32, #tpu.memory_space<vmem_shared>> -> memref<640x16xf32, #tpu.memory_space<vmem_shared>>
      tpu.wait_dma2 semaphore(%run_scoped3A : memref<!tpu.dma_semaphore, #tpu.memory_space<semaphore_mem>>) src(%arg5 : memref<640x16xf32, #tpu.memory_space<hbm>>) dst(%dma_wait3A_21 : memref<640x16xf32, #tpu.memory_space<vmem_shared>>)
      tpu.yield
    }) : () -> ()
    "tpu.region"() ({
      %run_scoped3A = tpu.sem_alloc : memref<!tpu.dma_semaphore, #tpu.memory_space<semaphore_mem>>
      %dma_start3A_19 = arith.constant 0 : i32
      %dma_start3A_20 = arith.constant 0 : i32
      %dma_start3A_21 = tpu.memref_slice %arg3[%add3A, %dma_start3A_19, %dma_start3A_20] : memref<32x10x1008xi32, #tpu.memory_space<hbm>> -> memref<1x10x1008xi32, #tpu.memory_space<hbm>>
      %dma_start3A_22 = tpu.memref_squeeze %dma_start3A_21 : memref<1x10x1008xi32, #tpu.memory_space<hbm>> -> memref<10x1008xi32, #tpu.memory_space<hbm>>
      %dma_start3A_23 = arith.constant 0 : i32
      %dma_start3A_24 = arith.constant 0 : i32
      %dma_start3A_25 = tpu.memref_slice %arg3[%add3A, %dma_start3A_23, %dma_start3A_24] : memref<32x10x1008xi32, #tpu.memory_space<hbm>> -> memref<1x10x1008xi32, #tpu.memory_space<hbm>>
      %dma_start3A_26 = tpu.memref_squeeze %dma_start3A_25 : memref<1x10x1008xi32, #tpu.memory_space<hbm>> -> memref<10x1008xi32, #tpu.memory_space<hbm>>
      tpu.enqueue_dma source(%dma_start3A_26 : memref<10x1008xi32, #tpu.memory_space<hbm>>) target(%arg8 : memref<10x1008xi32, #tpu.memory_space<vmem>>) target_semaphore(%run_scoped3A : memref<!tpu.dma_semaphore, #tpu.memory_space<semaphore_mem>>)
      %dma_wait3A = arith.constant 0 : i32
      %dma_wait3A_27 = arith.constant 0 : i32
      %dma_wait3A_28 = tpu.memref_slice %arg3[%add3A, %dma_wait3A, %dma_wait3A_27] : memref<32x10x1008xi32, #tpu.memory_space<hbm>> -> memref<1x10x1008xi32, #tpu.memory_space<hbm>>
      %dma_wait3A_29 = tpu.memref_squeeze %dma_wait3A_28 : memref<1x10x1008xi32, #tpu.memory_space<hbm>> -> memref<10x1008xi32, #tpu.memory_space<hbm>>
      %dma_wait3A_30 = arith.constant 0 : i32
      %dma_wait3A_31 = arith.constant 0 : i32
      %dma_wait3A_32 = tpu.memref_slice %arg3[%add3A, %dma_wait3A_30, %dma_wait3A_31] : memref<32x10x1008xi32, #tpu.memory_space<hbm>> -> memref<1x10x1008xi32, #tpu.memory_space<hbm>>
      %dma_wait3A_33 = tpu.memref_squeeze %dma_wait3A_32 : memref<1x10x1008xi32, #tpu.memory_space<hbm>> -> memref<10x1008xi32, #tpu.memory_space<hbm>>
      tpu.wait_dma2 semaphore(%run_scoped3A : memref<!tpu.dma_semaphore, #tpu.memory_space<semaphore_mem>>) src(%dma_wait3A_33 : memref<10x1008xi32, #tpu.memory_space<hbm>>) dst(%arg8 : memref<10x1008xi32, #tpu.memory_space<vmem>>)
      tpu.yield
    }) : () -> ()
    "tpu.region"() ({
      %run_scoped3A = tpu.sem_alloc : memref<!tpu.dma_semaphore, #tpu.memory_space<semaphore_mem>>
      %dma_start3A_19 = arith.constant 0 : i32
      %dma_start3A_20 = arith.constant 0 : i32
      %dma_start3A_21 = tpu.memref_slice %arg4[%add3A, %dma_start3A_19, %dma_start3A_20] : memref<32x10x1008xi32, #tpu.memory_space<hbm>> -> memref<1x10x1008xi32, #tpu.memory_space<hbm>>
      %dma_start3A_22 = tpu.memref_squeeze %dma_start3A_21 : memref<1x10x1008xi32, #tpu.memory_space<hbm>> -> memref<10x1008xi32, #tpu.memory_space<hbm>>
      %dma_start3A_23 = arith.constant 0 : i32
      %dma_start3A_24 = arith.constant 0 : i32
      %dma_start3A_25 = tpu.memref_slice %arg4[%add3A, %dma_start3A_23, %dma_start3A_24] : memref<32x10x1008xi32, #tpu.memory_space<hbm>> -> memref<1x10x1008xi32, #tpu.memory_space<hbm>>
      %dma_start3A_26 = tpu.memref_squeeze %dma_start3A_25 : memref<1x10x1008xi32, #tpu.memory_space<hbm>> -> memref<10x1008xi32, #tpu.memory_space<hbm>>
      tpu.enqueue_dma source(%dma_start3A_26 : memref<10x1008xi32, #tpu.memory_space<hbm>>) target(%arg9 : memref<10x1008xi32, #tpu.memory_space<vmem>>) target_semaphore(%run_scoped3A : memref<!tpu.dma_semaphore, #tpu.memory_space<semaphore_mem>>)
      %dma_wait3A = arith.constant 0 : i32
      %dma_wait3A_27 = arith.constant 0 : i32
      %dma_wait3A_28 = tpu.memref_slice %arg4[%add3A, %dma_wait3A, %dma_wait3A_27] : memref<32x10x1008xi32, #tpu.memory_space<hbm>> -> memref<1x10x1008xi32, #tpu.memory_space<hbm>>
      %dma_wait3A_29 = tpu.memref_squeeze %dma_wait3A_28 : memref<1x10x1008xi32, #tpu.memory_space<hbm>> -> memref<10x1008xi32, #tpu.memory_space<hbm>>
      %dma_wait3A_30 = arith.constant 0 : i32
      %dma_wait3A_31 = arith.constant 0 : i32
      %dma_wait3A_32 = tpu.memref_slice %arg4[%add3A, %dma_wait3A_30, %dma_wait3A_31] : memref<32x10x1008xi32, #tpu.memory_space<hbm>> -> memref<1x10x1008xi32, #tpu.memory_space<hbm>>
      %dma_wait3A_33 = tpu.memref_squeeze %dma_wait3A_32 : memref<1x10x1008xi32, #tpu.memory_space<hbm>> -> memref<10x1008xi32, #tpu.memory_space<hbm>>
      tpu.wait_dma2 semaphore(%run_scoped3A : memref<!tpu.dma_semaphore, #tpu.memory_space<semaphore_mem>>) src(%dma_wait3A_33 : memref<10x1008xi32, #tpu.memory_space<hbm>>) dst(%arg9 : memref<10x1008xi32, #tpu.memory_space<vmem>>)
      tpu.yield
    }) : () -> ()
    %barrier3A = arith.constant 0 : index
    tpu.barrier barrier_id(%barrier3A)
    %dma_start3A = arith.constant 0 : i32
    %dma_start3A_3 = arith.constant 0 : i32
    %dma_start3A_4 = tpu.memref_slice %arg8[%dma_start3A, %dma_start3A_3] : memref<10x1008xi32, #tpu.memory_space<vmem>> -> memref<1x1008xi32, #tpu.memory_space<vmem>>
    %dma_start3A_5 = tpu.memref_squeeze %dma_start3A_4 : memref<1x1008xi32, #tpu.memory_space<vmem>> -> memref<1008xi32, #tpu.memory_space<vmem>>
    %dma_start3A_6 = arith.constant 0 : i32
    %dma_start3A_7 = arith.constant 0 : i32
    %dma_start3A_8 = tpu.memref_slice %arg2[%dma_start3A_6, %dma_start3A_7] : memref<10000x16xf32, #tpu.memory_space<hbm>> -> memref<10000x16xf32, #tpu.memory_space<hbm>>
    tpu.enqueue_indirect_dma source(%dma_start3A_8 : memref<10000x16xf32, #tpu.memory_space<hbm>>) target(%arg10 : memref<1008x16xf32, #tpu.memory_space<vmem>>) offsets(%dma_start3A_5 : memref<1008xi32, #tpu.memory_space<vmem>>) semaphore(%arg12 : memref<!tpu.dma_semaphore, #tpu.memory_space<semaphore_mem>>)
    %scan3A = arith.constant 0 : i32
    %scan3A_9 = arith.constant 0 : i32
    %scan3A_10 = arith.constant 5 : i32
    %scan3A_11 = arith.addi %scan3A_9, %scan3A_10 : i32
    %scan3A_12 = arith.constant 1 : i32
    scf.for %scan3A_19 = %scan3A_9 to %scan3A_11 step %scan3A_12  : i32 {
      %mul3A_20 = arith.constant 2 : i32
      %mul3A_21 = arith.muli %mul3A_20, %scan3A_19 : i32
      %add3A_22 = arith.constant 1 : i32
      %add3A_23 = arith.addi %mul3A_21, %add3A_22 : i32
      %dma_wait3A = arith.constant 0 : i32
      %dma_wait3A_24 = tpu.memref_slice %arg8[%mul3A_21, %dma_wait3A] : memref<10x1008xi32, #tpu.memory_space<vmem>> -> memref<1x1008xi32, #tpu.memory_space<vmem>>
      %dma_wait3A_25 = tpu.memref_squeeze %dma_wait3A_24 : memref<1x1008xi32, #tpu.memory_space<vmem>> -> memref<1008xi32, #tpu.memory_space<vmem>>
      %dma_wait3A_26 = arith.constant 0 : i32
      %dma_wait3A_27 = arith.constant 0 : i32
      %dma_wait3A_28 = tpu.memref_slice %arg2[%dma_wait3A_26, %dma_wait3A_27] : memref<10000x16xf32, #tpu.memory_space<hbm>> -> memref<10000x16xf32, #tpu.memory_space<hbm>>
      tpu.wait_indirect_dma semaphore(%arg12 : memref<!tpu.dma_semaphore, #tpu.memory_space<semaphore_mem>>) src(%dma_wait3A_28 : memref<10000x16xf32, #tpu.memory_space<hbm>>) dst(%arg10 : memref<1008x16xf32, #tpu.memory_space<vmem>>)
      %dma_start3A_29 = arith.constant 0 : i32
      %dma_start3A_30 = tpu.memref_slice %arg8[%add3A_23, %dma_start3A_29] : memref<10x1008xi32, #tpu.memory_space<vmem>> -> memref<1x1008xi32, #tpu.memory_space<vmem>>
      %dma_start3A_31 = tpu.memref_squeeze %dma_start3A_30 : memref<1x1008xi32, #tpu.memory_space<vmem>> -> memref<1008xi32, #tpu.memory_space<vmem>>
      %dma_start3A_32 = arith.constant 0 : i32
      %dma_start3A_33 = arith.constant 0 : i32
      %dma_start3A_34 = tpu.memref_slice %arg2[%dma_start3A_32, %dma_start3A_33] : memref<10000x16xf32, #tpu.memory_space<hbm>> -> memref<10000x16xf32, #tpu.memory_space<hbm>>
      tpu.enqueue_indirect_dma source(%dma_start3A_34 : memref<10000x16xf32, #tpu.memory_space<hbm>>) target(%arg11 : memref<1008x16xf32, #tpu.memory_space<vmem>>) offsets(%dma_start3A_31 : memref<1008xi32, #tpu.memory_space<vmem>>) semaphore(%arg13 : memref<!tpu.dma_semaphore, #tpu.memory_space<semaphore_mem>>)
      %dma_start3A_35 = arith.constant 0 : i32
      %dma_start3A_36 = tpu.memref_slice %arg9[%mul3A_21, %dma_start3A_35] : memref<10x1008xi32, #tpu.memory_space<vmem>> -> memref<1x1008xi32, #tpu.memory_space<vmem>>
      %dma_start3A_37 = tpu.memref_squeeze %dma_start3A_36 : memref<1x1008xi32, #tpu.memory_space<vmem>> -> memref<1008xi32, #tpu.memory_space<vmem>>
      %dma_start3A_38 = arith.constant 0 : i32
      %dma_start3A_39 = arith.constant 0 : i32
      %dma_start3A_40 = tpu.memref_slice %arg7[%dma_start3A_38, %dma_start3A_39] : memref<10240x16xf32, #tpu.memory_space<vmem_shared>> -> memref<10240x16xf32, #tpu.memory_space<vmem_shared>>
      tpu.enqueue_indirect_dma source(%arg10 : memref<1008x16xf32, #tpu.memory_space<vmem>>) target(%dma_start3A_40 : memref<10240x16xf32, #tpu.memory_space<vmem_shared>>) offsets(%dma_start3A_37 : memref<1008xi32, #tpu.memory_space<vmem>>) semaphore(%arg14 : memref<!tpu.dma_semaphore, #tpu.memory_space<semaphore_mem>>) {add = true}
      %dma_wait3A_41 = arith.constant 0 : i32
      %dma_wait3A_42 = tpu.memref_slice %arg9[%mul3A_21, %dma_wait3A_41] : memref<10x1008xi32, #tpu.memory_space<vmem>> -> memref<1x1008xi32, #tpu.memory_space<vmem>>
      %dma_wait3A_43 = tpu.memref_squeeze %dma_wait3A_42 : memref<1x1008xi32, #tpu.memory_space<vmem>> -> memref<1008xi32, #tpu.memory_space<vmem>>
      %dma_wait3A_44 = arith.constant 0 : i32
      %dma_wait3A_45 = arith.constant 0 : i32
      %dma_wait3A_46 = tpu.memref_slice %arg7[%dma_wait3A_44, %dma_wait3A_45] : memref<10240x16xf32, #tpu.memory_space<vmem_shared>> -> memref<10240x16xf32, #tpu.memory_space<vmem_shared>>
      tpu.wait_indirect_dma semaphore(%arg14 : memref<!tpu.dma_semaphore, #tpu.memory_space<semaphore_mem>>) src(%arg10 : memref<1008x16xf32, #tpu.memory_space<vmem>>) dst(%dma_wait3A_46 : memref<10240x16xf32, #tpu.memory_space<vmem_shared>>)
      %ne3A = arith.constant 4 : i32
      %ne3A_47 = arith.cmpi ne, %scan3A_19, %ne3A : i32
      %convert_element_type3A = arith.extui %ne3A_47 : i1 to i32
      %cond3A = arith.constant 0 : i32
      %cond3A_48 = arith.cmpi ne, %convert_element_type3A, %cond3A : i32
      scf.if %cond3A_48 {
        %add3A_67 = arith.constant 2 : i32
        %add3A_68 = arith.addi %mul3A_21, %add3A_67 : i32
        %dma_start3A_69 = arith.constant 0 : i32
        %dma_start3A_70 = tpu.memref_slice %arg8[%add3A_68, %dma_start3A_69] : memref<10x1008xi32, #tpu.memory_space<vmem>> -> memref<1x1008xi32, #tpu.memory_space<vmem>>
        %dma_start3A_71 = tpu.memref_squeeze %dma_start3A_70 : memref<1x1008xi32, #tpu.memory_space<vmem>> -> memref<1008xi32, #tpu.memory_space<vmem>>
        %dma_start3A_72 = arith.constant 0 : i32
        %dma_start3A_73 = arith.constant 0 : i32
        %dma_start3A_74 = tpu.memref_slice %arg2[%dma_start3A_72, %dma_start3A_73] : memref<10000x16xf32, #tpu.memory_space<hbm>> -> memref<10000x16xf32, #tpu.memory_space<hbm>>
        tpu.enqueue_indirect_dma source(%dma_start3A_74 : memref<10000x16xf32, #tpu.memory_space<hbm>>) target(%arg10 : memref<1008x16xf32, #tpu.memory_space<vmem>>) offsets(%dma_start3A_71 : memref<1008xi32, #tpu.memory_space<vmem>>) semaphore(%arg12 : memref<!tpu.dma_semaphore, #tpu.memory_space<semaphore_mem>>)
      } else {
      }
      %dma_wait3A_49 = arith.constant 0 : i32
      %dma_wait3A_50 = tpu.memref_slice %arg8[%add3A_23, %dma_wait3A_49] : memref<10x1008xi32, #tpu.memory_space<vmem>> -> memref<1x1008xi32, #tpu.memory_space<vmem>>
      %dma_wait3A_51 = tpu.memref_squeeze %dma_wait3A_50 : memref<1x1008xi32, #tpu.memory_space<vmem>> -> memref<1008xi32, #tpu.memory_space<vmem>>
      %dma_wait3A_52 = arith.constant 0 : i32
      %dma_wait3A_53 = arith.constant 0 : i32
      %dma_wait3A_54 = tpu.memref_slice %arg2[%dma_wait3A_52, %dma_wait3A_53] : memref<10000x16xf32, #tpu.memory_space<hbm>> -> memref<10000x16xf32, #tpu.memory_space<hbm>>
      tpu.wait_indirect_dma semaphore(%arg13 : memref<!tpu.dma_semaphore, #tpu.memory_space<semaphore_mem>>) src(%dma_wait3A_54 : memref<10000x16xf32, #tpu.memory_space<hbm>>) dst(%arg11 : memref<1008x16xf32, #tpu.memory_space<vmem>>)
      %dma_start3A_55 = arith.constant 0 : i32
      %dma_start3A_56 = tpu.memref_slice %arg9[%add3A_23, %dma_start3A_55] : memref<10x1008xi32, #tpu.memory_space<vmem>> -> memref<1x1008xi32, #tpu.memory_space<vmem>>
      %dma_start3A_57 = tpu.memref_squeeze %dma_start3A_56 : memref<1x1008xi32, #tpu.memory_space<vmem>> -> memref<1008xi32, #tpu.memory_space<vmem>>
      %dma_start3A_58 = arith.constant 0 : i32
      %dma_start3A_59 = arith.constant 0 : i32
      %dma_start3A_60 = tpu.memref_slice %arg7[%dma_start3A_58, %dma_start3A_59] : memref<10240x16xf32, #tpu.memory_space<vmem_shared>> -> memref<10240x16xf32, #tpu.memory_space<vmem_shared>>
      tpu.enqueue_indirect_dma source(%arg11 : memref<1008x16xf32, #tpu.memory_space<vmem>>) target(%dma_start3A_60 : memref<10240x16xf32, #tpu.memory_space<vmem_shared>>) offsets(%dma_start3A_57 : memref<1008xi32, #tpu.memory_space<vmem>>) semaphore(%arg15 : memref<!tpu.dma_semaphore, #tpu.memory_space<semaphore_mem>>) {add = true}
      %dma_wait3A_61 = arith.constant 0 : i32
      %dma_wait3A_62 = tpu.memref_slice %arg9[%add3A_23, %dma_wait3A_61] : memref<10x1008xi32, #tpu.memory_space<vmem>> -> memref<1x1008xi32, #tpu.memory_space<vmem>>
      %dma_wait3A_63 = tpu.memref_squeeze %dma_wait3A_62 : memref<1x1008xi32, #tpu.memory_space<vmem>> -> memref<1008xi32, #tpu.memory_space<vmem>>
      %dma_wait3A_64 = arith.constant 0 : i32
      %dma_wait3A_65 = arith.constant 0 : i32
      %dma_wait3A_66 = tpu.memref_slice %arg7[%dma_wait3A_64, %dma_wait3A_65] : memref<10240x16xf32, #tpu.memory_space<vmem_shared>> -> memref<10240x16xf32, #tpu.memory_space<vmem_shared>>
      tpu.wait_indirect_dma semaphore(%arg15 : memref<!tpu.dma_semaphore, #tpu.memory_space<semaphore_mem>>) src(%arg11 : memref<1008x16xf32, #tpu.memory_space<vmem>>) dst(%dma_wait3A_66 : memref<10240x16xf32, #tpu.memory_space<vmem_shared>>)
    }
    %scan3A_13 = arith.constant 5 : i32
    %barrier3A_14 = arith.constant 0 : index
    tpu.barrier barrier_id(%barrier3A_14)
    %mul3A_15 = arith.constant 640 : i32
    %mul3A_16 = arith.muli %arg1, %mul3A_15 : i32
    %mul3A_17 = arith.constant 640 : i32
    %mul3A_18 = arith.muli %arg1, %mul3A_17 : i32
    "tpu.region"() ({
      %run_scoped3A = tpu.sem_alloc : memref<!tpu.dma_semaphore, #tpu.memory_space<semaphore_mem>>
      %dma_start3A_19 = arith.constant 0 : i32
      %dma_start3A_20 = tpu.memref_slice %arg6[%arg0, %mul3A_18, %dma_start3A_19] : memref<2x10240x16xf32, #tpu.memory_space<hbm>> -> memref<1x640x16xf32, #tpu.memory_space<hbm>>
      %dma_start3A_21 = tpu.memref_squeeze %dma_start3A_20 : memref<1x640x16xf32, #tpu.memory_space<hbm>> -> memref<640x16xf32, #tpu.memory_space<hbm>>
      %dma_start3A_22 = arith.constant 0 : i32
      %dma_start3A_23 = tpu.memref_slice %arg7[%mul3A_16, %dma_start3A_22] : memref<10240x16xf32, #tpu.memory_space<vmem_shared>> -> memref<640x16xf32, #tpu.memory_space<vmem_shared>>
      tpu.enqueue_dma source(%dma_start3A_23 : memref<640x16xf32, #tpu.memory_space<vmem_shared>>) target(%dma_start3A_21 : memref<640x16xf32, #tpu.memory_space<hbm>>) target_semaphore(%run_scoped3A : memref<!tpu.dma_semaphore, #tpu.memory_space<semaphore_mem>>)
      %dma_wait3A = arith.constant 0 : i32
      %dma_wait3A_24 = tpu.memref_slice %arg6[%arg0, %mul3A_18, %dma_wait3A] : memref<2x10240x16xf32, #tpu.memory_space<hbm>> -> memref<1x640x16xf32, #tpu.memory_space<hbm>>
      %dma_wait3A_25 = tpu.memref_squeeze %dma_wait3A_24 : memref<1x640x16xf32, #tpu.memory_space<hbm>> -> memref<640x16xf32, #tpu.memory_space<hbm>>
      %dma_wait3A_26 = arith.constant 0 : i32
      %dma_wait3A_27 = tpu.memref_slice %arg7[%mul3A_16, %dma_wait3A_26] : memref<10240x16xf32, #tpu.memory_space<vmem_shared>> -> memref<640x16xf32, #tpu.memory_space<vmem_shared>>
      tpu.wait_dma2 semaphore(%run_scoped3A : memref<!tpu.dma_semaphore, #tpu.memory_space<semaphore_mem>>) src(%dma_wait3A_27 : memref<640x16xf32, #tpu.memory_space<vmem_shared>>) dst(%dma_wait3A_25 : memref<640x16xf32, #tpu.memory_space<hbm>>)
      tpu.yield
    }) : () -> ()
    return
  }
}

#map = affine_map<(d0, d1) -> (0, 0, 0)>
#map1 = affine_map<(d0, d1) -> (0)>
module attributes {stable_mosaic.version = 14 : i64} {
  func.func @k(%arg0: i32, %arg1: i32, %arg2: memref<32x126x80xi32, #tpu.memory_space<hbm>>, %arg3: memref<640xf32, #tpu.memory_space<hbm>>, %arg4: memref<80xf32, #tpu.memory_space<hbm>>, %arg5: memref<20480xf32, #tpu.memory_space<hbm>>, %arg6: memref<126x80xi32, #tpu.memory_space<vmem>>, %arg7: memref<80xf32, #tpu.memory_space<vmem>>, %arg8: memref<10240xf32, #tpu.memory_space<vmem_shared>>, %arg9: memref<!tpu.dma_semaphore, #tpu.memory_space<semaphore_mem>>) attributes {dimension_semantics = [#tpu.dimension_semantics<core_parallel>, #tpu.dimension_semantics<subcore_parallel>], iteration_bounds = array<i64: 2, 16>, scalar_prefetch = 0 : i64, scratch_operands = 4 : i64, tpu.core_type = #tpu.core_type<sc_vector_subcore>, window_params = [{transform_indices = #map}, {transform_indices = #map1}, {transform_indices = #map1}, {transform_indices = #map1}]} {
    %mul3A = arith.constant 16 : i32
    %mul3A_0 = arith.muli %arg0, %mul3A : i32
    %add3A = arith.addi %mul3A_0, %arg1 : i32
    %mul3A_1 = arith.constant 640 : i32
    %mul3A_2 = arith.muli %arg1, %mul3A_1 : i32
    "tpu.region"() ({
      %run_scoped3A = tpu.sem_alloc : memref<!tpu.dma_semaphore, #tpu.memory_space<semaphore_mem>>
      %dma_start3A = tpu.memref_slice %arg8[%mul3A_2] : memref<10240xf32, #tpu.memory_space<vmem_shared>> -> memref<640xf32, #tpu.memory_space<vmem_shared>>
      tpu.enqueue_dma source(%arg3 : memref<640xf32, #tpu.memory_space<hbm>>) target(%dma_start3A : memref<640xf32, #tpu.memory_space<vmem_shared>>) target_semaphore(%run_scoped3A : memref<!tpu.dma_semaphore, #tpu.memory_space<semaphore_mem>>)
      %dma_wait3A = tpu.memref_slice %arg8[%mul3A_2] : memref<10240xf32, #tpu.memory_space<vmem_shared>> -> memref<640xf32, #tpu.memory_space<vmem_shared>>
      tpu.wait_dma2 semaphore(%run_scoped3A : memref<!tpu.dma_semaphore, #tpu.memory_space<semaphore_mem>>) src(%arg3 : memref<640xf32, #tpu.memory_space<hbm>>) dst(%dma_wait3A : memref<640xf32, #tpu.memory_space<vmem_shared>>)
      tpu.yield
    }) : () -> ()
    "tpu.region"() ({
      %run_scoped3A = tpu.sem_alloc : memref<!tpu.dma_semaphore, #tpu.memory_space<semaphore_mem>>
      tpu.enqueue_dma source(%arg4 : memref<80xf32, #tpu.memory_space<hbm>>) target(%arg7 : memref<80xf32, #tpu.memory_space<vmem>>) target_semaphore(%run_scoped3A : memref<!tpu.dma_semaphore, #tpu.memory_space<semaphore_mem>>)
      tpu.wait_dma2 semaphore(%run_scoped3A : memref<!tpu.dma_semaphore, #tpu.memory_space<semaphore_mem>>) src(%arg4 : memref<80xf32, #tpu.memory_space<hbm>>) dst(%arg7 : memref<80xf32, #tpu.memory_space<vmem>>)
      tpu.yield
    }) : () -> ()
    "tpu.region"() ({
      %run_scoped3A = tpu.sem_alloc : memref<!tpu.dma_semaphore, #tpu.memory_space<semaphore_mem>>
      %dma_start3A = arith.constant 0 : i32
      %dma_start3A_16 = arith.constant 0 : i32
      %dma_start3A_17 = tpu.memref_slice %arg2[%add3A, %dma_start3A, %dma_start3A_16] : memref<32x126x80xi32, #tpu.memory_space<hbm>> -> memref<1x126x80xi32, #tpu.memory_space<hbm>>
      %dma_start3A_18 = tpu.memref_squeeze %dma_start3A_17 : memref<1x126x80xi32, #tpu.memory_space<hbm>> -> memref<126x80xi32, #tpu.memory_space<hbm>>
      %dma_start3A_19 = arith.constant 0 : i32
      %dma_start3A_20 = arith.constant 0 : i32
      %dma_start3A_21 = tpu.memref_slice %arg2[%add3A, %dma_start3A_19, %dma_start3A_20] : memref<32x126x80xi32, #tpu.memory_space<hbm>> -> memref<1x126x80xi32, #tpu.memory_space<hbm>>
      %dma_start3A_22 = tpu.memref_squeeze %dma_start3A_21 : memref<1x126x80xi32, #tpu.memory_space<hbm>> -> memref<126x80xi32, #tpu.memory_space<hbm>>
      tpu.enqueue_dma source(%dma_start3A_22 : memref<126x80xi32, #tpu.memory_space<hbm>>) target(%arg6 : memref<126x80xi32, #tpu.memory_space<vmem>>) target_semaphore(%run_scoped3A : memref<!tpu.dma_semaphore, #tpu.memory_space<semaphore_mem>>)
      %dma_wait3A = arith.constant 0 : i32
      %dma_wait3A_23 = arith.constant 0 : i32
      %dma_wait3A_24 = tpu.memref_slice %arg2[%add3A, %dma_wait3A, %dma_wait3A_23] : memref<32x126x80xi32, #tpu.memory_space<hbm>> -> memref<1x126x80xi32, #tpu.memory_space<hbm>>
      %dma_wait3A_25 = tpu.memref_squeeze %dma_wait3A_24 : memref<1x126x80xi32, #tpu.memory_space<hbm>> -> memref<126x80xi32, #tpu.memory_space<hbm>>
      %dma_wait3A_26 = arith.constant 0 : i32
      %dma_wait3A_27 = arith.constant 0 : i32
      %dma_wait3A_28 = tpu.memref_slice %arg2[%add3A, %dma_wait3A_26, %dma_wait3A_27] : memref<32x126x80xi32, #tpu.memory_space<hbm>> -> memref<1x126x80xi32, #tpu.memory_space<hbm>>
      %dma_wait3A_29 = tpu.memref_squeeze %dma_wait3A_28 : memref<1x126x80xi32, #tpu.memory_space<hbm>> -> memref<126x80xi32, #tpu.memory_space<hbm>>
      tpu.wait_dma2 semaphore(%run_scoped3A : memref<!tpu.dma_semaphore, #tpu.memory_space<semaphore_mem>>) src(%dma_wait3A_29 : memref<126x80xi32, #tpu.memory_space<hbm>>) dst(%arg6 : memref<126x80xi32, #tpu.memory_space<vmem>>)
      tpu.yield
    }) : () -> ()
    %barrier3A = arith.constant 0 : index
    tpu.barrier barrier_id(%barrier3A)
    %scan3A = arith.constant 0 : i32
    %scan3A_3 = arith.constant 0 : i32
    %scan3A_4 = arith.constant 126 : i32
    %scan3A_5 = arith.addi %scan3A_3, %scan3A_4 : i32
    %scan3A_6 = arith.constant 1 : i32
    scf.for %scan3A_16 = %scan3A_3 to %scan3A_5 step %scan3A_6  : i32 {
      "tpu.region"() ({
        %run_scoped3A = tpu.sem_alloc : memref<!tpu.dma_semaphore, #tpu.memory_space<semaphore_mem>>
        %dma_start3A = arith.constant 0 : i32
        %dma_start3A_17 = tpu.memref_slice %arg6[%scan3A_16, %dma_start3A] : memref<126x80xi32, #tpu.memory_space<vmem>> -> memref<1x80xi32, #tpu.memory_space<vmem>>
        %dma_start3A_18 = tpu.memref_squeeze %dma_start3A_17 : memref<1x80xi32, #tpu.memory_space<vmem>> -> memref<80xi32, #tpu.memory_space<vmem>>
        %dma_start3A_19 = arith.constant 0 : i32
        %dma_start3A_20 = tpu.memref_slice %arg8[%dma_start3A_19] : memref<10240xf32, #tpu.memory_space<vmem_shared>> -> memref<10240xf32, #tpu.memory_space<vmem_shared>>
        tpu.enqueue_indirect_dma source(%arg7 : memref<80xf32, #tpu.memory_space<vmem>>) target(%dma_start3A_20 : memref<10240xf32, #tpu.memory_space<vmem_shared>>) offsets(%dma_start3A_18 : memref<80xi32, #tpu.memory_space<vmem>>) semaphore(%run_scoped3A : memref<!tpu.dma_semaphore, #tpu.memory_space<semaphore_mem>>) {add = true}
        %dma_wait3A = arith.constant 0 : i32
        %dma_wait3A_21 = tpu.memref_slice %arg6[%scan3A_16, %dma_wait3A] : memref<126x80xi32, #tpu.memory_space<vmem>> -> memref<1x80xi32, #tpu.memory_space<vmem>>
        %dma_wait3A_22 = tpu.memref_squeeze %dma_wait3A_21 : memref<1x80xi32, #tpu.memory_space<vmem>> -> memref<80xi32, #tpu.memory_space<vmem>>
        %dma_wait3A_23 = arith.constant 0 : i32
        %dma_wait3A_24 = tpu.memref_slice %arg8[%dma_wait3A_23] : memref<10240xf32, #tpu.memory_space<vmem_shared>> -> memref<10240xf32, #tpu.memory_space<vmem_shared>>
        tpu.wait_indirect_dma semaphore(%run_scoped3A : memref<!tpu.dma_semaphore, #tpu.memory_space<semaphore_mem>>) src(%arg7 : memref<80xf32, #tpu.memory_space<vmem>>) dst(%dma_wait3A_24 : memref<10240xf32, #tpu.memory_space<vmem_shared>>)
        tpu.yield
      }) : () -> ()
    }
    %scan3A_7 = arith.constant 126 : i32
    %barrier3A_8 = arith.constant 0 : index
    tpu.barrier barrier_id(%barrier3A_8)
    %mul3A_9 = arith.constant 640 : i32
    %mul3A_10 = arith.muli %arg1, %mul3A_9 : i32
    %mul3A_11 = arith.constant 10240 : i32
    %mul3A_12 = arith.muli %arg0, %mul3A_11 : i32
    %mul3A_13 = arith.constant 640 : i32
    %mul3A_14 = arith.muli %arg1, %mul3A_13 : i32
    %add3A_15 = arith.addi %mul3A_12, %mul3A_14 : i32
    "tpu.region"() ({
      %run_scoped3A = tpu.sem_alloc : memref<!tpu.dma_semaphore, #tpu.memory_space<semaphore_mem>>
      %dma_start3A = tpu.memref_slice %arg5[%add3A_15] : memref<20480xf32, #tpu.memory_space<hbm>> -> memref<640xf32, #tpu.memory_space<hbm>>
      %dma_start3A_16 = tpu.memref_slice %arg8[%mul3A_10] : memref<10240xf32, #tpu.memory_space<vmem_shared>> -> memref<640xf32, #tpu.memory_space<vmem_shared>>
      tpu.enqueue_dma source(%dma_start3A_16 : memref<640xf32, #tpu.memory_space<vmem_shared>>) target(%dma_start3A : memref<640xf32, #tpu.memory_space<hbm>>) target_semaphore(%run_scoped3A : memref<!tpu.dma_semaphore, #tpu.memory_space<semaphore_mem>>)
      %dma_wait3A = tpu.memref_slice %arg5[%add3A_15] : memref<20480xf32, #tpu.memory_space<hbm>> -> memref<640xf32, #tpu.memory_space<hbm>>
      %dma_wait3A_17 = tpu.memref_slice %arg8[%mul3A_10] : memref<10240xf32, #tpu.memory_space<vmem_shared>> -> memref<640xf32, #tpu.memory_space<vmem_shared>>
      tpu.wait_dma2 semaphore(%run_scoped3A : memref<!tpu.dma_semaphore, #tpu.memory_space<semaphore_mem>>) src(%dma_wait3A_17 : memref<640xf32, #tpu.memory_space<vmem_shared>>) dst(%dma_wait3A : memref<640xf32, #tpu.memory_space<hbm>>)
      tpu.yield
    }) : () -> ()
    return
  }
}

#map = affine_map<(d0, d1) -> (0, 0)>
#map1 = affine_map<(d0, d1) -> (0, 0, 0)>
module attributes {stable_mosaic.version = 14 : i64} {
  func.func @k(%arg0: i32, %arg1: i32, %arg2: memref<20000x16xf32, #tpu.memory_space<hbm>>, %arg3: memref<32x30x672xi32, #tpu.memory_space<hbm>>, %arg4: memref<16x30x672xi32, #tpu.memory_space<hbm>>, %arg5: memref<640x16xf32, #tpu.memory_space<hbm>>, %arg6: memref<2x10240x16xf32, #tpu.memory_space<hbm>>, %arg7: memref<10240x16xf32, #tpu.memory_space<vmem_shared>>, %arg8: memref<30x672xi32, #tpu.memory_space<vmem>>, %arg9: memref<30x672xi32, #tpu.memory_space<vmem>>, %arg10: memref<672x16xf32, #tpu.memory_space<vmem>>, %arg11: memref<672x16xf32, #tpu.memory_space<vmem>>, %arg12: memref<!tpu.dma_semaphore, #tpu.memory_space<semaphore_mem>>, %arg13: memref<!tpu.dma_semaphore, #tpu.memory_space<semaphore_mem>>, %arg14: memref<!tpu.dma_semaphore, #tpu.memory_space<semaphore_mem>>, %arg15: memref<!tpu.dma_semaphore, #tpu.memory_space<semaphore_mem>>) attributes {dimension_semantics = [#tpu.dimension_semantics<core_parallel>, #tpu.dimension_semantics<subcore_parallel>], iteration_bounds = array<i64: 2, 16>, scalar_prefetch = 0 : i64, scratch_operands = 9 : i64, tpu.core_type = #tpu.core_type<sc_vector_subcore>, window_params = [{transform_indices = #map}, {transform_indices = #map1}, {transform_indices = #map1}, {transform_indices = #map}, {transform_indices = #map1}]} {
    %mul3A = arith.constant 640 : i32
    %mul3A_0 = arith.muli %arg1, %mul3A : i32
    "tpu.region"() ({
      %run_scoped3A = tpu.sem_alloc : memref<!tpu.dma_semaphore, #tpu.memory_space<semaphore_mem>>
      %dma_start3A_19 = arith.constant 0 : i32
      %dma_start3A_20 = tpu.memref_slice %arg7[%mul3A_0, %dma_start3A_19] : memref<10240x16xf32, #tpu.memory_space<vmem_shared>> -> memref<640x16xf32, #tpu.memory_space<vmem_shared>>
      tpu.enqueue_dma source(%arg5 : memref<640x16xf32, #tpu.memory_space<hbm>>) target(%dma_start3A_20 : memref<640x16xf32, #tpu.memory_space<vmem_shared>>) target_semaphore(%run_scoped3A : memref<!tpu.dma_semaphore, #tpu.memory_space<semaphore_mem>>)
      %dma_wait3A = arith.constant 0 : i32
      %dma_wait3A_21 = tpu.memref_slice %arg7[%mul3A_0, %dma_wait3A] : memref<10240x16xf32, #tpu.memory_space<vmem_shared>> -> memref<640x16xf32, #tpu.memory_space<vmem_shared>>
      tpu.wait_dma2 semaphore(%run_scoped3A : memref<!tpu.dma_semaphore, #tpu.memory_space<semaphore_mem>>) src(%arg5 : memref<640x16xf32, #tpu.memory_space<hbm>>) dst(%dma_wait3A_21 : memref<640x16xf32, #tpu.memory_space<vmem_shared>>)
      tpu.yield
    }) : () -> ()
    %mul3A_1 = arith.constant 16 : i32
    %mul3A_2 = arith.muli %arg0, %mul3A_1 : i32
    %add3A = arith.addi %mul3A_2, %arg1 : i32
    "tpu.region"() ({
      %run_scoped3A = tpu.sem_alloc : memref<!tpu.dma_semaphore, #tpu.memory_space<semaphore_mem>>
      %dma_start3A_19 = arith.constant 0 : i32
      %dma_start3A_20 = arith.constant 0 : i32
      %dma_start3A_21 = tpu.memref_slice %arg3[%add3A, %dma_start3A_19, %dma_start3A_20] : memref<32x30x672xi32, #tpu.memory_space<hbm>> -> memref<1x30x672xi32, #tpu.memory_space<hbm>>
      %dma_start3A_22 = tpu.memref_squeeze %dma_start3A_21 : memref<1x30x672xi32, #tpu.memory_space<hbm>> -> memref<30x672xi32, #tpu.memory_space<hbm>>
      %dma_start3A_23 = arith.constant 0 : i32
      %dma_start3A_24 = arith.constant 0 : i32
      %dma_start3A_25 = tpu.memref_slice %arg3[%add3A, %dma_start3A_23, %dma_start3A_24] : memref<32x30x672xi32, #tpu.memory_space<hbm>> -> memref<1x30x672xi32, #tpu.memory_space<hbm>>
      %dma_start3A_26 = tpu.memref_squeeze %dma_start3A_25 : memref<1x30x672xi32, #tpu.memory_space<hbm>> -> memref<30x672xi32, #tpu.memory_space<hbm>>
      tpu.enqueue_dma source(%dma_start3A_26 : memref<30x672xi32, #tpu.memory_space<hbm>>) target(%arg8 : memref<30x672xi32, #tpu.memory_space<vmem>>) target_semaphore(%run_scoped3A : memref<!tpu.dma_semaphore, #tpu.memory_space<semaphore_mem>>)
      %dma_wait3A = arith.constant 0 : i32
      %dma_wait3A_27 = arith.constant 0 : i32
      %dma_wait3A_28 = tpu.memref_slice %arg3[%add3A, %dma_wait3A, %dma_wait3A_27] : memref<32x30x672xi32, #tpu.memory_space<hbm>> -> memref<1x30x672xi32, #tpu.memory_space<hbm>>
      %dma_wait3A_29 = tpu.memref_squeeze %dma_wait3A_28 : memref<1x30x672xi32, #tpu.memory_space<hbm>> -> memref<30x672xi32, #tpu.memory_space<hbm>>
      %dma_wait3A_30 = arith.constant 0 : i32
      %dma_wait3A_31 = arith.constant 0 : i32
      %dma_wait3A_32 = tpu.memref_slice %arg3[%add3A, %dma_wait3A_30, %dma_wait3A_31] : memref<32x30x672xi32, #tpu.memory_space<hbm>> -> memref<1x30x672xi32, #tpu.memory_space<hbm>>
      %dma_wait3A_33 = tpu.memref_squeeze %dma_wait3A_32 : memref<1x30x672xi32, #tpu.memory_space<hbm>> -> memref<30x672xi32, #tpu.memory_space<hbm>>
      tpu.wait_dma2 semaphore(%run_scoped3A : memref<!tpu.dma_semaphore, #tpu.memory_space<semaphore_mem>>) src(%dma_wait3A_33 : memref<30x672xi32, #tpu.memory_space<hbm>>) dst(%arg8 : memref<30x672xi32, #tpu.memory_space<vmem>>)
      tpu.yield
    }) : () -> ()
    "tpu.region"() ({
      %run_scoped3A = tpu.sem_alloc : memref<!tpu.dma_semaphore, #tpu.memory_space<semaphore_mem>>
      %dma_start3A_19 = arith.constant 0 : i32
      %dma_start3A_20 = arith.constant 0 : i32
      %dma_start3A_21 = tpu.memref_slice %arg4[%arg1, %dma_start3A_19, %dma_start3A_20] : memref<16x30x672xi32, #tpu.memory_space<hbm>> -> memref<1x30x672xi32, #tpu.memory_space<hbm>>
      %dma_start3A_22 = tpu.memref_squeeze %dma_start3A_21 : memref<1x30x672xi32, #tpu.memory_space<hbm>> -> memref<30x672xi32, #tpu.memory_space<hbm>>
      %dma_start3A_23 = arith.constant 0 : i32
      %dma_start3A_24 = arith.constant 0 : i32
      %dma_start3A_25 = tpu.memref_slice %arg4[%arg1, %dma_start3A_23, %dma_start3A_24] : memref<16x30x672xi32, #tpu.memory_space<hbm>> -> memref<1x30x672xi32, #tpu.memory_space<hbm>>
      %dma_start3A_26 = tpu.memref_squeeze %dma_start3A_25 : memref<1x30x672xi32, #tpu.memory_space<hbm>> -> memref<30x672xi32, #tpu.memory_space<hbm>>
      tpu.enqueue_dma source(%dma_start3A_26 : memref<30x672xi32, #tpu.memory_space<hbm>>) target(%arg9 : memref<30x672xi32, #tpu.memory_space<vmem>>) target_semaphore(%run_scoped3A : memref<!tpu.dma_semaphore, #tpu.memory_space<semaphore_mem>>)
      %dma_wait3A = arith.constant 0 : i32
      %dma_wait3A_27 = arith.constant 0 : i32
      %dma_wait3A_28 = tpu.memref_slice %arg4[%arg1, %dma_wait3A, %dma_wait3A_27] : memref<16x30x672xi32, #tpu.memory_space<hbm>> -> memref<1x30x672xi32, #tpu.memory_space<hbm>>
      %dma_wait3A_29 = tpu.memref_squeeze %dma_wait3A_28 : memref<1x30x672xi32, #tpu.memory_space<hbm>> -> memref<30x672xi32, #tpu.memory_space<hbm>>
      %dma_wait3A_30 = arith.constant 0 : i32
      %dma_wait3A_31 = arith.constant 0 : i32
      %dma_wait3A_32 = tpu.memref_slice %arg4[%arg1, %dma_wait3A_30, %dma_wait3A_31] : memref<16x30x672xi32, #tpu.memory_space<hbm>> -> memref<1x30x672xi32, #tpu.memory_space<hbm>>
      %dma_wait3A_33 = tpu.memref_squeeze %dma_wait3A_32 : memref<1x30x672xi32, #tpu.memory_space<hbm>> -> memref<30x672xi32, #tpu.memory_space<hbm>>
      tpu.wait_dma2 semaphore(%run_scoped3A : memref<!tpu.dma_semaphore, #tpu.memory_space<semaphore_mem>>) src(%dma_wait3A_33 : memref<30x672xi32, #tpu.memory_space<hbm>>) dst(%arg9 : memref<30x672xi32, #tpu.memory_space<vmem>>)
      tpu.yield
    }) : () -> ()
    %barrier3A = arith.constant 0 : index
    tpu.barrier barrier_id(%barrier3A)
    %dma_start3A = arith.constant 0 : i32
    %dma_start3A_3 = arith.constant 0 : i32
    %dma_start3A_4 = tpu.memref_slice %arg8[%dma_start3A, %dma_start3A_3] : memref<30x672xi32, #tpu.memory_space<vmem>> -> memref<1x672xi32, #tpu.memory_space<vmem>>
    %dma_start3A_5 = tpu.memref_squeeze %dma_start3A_4 : memref<1x672xi32, #tpu.memory_space<vmem>> -> memref<672xi32, #tpu.memory_space<vmem>>
    %dma_start3A_6 = arith.constant 0 : i32
    %dma_start3A_7 = arith.constant 0 : i32
    %dma_start3A_8 = tpu.memref_slice %arg2[%dma_start3A_6, %dma_start3A_7] : memref<20000x16xf32, #tpu.memory_space<hbm>> -> memref<20000x16xf32, #tpu.memory_space<hbm>>
    tpu.enqueue_indirect_dma source(%dma_start3A_8 : memref<20000x16xf32, #tpu.memory_space<hbm>>) target(%arg10 : memref<672x16xf32, #tpu.memory_space<vmem>>) offsets(%dma_start3A_5 : memref<672xi32, #tpu.memory_space<vmem>>) semaphore(%arg12 : memref<!tpu.dma_semaphore, #tpu.memory_space<semaphore_mem>>)
    %scan3A = arith.constant 0 : i32
    %scan3A_9 = arith.constant 0 : i32
    %scan3A_10 = arith.constant 15 : i32
    %scan3A_11 = arith.addi %scan3A_9, %scan3A_10 : i32
    %scan3A_12 = arith.constant 1 : i32
    scf.for %scan3A_19 = %scan3A_9 to %scan3A_11 step %scan3A_12  : i32 {
      %mul3A_20 = arith.constant 2 : i32
      %mul3A_21 = arith.muli %mul3A_20, %scan3A_19 : i32
      %add3A_22 = arith.constant 1 : i32
      %add3A_23 = arith.addi %mul3A_21, %add3A_22 : i32
      %dma_wait3A = arith.constant 0 : i32
      %dma_wait3A_24 = tpu.memref_slice %arg8[%mul3A_21, %dma_wait3A] : memref<30x672xi32, #tpu.memory_space<vmem>> -> memref<1x672xi32, #tpu.memory_space<vmem>>
      %dma_wait3A_25 = tpu.memref_squeeze %dma_wait3A_24 : memref<1x672xi32, #tpu.memory_space<vmem>> -> memref<672xi32, #tpu.memory_space<vmem>>
      %dma_wait3A_26 = arith.constant 0 : i32
      %dma_wait3A_27 = arith.constant 0 : i32
      %dma_wait3A_28 = tpu.memref_slice %arg2[%dma_wait3A_26, %dma_wait3A_27] : memref<20000x16xf32, #tpu.memory_space<hbm>> -> memref<20000x16xf32, #tpu.memory_space<hbm>>
      tpu.wait_indirect_dma semaphore(%arg12 : memref<!tpu.dma_semaphore, #tpu.memory_space<semaphore_mem>>) src(%dma_wait3A_28 : memref<20000x16xf32, #tpu.memory_space<hbm>>) dst(%arg10 : memref<672x16xf32, #tpu.memory_space<vmem>>)
      %dma_start3A_29 = arith.constant 0 : i32
      %dma_start3A_30 = tpu.memref_slice %arg8[%add3A_23, %dma_start3A_29] : memref<30x672xi32, #tpu.memory_space<vmem>> -> memref<1x672xi32, #tpu.memory_space<vmem>>
      %dma_start3A_31 = tpu.memref_squeeze %dma_start3A_30 : memref<1x672xi32, #tpu.memory_space<vmem>> -> memref<672xi32, #tpu.memory_space<vmem>>
      %dma_start3A_32 = arith.constant 0 : i32
      %dma_start3A_33 = arith.constant 0 : i32
      %dma_start3A_34 = tpu.memref_slice %arg2[%dma_start3A_32, %dma_start3A_33] : memref<20000x16xf32, #tpu.memory_space<hbm>> -> memref<20000x16xf32, #tpu.memory_space<hbm>>
      tpu.enqueue_indirect_dma source(%dma_start3A_34 : memref<20000x16xf32, #tpu.memory_space<hbm>>) target(%arg11 : memref<672x16xf32, #tpu.memory_space<vmem>>) offsets(%dma_start3A_31 : memref<672xi32, #tpu.memory_space<vmem>>) semaphore(%arg13 : memref<!tpu.dma_semaphore, #tpu.memory_space<semaphore_mem>>)
      %dma_start3A_35 = arith.constant 0 : i32
      %dma_start3A_36 = tpu.memref_slice %arg9[%mul3A_21, %dma_start3A_35] : memref<30x672xi32, #tpu.memory_space<vmem>> -> memref<1x672xi32, #tpu.memory_space<vmem>>
      %dma_start3A_37 = tpu.memref_squeeze %dma_start3A_36 : memref<1x672xi32, #tpu.memory_space<vmem>> -> memref<672xi32, #tpu.memory_space<vmem>>
      %dma_start3A_38 = arith.constant 0 : i32
      %dma_start3A_39 = arith.constant 0 : i32
      %dma_start3A_40 = tpu.memref_slice %arg7[%dma_start3A_38, %dma_start3A_39] : memref<10240x16xf32, #tpu.memory_space<vmem_shared>> -> memref<10240x16xf32, #tpu.memory_space<vmem_shared>>
      tpu.enqueue_indirect_dma source(%arg10 : memref<672x16xf32, #tpu.memory_space<vmem>>) target(%dma_start3A_40 : memref<10240x16xf32, #tpu.memory_space<vmem_shared>>) offsets(%dma_start3A_37 : memref<672xi32, #tpu.memory_space<vmem>>) semaphore(%arg14 : memref<!tpu.dma_semaphore, #tpu.memory_space<semaphore_mem>>) {add = true}
      %dma_wait3A_41 = arith.constant 0 : i32
      %dma_wait3A_42 = tpu.memref_slice %arg9[%mul3A_21, %dma_wait3A_41] : memref<30x672xi32, #tpu.memory_space<vmem>> -> memref<1x672xi32, #tpu.memory_space<vmem>>
      %dma_wait3A_43 = tpu.memref_squeeze %dma_wait3A_42 : memref<1x672xi32, #tpu.memory_space<vmem>> -> memref<672xi32, #tpu.memory_space<vmem>>
      %dma_wait3A_44 = arith.constant 0 : i32
      %dma_wait3A_45 = arith.constant 0 : i32
      %dma_wait3A_46 = tpu.memref_slice %arg7[%dma_wait3A_44, %dma_wait3A_45] : memref<10240x16xf32, #tpu.memory_space<vmem_shared>> -> memref<10240x16xf32, #tpu.memory_space<vmem_shared>>
      tpu.wait_indirect_dma semaphore(%arg14 : memref<!tpu.dma_semaphore, #tpu.memory_space<semaphore_mem>>) src(%arg10 : memref<672x16xf32, #tpu.memory_space<vmem>>) dst(%dma_wait3A_46 : memref<10240x16xf32, #tpu.memory_space<vmem_shared>>)
      %ne3A = arith.constant 14 : i32
      %ne3A_47 = arith.cmpi ne, %scan3A_19, %ne3A : i32
      %convert_element_type3A = arith.extui %ne3A_47 : i1 to i32
      %cond3A = arith.constant 0 : i32
      %cond3A_48 = arith.cmpi ne, %convert_element_type3A, %cond3A : i32
      scf.if %cond3A_48 {
        %add3A_67 = arith.constant 2 : i32
        %add3A_68 = arith.addi %mul3A_21, %add3A_67 : i32
        %dma_start3A_69 = arith.constant 0 : i32
        %dma_start3A_70 = tpu.memref_slice %arg8[%add3A_68, %dma_start3A_69] : memref<30x672xi32, #tpu.memory_space<vmem>> -> memref<1x672xi32, #tpu.memory_space<vmem>>
        %dma_start3A_71 = tpu.memref_squeeze %dma_start3A_70 : memref<1x672xi32, #tpu.memory_space<vmem>> -> memref<672xi32, #tpu.memory_space<vmem>>
        %dma_start3A_72 = arith.constant 0 : i32
        %dma_start3A_73 = arith.constant 0 : i32
        %dma_start3A_74 = tpu.memref_slice %arg2[%dma_start3A_72, %dma_start3A_73] : memref<20000x16xf32, #tpu.memory_space<hbm>> -> memref<20000x16xf32, #tpu.memory_space<hbm>>
        tpu.enqueue_indirect_dma source(%dma_start3A_74 : memref<20000x16xf32, #tpu.memory_space<hbm>>) target(%arg10 : memref<672x16xf32, #tpu.memory_space<vmem>>) offsets(%dma_start3A_71 : memref<672xi32, #tpu.memory_space<vmem>>) semaphore(%arg12 : memref<!tpu.dma_semaphore, #tpu.memory_space<semaphore_mem>>)
      } else {
      }
      %dma_wait3A_49 = arith.constant 0 : i32
      %dma_wait3A_50 = tpu.memref_slice %arg8[%add3A_23, %dma_wait3A_49] : memref<30x672xi32, #tpu.memory_space<vmem>> -> memref<1x672xi32, #tpu.memory_space<vmem>>
      %dma_wait3A_51 = tpu.memref_squeeze %dma_wait3A_50 : memref<1x672xi32, #tpu.memory_space<vmem>> -> memref<672xi32, #tpu.memory_space<vmem>>
      %dma_wait3A_52 = arith.constant 0 : i32
      %dma_wait3A_53 = arith.constant 0 : i32
      %dma_wait3A_54 = tpu.memref_slice %arg2[%dma_wait3A_52, %dma_wait3A_53] : memref<20000x16xf32, #tpu.memory_space<hbm>> -> memref<20000x16xf32, #tpu.memory_space<hbm>>
      tpu.wait_indirect_dma semaphore(%arg13 : memref<!tpu.dma_semaphore, #tpu.memory_space<semaphore_mem>>) src(%dma_wait3A_54 : memref<20000x16xf32, #tpu.memory_space<hbm>>) dst(%arg11 : memref<672x16xf32, #tpu.memory_space<vmem>>)
      %dma_start3A_55 = arith.constant 0 : i32
      %dma_start3A_56 = tpu.memref_slice %arg9[%add3A_23, %dma_start3A_55] : memref<30x672xi32, #tpu.memory_space<vmem>> -> memref<1x672xi32, #tpu.memory_space<vmem>>
      %dma_start3A_57 = tpu.memref_squeeze %dma_start3A_56 : memref<1x672xi32, #tpu.memory_space<vmem>> -> memref<672xi32, #tpu.memory_space<vmem>>
      %dma_start3A_58 = arith.constant 0 : i32
      %dma_start3A_59 = arith.constant 0 : i32
      %dma_start3A_60 = tpu.memref_slice %arg7[%dma_start3A_58, %dma_start3A_59] : memref<10240x16xf32, #tpu.memory_space<vmem_shared>> -> memref<10240x16xf32, #tpu.memory_space<vmem_shared>>
      tpu.enqueue_indirect_dma source(%arg11 : memref<672x16xf32, #tpu.memory_space<vmem>>) target(%dma_start3A_60 : memref<10240x16xf32, #tpu.memory_space<vmem_shared>>) offsets(%dma_start3A_57 : memref<672xi32, #tpu.memory_space<vmem>>) semaphore(%arg15 : memref<!tpu.dma_semaphore, #tpu.memory_space<semaphore_mem>>) {add = true}
      %dma_wait3A_61 = arith.constant 0 : i32
      %dma_wait3A_62 = tpu.memref_slice %arg9[%add3A_23, %dma_wait3A_61] : memref<30x672xi32, #tpu.memory_space<vmem>> -> memref<1x672xi32, #tpu.memory_space<vmem>>
      %dma_wait3A_63 = tpu.memref_squeeze %dma_wait3A_62 : memref<1x672xi32, #tpu.memory_space<vmem>> -> memref<672xi32, #tpu.memory_space<vmem>>
      %dma_wait3A_64 = arith.constant 0 : i32
      %dma_wait3A_65 = arith.constant 0 : i32
      %dma_wait3A_66 = tpu.memref_slice %arg7[%dma_wait3A_64, %dma_wait3A_65] : memref<10240x16xf32, #tpu.memory_space<vmem_shared>> -> memref<10240x16xf32, #tpu.memory_space<vmem_shared>>
      tpu.wait_indirect_dma semaphore(%arg15 : memref<!tpu.dma_semaphore, #tpu.memory_space<semaphore_mem>>) src(%arg11 : memref<672x16xf32, #tpu.memory_space<vmem>>) dst(%dma_wait3A_66 : memref<10240x16xf32, #tpu.memory_space<vmem_shared>>)
    }
    %scan3A_13 = arith.constant 15 : i32
    %barrier3A_14 = arith.constant 0 : index
    tpu.barrier barrier_id(%barrier3A_14)
    %mul3A_15 = arith.constant 640 : i32
    %mul3A_16 = arith.muli %arg1, %mul3A_15 : i32
    %mul3A_17 = arith.constant 640 : i32
    %mul3A_18 = arith.muli %arg1, %mul3A_17 : i32
    "tpu.region"() ({
      %run_scoped3A = tpu.sem_alloc : memref<!tpu.dma_semaphore, #tpu.memory_space<semaphore_mem>>
      %dma_start3A_19 = arith.constant 0 : i32
      %dma_start3A_20 = tpu.memref_slice %arg6[%arg0, %mul3A_18, %dma_start3A_19] : memref<2x10240x16xf32, #tpu.memory_space<hbm>> -> memref<1x640x16xf32, #tpu.memory_space<hbm>>
      %dma_start3A_21 = tpu.memref_squeeze %dma_start3A_20 : memref<1x640x16xf32, #tpu.memory_space<hbm>> -> memref<640x16xf32, #tpu.memory_space<hbm>>
      %dma_start3A_22 = arith.constant 0 : i32
      %dma_start3A_23 = tpu.memref_slice %arg7[%mul3A_16, %dma_start3A_22] : memref<10240x16xf32, #tpu.memory_space<vmem_shared>> -> memref<640x16xf32, #tpu.memory_space<vmem_shared>>
      tpu.enqueue_dma source(%dma_start3A_23 : memref<640x16xf32, #tpu.memory_space<vmem_shared>>) target(%dma_start3A_21 : memref<640x16xf32, #tpu.memory_space<hbm>>) target_semaphore(%run_scoped3A : memref<!tpu.dma_semaphore, #tpu.memory_space<semaphore_mem>>)
      %dma_wait3A = arith.constant 0 : i32
      %dma_wait3A_24 = tpu.memref_slice %arg6[%arg0, %mul3A_18, %dma_wait3A] : memref<2x10240x16xf32, #tpu.memory_space<hbm>> -> memref<1x640x16xf32, #tpu.memory_space<hbm>>
      %dma_wait3A_25 = tpu.memref_squeeze %dma_wait3A_24 : memref<1x640x16xf32, #tpu.memory_space<hbm>> -> memref<640x16xf32, #tpu.memory_space<hbm>>
      %dma_wait3A_26 = arith.constant 0 : i32
      %dma_wait3A_27 = tpu.memref_slice %arg7[%mul3A_16, %dma_wait3A_26] : memref<10240x16xf32, #tpu.memory_space<vmem_shared>> -> memref<640x16xf32, #tpu.memory_space<vmem_shared>>
      tpu.wait_dma2 semaphore(%run_scoped3A : memref<!tpu.dma_semaphore, #tpu.memory_space<semaphore_mem>>) src(%dma_wait3A_27 : memref<640x16xf32, #tpu.memory_space<vmem_shared>>) dst(%dma_wait3A_25 : memref<640x16xf32, #tpu.memory_space<hbm>>)
      tpu.yield
    }) : () -> ()
    return
  }
}

#map = affine_map<(d0, d1) -> (0, 0)>
#map1 = affine_map<(d0, d1) -> (0, 0, 0)>
module attributes {stable_mosaic.version = 14 : i64} {
  func.func @k(%arg0: i32, %arg1: i32, %arg2: memref<10000x16xf32, #tpu.memory_space<hbm>>, %arg3: memref<32x10x1008xi32, #tpu.memory_space<hbm>>, %arg4: memref<32x10x1008xi32, #tpu.memory_space<hbm>>, %arg5: memref<640x16xf32, #tpu.memory_space<hbm>>, %arg6: memref<2x10240x16xf32, #tpu.memory_space<hbm>>, %arg7: memref<10240x16xf32, #tpu.memory_space<vmem_shared>>, %arg8: memref<10x1008xi32, #tpu.memory_space<vmem>>, %arg9: memref<10x1008xi32, #tpu.memory_space<vmem>>, %arg10: memref<1008x16xf32, #tpu.memory_space<vmem>>, %arg11: memref<1008x16xf32, #tpu.memory_space<vmem>>, %arg12: memref<!tpu.dma_semaphore, #tpu.memory_space<semaphore_mem>>, %arg13: memref<!tpu.dma_semaphore, #tpu.memory_space<semaphore_mem>>, %arg14: memref<!tpu.dma_semaphore, #tpu.memory_space<semaphore_mem>>, %arg15: memref<!tpu.dma_semaphore, #tpu.memory_space<semaphore_mem>>) attributes {dimension_semantics = [#tpu.dimension_semantics<core_parallel>, #tpu.dimension_semantics<subcore_parallel>], iteration_bounds = array<i64: 2, 16>, scalar_prefetch = 0 : i64, scratch_operands = 9 : i64, tpu.core_type = #tpu.core_type<sc_vector_subcore>, window_params = [{transform_indices = #map}, {transform_indices = #map1}, {transform_indices = #map1}, {transform_indices = #map}, {transform_indices = #map1}]} {
    %mul3A = arith.constant 16 : i32
    %mul3A_0 = arith.muli %arg0, %mul3A : i32
    %add3A = arith.addi %mul3A_0, %arg1 : i32
    %mul3A_1 = arith.constant 640 : i32
    %mul3A_2 = arith.muli %arg1, %mul3A_1 : i32
    "tpu.region"() ({
      %run_scoped3A = tpu.sem_alloc : memref<!tpu.dma_semaphore, #tpu.memory_space<semaphore_mem>>
      %dma_start3A_19 = arith.constant 0 : i32
      %dma_start3A_20 = tpu.memref_slice %arg7[%mul3A_2, %dma_start3A_19] : memref<10240x16xf32, #tpu.memory_space<vmem_shared>> -> memref<640x16xf32, #tpu.memory_space<vmem_shared>>
      tpu.enqueue_dma source(%arg5 : memref<640x16xf32, #tpu.memory_space<hbm>>) target(%dma_start3A_20 : memref<640x16xf32, #tpu.memory_space<vmem_shared>>) target_semaphore(%run_scoped3A : memref<!tpu.dma_semaphore, #tpu.memory_space<semaphore_mem>>)
      %dma_wait3A = arith.constant 0 : i32
      %dma_wait3A_21 = tpu.memref_slice %arg7[%mul3A_2, %dma_wait3A] : memref<10240x16xf32, #tpu.memory_space<vmem_shared>> -> memref<640x16xf32, #tpu.memory_space<vmem_shared>>
      tpu.wait_dma2 semaphore(%run_scoped3A : memref<!tpu.dma_semaphore, #tpu.memory_space<semaphore_mem>>) src(%arg5 : memref<640x16xf32, #tpu.memory_space<hbm>>) dst(%dma_wait3A_21 : memref<640x16xf32, #tpu.memory_space<vmem_shared>>)
      tpu.yield
    }) : () -> ()
    "tpu.region"() ({
      %run_scoped3A = tpu.sem_alloc : memref<!tpu.dma_semaphore, #tpu.memory_space<semaphore_mem>>
      %dma_start3A_19 = arith.constant 0 : i32
      %dma_start3A_20 = arith.constant 0 : i32
      %dma_start3A_21 = tpu.memref_slice %arg3[%add3A, %dma_start3A_19, %dma_start3A_20] : memref<32x10x1008xi32, #tpu.memory_space<hbm>> -> memref<1x10x1008xi32, #tpu.memory_space<hbm>>
      %dma_start3A_22 = tpu.memref_squeeze %dma_start3A_21 : memref<1x10x1008xi32, #tpu.memory_space<hbm>> -> memref<10x1008xi32, #tpu.memory_space<hbm>>
      %dma_start3A_23 = arith.constant 0 : i32
      %dma_start3A_24 = arith.constant 0 : i32
      %dma_start3A_25 = tpu.memref_slice %arg3[%add3A, %dma_start3A_23, %dma_start3A_24] : memref<32x10x1008xi32, #tpu.memory_space<hbm>> -> memref<1x10x1008xi32, #tpu.memory_space<hbm>>
      %dma_start3A_26 = tpu.memref_squeeze %dma_start3A_25 : memref<1x10x1008xi32, #tpu.memory_space<hbm>> -> memref<10x1008xi32, #tpu.memory_space<hbm>>
      tpu.enqueue_dma source(%dma_start3A_26 : memref<10x1008xi32, #tpu.memory_space<hbm>>) target(%arg8 : memref<10x1008xi32, #tpu.memory_space<vmem>>) target_semaphore(%run_scoped3A : memref<!tpu.dma_semaphore, #tpu.memory_space<semaphore_mem>>)
      %dma_wait3A = arith.constant 0 : i32
      %dma_wait3A_27 = arith.constant 0 : i32
      %dma_wait3A_28 = tpu.memref_slice %arg3[%add3A, %dma_wait3A, %dma_wait3A_27] : memref<32x10x1008xi32, #tpu.memory_space<hbm>> -> memref<1x10x1008xi32, #tpu.memory_space<hbm>>
      %dma_wait3A_29 = tpu.memref_squeeze %dma_wait3A_28 : memref<1x10x1008xi32, #tpu.memory_space<hbm>> -> memref<10x1008xi32, #tpu.memory_space<hbm>>
      %dma_wait3A_30 = arith.constant 0 : i32
      %dma_wait3A_31 = arith.constant 0 : i32
      %dma_wait3A_32 = tpu.memref_slice %arg3[%add3A, %dma_wait3A_30, %dma_wait3A_31] : memref<32x10x1008xi32, #tpu.memory_space<hbm>> -> memref<1x10x1008xi32, #tpu.memory_space<hbm>>
      %dma_wait3A_33 = tpu.memref_squeeze %dma_wait3A_32 : memref<1x10x1008xi32, #tpu.memory_space<hbm>> -> memref<10x1008xi32, #tpu.memory_space<hbm>>
      tpu.wait_dma2 semaphore(%run_scoped3A : memref<!tpu.dma_semaphore, #tpu.memory_space<semaphore_mem>>) src(%dma_wait3A_33 : memref<10x1008xi32, #tpu.memory_space<hbm>>) dst(%arg8 : memref<10x1008xi32, #tpu.memory_space<vmem>>)
      tpu.yield
    }) : () -> ()
    "tpu.region"() ({
      %run_scoped3A = tpu.sem_alloc : memref<!tpu.dma_semaphore, #tpu.memory_space<semaphore_mem>>
      %dma_start3A_19 = arith.constant 0 : i32
      %dma_start3A_20 = arith.constant 0 : i32
      %dma_start3A_21 = tpu.memref_slice %arg4[%add3A, %dma_start3A_19, %dma_start3A_20] : memref<32x10x1008xi32, #tpu.memory_space<hbm>> -> memref<1x10x1008xi32, #tpu.memory_space<hbm>>
      %dma_start3A_22 = tpu.memref_squeeze %dma_start3A_21 : memref<1x10x1008xi32, #tpu.memory_space<hbm>> -> memref<10x1008xi32, #tpu.memory_space<hbm>>
      %dma_start3A_23 = arith.constant 0 : i32
      %dma_start3A_24 = arith.constant 0 : i32
      %dma_start3A_25 = tpu.memref_slice %arg4[%add3A, %dma_start3A_23, %dma_start3A_24] : memref<32x10x1008xi32, #tpu.memory_space<hbm>> -> memref<1x10x1008xi32, #tpu.memory_space<hbm>>
      %dma_start3A_26 = tpu.memref_squeeze %dma_start3A_25 : memref<1x10x1008xi32, #tpu.memory_space<hbm>> -> memref<10x1008xi32, #tpu.memory_space<hbm>>
      tpu.enqueue_dma source(%dma_start3A_26 : memref<10x1008xi32, #tpu.memory_space<hbm>>) target(%arg9 : memref<10x1008xi32, #tpu.memory_space<vmem>>) target_semaphore(%run_scoped3A : memref<!tpu.dma_semaphore, #tpu.memory_space<semaphore_mem>>)
      %dma_wait3A = arith.constant 0 : i32
      %dma_wait3A_27 = arith.constant 0 : i32
      %dma_wait3A_28 = tpu.memref_slice %arg4[%add3A, %dma_wait3A, %dma_wait3A_27] : memref<32x10x1008xi32, #tpu.memory_space<hbm>> -> memref<1x10x1008xi32, #tpu.memory_space<hbm>>
      %dma_wait3A_29 = tpu.memref_squeeze %dma_wait3A_28 : memref<1x10x1008xi32, #tpu.memory_space<hbm>> -> memref<10x1008xi32, #tpu.memory_space<hbm>>
      %dma_wait3A_30 = arith.constant 0 : i32
      %dma_wait3A_31 = arith.constant 0 : i32
      %dma_wait3A_32 = tpu.memref_slice %arg4[%add3A, %dma_wait3A_30, %dma_wait3A_31] : memref<32x10x1008xi32, #tpu.memory_space<hbm>> -> memref<1x10x1008xi32, #tpu.memory_space<hbm>>
      %dma_wait3A_33 = tpu.memref_squeeze %dma_wait3A_32 : memref<1x10x1008xi32, #tpu.memory_space<hbm>> -> memref<10x1008xi32, #tpu.memory_space<hbm>>
      tpu.wait_dma2 semaphore(%run_scoped3A : memref<!tpu.dma_semaphore, #tpu.memory_space<semaphore_mem>>) src(%dma_wait3A_33 : memref<10x1008xi32, #tpu.memory_space<hbm>>) dst(%arg9 : memref<10x1008xi32, #tpu.memory_space<vmem>>)
      tpu.yield
    }) : () -> ()
    %barrier3A = arith.constant 0 : index
    tpu.barrier barrier_id(%barrier3A)
    %dma_start3A = arith.constant 0 : i32
    %dma_start3A_3 = arith.constant 0 : i32
    %dma_start3A_4 = tpu.memref_slice %arg8[%dma_start3A, %dma_start3A_3] : memref<10x1008xi32, #tpu.memory_space<vmem>> -> memref<1x1008xi32, #tpu.memory_space<vmem>>
    %dma_start3A_5 = tpu.memref_squeeze %dma_start3A_4 : memref<1x1008xi32, #tpu.memory_space<vmem>> -> memref<1008xi32, #tpu.memory_space<vmem>>
    %dma_start3A_6 = arith.constant 0 : i32
    %dma_start3A_7 = arith.constant 0 : i32
    %dma_start3A_8 = tpu.memref_slice %arg2[%dma_start3A_6, %dma_start3A_7] : memref<10000x16xf32, #tpu.memory_space<hbm>> -> memref<10000x16xf32, #tpu.memory_space<hbm>>
    tpu.enqueue_indirect_dma source(%dma_start3A_8 : memref<10000x16xf32, #tpu.memory_space<hbm>>) target(%arg10 : memref<1008x16xf32, #tpu.memory_space<vmem>>) offsets(%dma_start3A_5 : memref<1008xi32, #tpu.memory_space<vmem>>) semaphore(%arg12 : memref<!tpu.dma_semaphore, #tpu.memory_space<semaphore_mem>>)
    %scan3A = arith.constant 0 : i32
    %scan3A_9 = arith.constant 0 : i32
    %scan3A_10 = arith.constant 5 : i32
    %scan3A_11 = arith.addi %scan3A_9, %scan3A_10 : i32
    %scan3A_12 = arith.constant 1 : i32
    scf.for %scan3A_19 = %scan3A_9 to %scan3A_11 step %scan3A_12  : i32 {
      %mul3A_20 = arith.constant 2 : i32
      %mul3A_21 = arith.muli %mul3A_20, %scan3A_19 : i32
      %add3A_22 = arith.constant 1 : i32
      %add3A_23 = arith.addi %mul3A_21, %add3A_22 : i32
      %dma_wait3A = arith.constant 0 : i32
      %dma_wait3A_24 = tpu.memref_slice %arg8[%mul3A_21, %dma_wait3A] : memref<10x1008xi32, #tpu.memory_space<vmem>> -> memref<1x1008xi32, #tpu.memory_space<vmem>>
      %dma_wait3A_25 = tpu.memref_squeeze %dma_wait3A_24 : memref<1x1008xi32, #tpu.memory_space<vmem>> -> memref<1008xi32, #tpu.memory_space<vmem>>
      %dma_wait3A_26 = arith.constant 0 : i32
      %dma_wait3A_27 = arith.constant 0 : i32
      %dma_wait3A_28 = tpu.memref_slice %arg2[%dma_wait3A_26, %dma_wait3A_27] : memref<10000x16xf32, #tpu.memory_space<hbm>> -> memref<10000x16xf32, #tpu.memory_space<hbm>>
      tpu.wait_indirect_dma semaphore(%arg12 : memref<!tpu.dma_semaphore, #tpu.memory_space<semaphore_mem>>) src(%dma_wait3A_28 : memref<10000x16xf32, #tpu.memory_space<hbm>>) dst(%arg10 : memref<1008x16xf32, #tpu.memory_space<vmem>>)
      %dma_start3A_29 = arith.constant 0 : i32
      %dma_start3A_30 = tpu.memref_slice %arg8[%add3A_23, %dma_start3A_29] : memref<10x1008xi32, #tpu.memory_space<vmem>> -> memref<1x1008xi32, #tpu.memory_space<vmem>>
      %dma_start3A_31 = tpu.memref_squeeze %dma_start3A_30 : memref<1x1008xi32, #tpu.memory_space<vmem>> -> memref<1008xi32, #tpu.memory_space<vmem>>
      %dma_start3A_32 = arith.constant 0 : i32
      %dma_start3A_33 = arith.constant 0 : i32
      %dma_start3A_34 = tpu.memref_slice %arg2[%dma_start3A_32, %dma_start3A_33] : memref<10000x16xf32, #tpu.memory_space<hbm>> -> memref<10000x16xf32, #tpu.memory_space<hbm>>
      tpu.enqueue_indirect_dma source(%dma_start3A_34 : memref<10000x16xf32, #tpu.memory_space<hbm>>) target(%arg11 : memref<1008x16xf32, #tpu.memory_space<vmem>>) offsets(%dma_start3A_31 : memref<1008xi32, #tpu.memory_space<vmem>>) semaphore(%arg13 : memref<!tpu.dma_semaphore, #tpu.memory_space<semaphore_mem>>)
      %dma_start3A_35 = arith.constant 0 : i32
      %dma_start3A_36 = tpu.memref_slice %arg9[%mul3A_21, %dma_start3A_35] : memref<10x1008xi32, #tpu.memory_space<vmem>> -> memref<1x1008xi32, #tpu.memory_space<vmem>>
      %dma_start3A_37 = tpu.memref_squeeze %dma_start3A_36 : memref<1x1008xi32, #tpu.memory_space<vmem>> -> memref<1008xi32, #tpu.memory_space<vmem>>
      %dma_start3A_38 = arith.constant 0 : i32
      %dma_start3A_39 = arith.constant 0 : i32
      %dma_start3A_40 = tpu.memref_slice %arg7[%dma_start3A_38, %dma_start3A_39] : memref<10240x16xf32, #tpu.memory_space<vmem_shared>> -> memref<10240x16xf32, #tpu.memory_space<vmem_shared>>
      tpu.enqueue_indirect_dma source(%arg10 : memref<1008x16xf32, #tpu.memory_space<vmem>>) target(%dma_start3A_40 : memref<10240x16xf32, #tpu.memory_space<vmem_shared>>) offsets(%dma_start3A_37 : memref<1008xi32, #tpu.memory_space<vmem>>) semaphore(%arg14 : memref<!tpu.dma_semaphore, #tpu.memory_space<semaphore_mem>>) {add = true}
      %dma_wait3A_41 = arith.constant 0 : i32
      %dma_wait3A_42 = tpu.memref_slice %arg9[%mul3A_21, %dma_wait3A_41] : memref<10x1008xi32, #tpu.memory_space<vmem>> -> memref<1x1008xi32, #tpu.memory_space<vmem>>
      %dma_wait3A_43 = tpu.memref_squeeze %dma_wait3A_42 : memref<1x1008xi32, #tpu.memory_space<vmem>> -> memref<1008xi32, #tpu.memory_space<vmem>>
      %dma_wait3A_44 = arith.constant 0 : i32
      %dma_wait3A_45 = arith.constant 0 : i32
      %dma_wait3A_46 = tpu.memref_slice %arg7[%dma_wait3A_44, %dma_wait3A_45] : memref<10240x16xf32, #tpu.memory_space<vmem_shared>> -> memref<10240x16xf32, #tpu.memory_space<vmem_shared>>
      tpu.wait_indirect_dma semaphore(%arg14 : memref<!tpu.dma_semaphore, #tpu.memory_space<semaphore_mem>>) src(%arg10 : memref<1008x16xf32, #tpu.memory_space<vmem>>) dst(%dma_wait3A_46 : memref<10240x16xf32, #tpu.memory_space<vmem_shared>>)
      %ne3A = arith.constant 4 : i32
      %ne3A_47 = arith.cmpi ne, %scan3A_19, %ne3A : i32
      %convert_element_type3A = arith.extui %ne3A_47 : i1 to i32
      %cond3A = arith.constant 0 : i32
      %cond3A_48 = arith.cmpi ne, %convert_element_type3A, %cond3A : i32
      scf.if %cond3A_48 {
        %add3A_67 = arith.constant 2 : i32
        %add3A_68 = arith.addi %mul3A_21, %add3A_67 : i32
        %dma_start3A_69 = arith.constant 0 : i32
        %dma_start3A_70 = tpu.memref_slice %arg8[%add3A_68, %dma_start3A_69] : memref<10x1008xi32, #tpu.memory_space<vmem>> -> memref<1x1008xi32, #tpu.memory_space<vmem>>
        %dma_start3A_71 = tpu.memref_squeeze %dma_start3A_70 : memref<1x1008xi32, #tpu.memory_space<vmem>> -> memref<1008xi32, #tpu.memory_space<vmem>>
        %dma_start3A_72 = arith.constant 0 : i32
        %dma_start3A_73 = arith.constant 0 : i32
        %dma_start3A_74 = tpu.memref_slice %arg2[%dma_start3A_72, %dma_start3A_73] : memref<10000x16xf32, #tpu.memory_space<hbm>> -> memref<10000x16xf32, #tpu.memory_space<hbm>>
        tpu.enqueue_indirect_dma source(%dma_start3A_74 : memref<10000x16xf32, #tpu.memory_space<hbm>>) target(%arg10 : memref<1008x16xf32, #tpu.memory_space<vmem>>) offsets(%dma_start3A_71 : memref<1008xi32, #tpu.memory_space<vmem>>) semaphore(%arg12 : memref<!tpu.dma_semaphore, #tpu.memory_space<semaphore_mem>>)
      } else {
      }
      %dma_wait3A_49 = arith.constant 0 : i32
      %dma_wait3A_50 = tpu.memref_slice %arg8[%add3A_23, %dma_wait3A_49] : memref<10x1008xi32, #tpu.memory_space<vmem>> -> memref<1x1008xi32, #tpu.memory_space<vmem>>
      %dma_wait3A_51 = tpu.memref_squeeze %dma_wait3A_50 : memref<1x1008xi32, #tpu.memory_space<vmem>> -> memref<1008xi32, #tpu.memory_space<vmem>>
      %dma_wait3A_52 = arith.constant 0 : i32
      %dma_wait3A_53 = arith.constant 0 : i32
      %dma_wait3A_54 = tpu.memref_slice %arg2[%dma_wait3A_52, %dma_wait3A_53] : memref<10000x16xf32, #tpu.memory_space<hbm>> -> memref<10000x16xf32, #tpu.memory_space<hbm>>
      tpu.wait_indirect_dma semaphore(%arg13 : memref<!tpu.dma_semaphore, #tpu.memory_space<semaphore_mem>>) src(%dma_wait3A_54 : memref<10000x16xf32, #tpu.memory_space<hbm>>) dst(%arg11 : memref<1008x16xf32, #tpu.memory_space<vmem>>)
      %dma_start3A_55 = arith.constant 0 : i32
      %dma_start3A_56 = tpu.memref_slice %arg9[%add3A_23, %dma_start3A_55] : memref<10x1008xi32, #tpu.memory_space<vmem>> -> memref<1x1008xi32, #tpu.memory_space<vmem>>
      %dma_start3A_57 = tpu.memref_squeeze %dma_start3A_56 : memref<1x1008xi32, #tpu.memory_space<vmem>> -> memref<1008xi32, #tpu.memory_space<vmem>>
      %dma_start3A_58 = arith.constant 0 : i32
      %dma_start3A_59 = arith.constant 0 : i32
      %dma_start3A_60 = tpu.memref_slice %arg7[%dma_start3A_58, %dma_start3A_59] : memref<10240x16xf32, #tpu.memory_space<vmem_shared>> -> memref<10240x16xf32, #tpu.memory_space<vmem_shared>>
      tpu.enqueue_indirect_dma source(%arg11 : memref<1008x16xf32, #tpu.memory_space<vmem>>) target(%dma_start3A_60 : memref<10240x16xf32, #tpu.memory_space<vmem_shared>>) offsets(%dma_start3A_57 : memref<1008xi32, #tpu.memory_space<vmem>>) semaphore(%arg15 : memref<!tpu.dma_semaphore, #tpu.memory_space<semaphore_mem>>) {add = true}
      %dma_wait3A_61 = arith.constant 0 : i32
      %dma_wait3A_62 = tpu.memref_slice %arg9[%add3A_23, %dma_wait3A_61] : memref<10x1008xi32, #tpu.memory_space<vmem>> -> memref<1x1008xi32, #tpu.memory_space<vmem>>
      %dma_wait3A_63 = tpu.memref_squeeze %dma_wait3A_62 : memref<1x1008xi32, #tpu.memory_space<vmem>> -> memref<1008xi32, #tpu.memory_space<vmem>>
      %dma_wait3A_64 = arith.constant 0 : i32
      %dma_wait3A_65 = arith.constant 0 : i32
      %dma_wait3A_66 = tpu.memref_slice %arg7[%dma_wait3A_64, %dma_wait3A_65] : memref<10240x16xf32, #tpu.memory_space<vmem_shared>> -> memref<10240x16xf32, #tpu.memory_space<vmem_shared>>
      tpu.wait_indirect_dma semaphore(%arg15 : memref<!tpu.dma_semaphore, #tpu.memory_space<semaphore_mem>>) src(%arg11 : memref<1008x16xf32, #tpu.memory_space<vmem>>) dst(%dma_wait3A_66 : memref<10240x16xf32, #tpu.memory_space<vmem_shared>>)
    }
    %scan3A_13 = arith.constant 5 : i32
    %barrier3A_14 = arith.constant 0 : index
    tpu.barrier barrier_id(%barrier3A_14)
    %mul3A_15 = arith.constant 640 : i32
    %mul3A_16 = arith.muli %arg1, %mul3A_15 : i32
    %mul3A_17 = arith.constant 640 : i32
    %mul3A_18 = arith.muli %arg1, %mul3A_17 : i32
    "tpu.region"() ({
      %run_scoped3A = tpu.sem_alloc : memref<!tpu.dma_semaphore, #tpu.memory_space<semaphore_mem>>
      %dma_start3A_19 = arith.constant 0 : i32
      %dma_start3A_20 = tpu.memref_slice %arg6[%arg0, %mul3A_18, %dma_start3A_19] : memref<2x10240x16xf32, #tpu.memory_space<hbm>> -> memref<1x640x16xf32, #tpu.memory_space<hbm>>
      %dma_start3A_21 = tpu.memref_squeeze %dma_start3A_20 : memref<1x640x16xf32, #tpu.memory_space<hbm>> -> memref<640x16xf32, #tpu.memory_space<hbm>>
      %dma_start3A_22 = arith.constant 0 : i32
      %dma_start3A_23 = tpu.memref_slice %arg7[%mul3A_16, %dma_start3A_22] : memref<10240x16xf32, #tpu.memory_space<vmem_shared>> -> memref<640x16xf32, #tpu.memory_space<vmem_shared>>
      tpu.enqueue_dma source(%dma_start3A_23 : memref<640x16xf32, #tpu.memory_space<vmem_shared>>) target(%dma_start3A_21 : memref<640x16xf32, #tpu.memory_space<hbm>>) target_semaphore(%run_scoped3A : memref<!tpu.dma_semaphore, #tpu.memory_space<semaphore_mem>>)
      %dma_wait3A = arith.constant 0 : i32
      %dma_wait3A_24 = tpu.memref_slice %arg6[%arg0, %mul3A_18, %dma_wait3A] : memref<2x10240x16xf32, #tpu.memory_space<hbm>> -> memref<1x640x16xf32, #tpu.memory_space<hbm>>
      %dma_wait3A_25 = tpu.memref_squeeze %dma_wait3A_24 : memref<1x640x16xf32, #tpu.memory_space<hbm>> -> memref<640x16xf32, #tpu.memory_space<hbm>>
      %dma_wait3A_26 = arith.constant 0 : i32
      %dma_wait3A_27 = tpu.memref_slice %arg7[%mul3A_16, %dma_wait3A_26] : memref<10240x16xf32, #tpu.memory_space<vmem_shared>> -> memref<640x16xf32, #tpu.memory_space<vmem_shared>>
      tpu.wait_dma2 semaphore(%run_scoped3A : memref<!tpu.dma_semaphore, #tpu.memory_space<semaphore_mem>>) src(%dma_wait3A_27 : memref<640x16xf32, #tpu.memory_space<vmem_shared>>) dst(%dma_wait3A_25 : memref<640x16xf32, #tpu.memory_space<hbm>>)
      tpu.yield
    }) : () -> ()
    return
  }
}

#map = affine_map<(d0, d1) -> (0, 0)>
#map1 = affine_map<(d0, d1) -> (0, 0, 0)>
module attributes {stable_mosaic.version = 14 : i64} {
  func.func @k(%arg0: i32, %arg1: i32, %arg2: memref<20000x32xf32, #tpu.memory_space<hbm>>, %arg3: memref<32x42x480xi32, #tpu.memory_space<hbm>>, %arg4: memref<16x42x480xi32, #tpu.memory_space<hbm>>, %arg5: memref<640x32xf32, #tpu.memory_space<hbm>>, %arg6: memref<2x10240x32xf32, #tpu.memory_space<hbm>>, %arg7: memref<10240x32xf32, #tpu.memory_space<vmem_shared>>, %arg8: memref<42x480xi32, #tpu.memory_space<vmem>>, %arg9: memref<42x480xi32, #tpu.memory_space<vmem>>, %arg10: memref<480x32xf32, #tpu.memory_space<vmem>>, %arg11: memref<480x32xf32, #tpu.memory_space<vmem>>, %arg12: memref<!tpu.dma_semaphore, #tpu.memory_space<semaphore_mem>>, %arg13: memref<!tpu.dma_semaphore, #tpu.memory_space<semaphore_mem>>, %arg14: memref<!tpu.dma_semaphore, #tpu.memory_space<semaphore_mem>>, %arg15: memref<!tpu.dma_semaphore, #tpu.memory_space<semaphore_mem>>) attributes {dimension_semantics = [#tpu.dimension_semantics<core_parallel>, #tpu.dimension_semantics<subcore_parallel>], iteration_bounds = array<i64: 2, 16>, scalar_prefetch = 0 : i64, scratch_operands = 9 : i64, tpu.core_type = #tpu.core_type<sc_vector_subcore>, window_params = [{transform_indices = #map}, {transform_indices = #map1}, {transform_indices = #map1}, {transform_indices = #map}, {transform_indices = #map1}]} {
    %mul3A = arith.constant 640 : i32
    %mul3A_0 = arith.muli %arg1, %mul3A : i32
    "tpu.region"() ({
      %run_scoped3A = tpu.sem_alloc : memref<!tpu.dma_semaphore, #tpu.memory_space<semaphore_mem>>
      %dma_start3A_19 = arith.constant 0 : i32
      %dma_start3A_20 = tpu.memref_slice %arg7[%mul3A_0, %dma_start3A_19] : memref<10240x32xf32, #tpu.memory_space<vmem_shared>> -> memref<640x32xf32, #tpu.memory_space<vmem_shared>>
      tpu.enqueue_dma source(%arg5 : memref<640x32xf32, #tpu.memory_space<hbm>>) target(%dma_start3A_20 : memref<640x32xf32, #tpu.memory_space<vmem_shared>>) target_semaphore(%run_scoped3A : memref<!tpu.dma_semaphore, #tpu.memory_space<semaphore_mem>>)
      %dma_wait3A = arith.constant 0 : i32
      %dma_wait3A_21 = tpu.memref_slice %arg7[%mul3A_0, %dma_wait3A] : memref<10240x32xf32, #tpu.memory_space<vmem_shared>> -> memref<640x32xf32, #tpu.memory_space<vmem_shared>>
      tpu.wait_dma2 semaphore(%run_scoped3A : memref<!tpu.dma_semaphore, #tpu.memory_space<semaphore_mem>>) src(%arg5 : memref<640x32xf32, #tpu.memory_space<hbm>>) dst(%dma_wait3A_21 : memref<640x32xf32, #tpu.memory_space<vmem_shared>>)
      tpu.yield
    }) : () -> ()
    %mul3A_1 = arith.constant 16 : i32
    %mul3A_2 = arith.muli %arg0, %mul3A_1 : i32
    %add3A = arith.addi %mul3A_2, %arg1 : i32
    "tpu.region"() ({
      %run_scoped3A = tpu.sem_alloc : memref<!tpu.dma_semaphore, #tpu.memory_space<semaphore_mem>>
      %dma_start3A_19 = arith.constant 0 : i32
      %dma_start3A_20 = arith.constant 0 : i32
      %dma_start3A_21 = tpu.memref_slice %arg3[%add3A, %dma_start3A_19, %dma_start3A_20] : memref<32x42x480xi32, #tpu.memory_space<hbm>> -> memref<1x42x480xi32, #tpu.memory_space<hbm>>
      %dma_start3A_22 = tpu.memref_squeeze %dma_start3A_21 : memref<1x42x480xi32, #tpu.memory_space<hbm>> -> memref<42x480xi32, #tpu.memory_space<hbm>>
      %dma_start3A_23 = arith.constant 0 : i32
      %dma_start3A_24 = arith.constant 0 : i32
      %dma_start3A_25 = tpu.memref_slice %arg3[%add3A, %dma_start3A_23, %dma_start3A_24] : memref<32x42x480xi32, #tpu.memory_space<hbm>> -> memref<1x42x480xi32, #tpu.memory_space<hbm>>
      %dma_start3A_26 = tpu.memref_squeeze %dma_start3A_25 : memref<1x42x480xi32, #tpu.memory_space<hbm>> -> memref<42x480xi32, #tpu.memory_space<hbm>>
      tpu.enqueue_dma source(%dma_start3A_26 : memref<42x480xi32, #tpu.memory_space<hbm>>) target(%arg8 : memref<42x480xi32, #tpu.memory_space<vmem>>) target_semaphore(%run_scoped3A : memref<!tpu.dma_semaphore, #tpu.memory_space<semaphore_mem>>)
      %dma_wait3A = arith.constant 0 : i32
      %dma_wait3A_27 = arith.constant 0 : i32
      %dma_wait3A_28 = tpu.memref_slice %arg3[%add3A, %dma_wait3A, %dma_wait3A_27] : memref<32x42x480xi32, #tpu.memory_space<hbm>> -> memref<1x42x480xi32, #tpu.memory_space<hbm>>
      %dma_wait3A_29 = tpu.memref_squeeze %dma_wait3A_28 : memref<1x42x480xi32, #tpu.memory_space<hbm>> -> memref<42x480xi32, #tpu.memory_space<hbm>>
      %dma_wait3A_30 = arith.constant 0 : i32
      %dma_wait3A_31 = arith.constant 0 : i32
      %dma_wait3A_32 = tpu.memref_slice %arg3[%add3A, %dma_wait3A_30, %dma_wait3A_31] : memref<32x42x480xi32, #tpu.memory_space<hbm>> -> memref<1x42x480xi32, #tpu.memory_space<hbm>>
      %dma_wait3A_33 = tpu.memref_squeeze %dma_wait3A_32 : memref<1x42x480xi32, #tpu.memory_space<hbm>> -> memref<42x480xi32, #tpu.memory_space<hbm>>
      tpu.wait_dma2 semaphore(%run_scoped3A : memref<!tpu.dma_semaphore, #tpu.memory_space<semaphore_mem>>) src(%dma_wait3A_33 : memref<42x480xi32, #tpu.memory_space<hbm>>) dst(%arg8 : memref<42x480xi32, #tpu.memory_space<vmem>>)
      tpu.yield
    }) : () -> ()
    "tpu.region"() ({
      %run_scoped3A = tpu.sem_alloc : memref<!tpu.dma_semaphore, #tpu.memory_space<semaphore_mem>>
      %dma_start3A_19 = arith.constant 0 : i32
      %dma_start3A_20 = arith.constant 0 : i32
      %dma_start3A_21 = tpu.memref_slice %arg4[%arg1, %dma_start3A_19, %dma_start3A_20] : memref<16x42x480xi32, #tpu.memory_space<hbm>> -> memref<1x42x480xi32, #tpu.memory_space<hbm>>
      %dma_start3A_22 = tpu.memref_squeeze %dma_start3A_21 : memref<1x42x480xi32, #tpu.memory_space<hbm>> -> memref<42x480xi32, #tpu.memory_space<hbm>>
      %dma_start3A_23 = arith.constant 0 : i32
      %dma_start3A_24 = arith.constant 0 : i32
      %dma_start3A_25 = tpu.memref_slice %arg4[%arg1, %dma_start3A_23, %dma_start3A_24] : memref<16x42x480xi32, #tpu.memory_space<hbm>> -> memref<1x42x480xi32, #tpu.memory_space<hbm>>
      %dma_start3A_26 = tpu.memref_squeeze %dma_start3A_25 : memref<1x42x480xi32, #tpu.memory_space<hbm>> -> memref<42x480xi32, #tpu.memory_space<hbm>>
      tpu.enqueue_dma source(%dma_start3A_26 : memref<42x480xi32, #tpu.memory_space<hbm>>) target(%arg9 : memref<42x480xi32, #tpu.memory_space<vmem>>) target_semaphore(%run_scoped3A : memref<!tpu.dma_semaphore, #tpu.memory_space<semaphore_mem>>)
      %dma_wait3A = arith.constant 0 : i32
      %dma_wait3A_27 = arith.constant 0 : i32
      %dma_wait3A_28 = tpu.memref_slice %arg4[%arg1, %dma_wait3A, %dma_wait3A_27] : memref<16x42x480xi32, #tpu.memory_space<hbm>> -> memref<1x42x480xi32, #tpu.memory_space<hbm>>
      %dma_wait3A_29 = tpu.memref_squeeze %dma_wait3A_28 : memref<1x42x480xi32, #tpu.memory_space<hbm>> -> memref<42x480xi32, #tpu.memory_space<hbm>>
      %dma_wait3A_30 = arith.constant 0 : i32
      %dma_wait3A_31 = arith.constant 0 : i32
      %dma_wait3A_32 = tpu.memref_slice %arg4[%arg1, %dma_wait3A_30, %dma_wait3A_31] : memref<16x42x480xi32, #tpu.memory_space<hbm>> -> memref<1x42x480xi32, #tpu.memory_space<hbm>>
      %dma_wait3A_33 = tpu.memref_squeeze %dma_wait3A_32 : memref<1x42x480xi32, #tpu.memory_space<hbm>> -> memref<42x480xi32, #tpu.memory_space<hbm>>
      tpu.wait_dma2 semaphore(%run_scoped3A : memref<!tpu.dma_semaphore, #tpu.memory_space<semaphore_mem>>) src(%dma_wait3A_33 : memref<42x480xi32, #tpu.memory_space<hbm>>) dst(%arg9 : memref<42x480xi32, #tpu.memory_space<vmem>>)
      tpu.yield
    }) : () -> ()
    %barrier3A = arith.constant 0 : index
    tpu.barrier barrier_id(%barrier3A)
    %dma_start3A = arith.constant 0 : i32
    %dma_start3A_3 = arith.constant 0 : i32
    %dma_start3A_4 = tpu.memref_slice %arg8[%dma_start3A, %dma_start3A_3] : memref<42x480xi32, #tpu.memory_space<vmem>> -> memref<1x480xi32, #tpu.memory_space<vmem>>
    %dma_start3A_5 = tpu.memref_squeeze %dma_start3A_4 : memref<1x480xi32, #tpu.memory_space<vmem>> -> memref<480xi32, #tpu.memory_space<vmem>>
    %dma_start3A_6 = arith.constant 0 : i32
    %dma_start3A_7 = arith.constant 0 : i32
    %dma_start3A_8 = tpu.memref_slice %arg2[%dma_start3A_6, %dma_start3A_7] : memref<20000x32xf32, #tpu.memory_space<hbm>> -> memref<20000x32xf32, #tpu.memory_space<hbm>>
    tpu.enqueue_indirect_dma source(%dma_start3A_8 : memref<20000x32xf32, #tpu.memory_space<hbm>>) target(%arg10 : memref<480x32xf32, #tpu.memory_space<vmem>>) offsets(%dma_start3A_5 : memref<480xi32, #tpu.memory_space<vmem>>) semaphore(%arg12 : memref<!tpu.dma_semaphore, #tpu.memory_space<semaphore_mem>>)
    %scan3A = arith.constant 0 : i32
    %scan3A_9 = arith.constant 0 : i32
    %scan3A_10 = arith.constant 21 : i32
    %scan3A_11 = arith.addi %scan3A_9, %scan3A_10 : i32
    %scan3A_12 = arith.constant 1 : i32
    scf.for %scan3A_19 = %scan3A_9 to %scan3A_11 step %scan3A_12  : i32 {
      %mul3A_20 = arith.constant 2 : i32
      %mul3A_21 = arith.muli %mul3A_20, %scan3A_19 : i32
      %add3A_22 = arith.constant 1 : i32
      %add3A_23 = arith.addi %mul3A_21, %add3A_22 : i32
      %dma_wait3A = arith.constant 0 : i32
      %dma_wait3A_24 = tpu.memref_slice %arg8[%mul3A_21, %dma_wait3A] : memref<42x480xi32, #tpu.memory_space<vmem>> -> memref<1x480xi32, #tpu.memory_space<vmem>>
      %dma_wait3A_25 = tpu.memref_squeeze %dma_wait3A_24 : memref<1x480xi32, #tpu.memory_space<vmem>> -> memref<480xi32, #tpu.memory_space<vmem>>
      %dma_wait3A_26 = arith.constant 0 : i32
      %dma_wait3A_27 = arith.constant 0 : i32
      %dma_wait3A_28 = tpu.memref_slice %arg2[%dma_wait3A_26, %dma_wait3A_27] : memref<20000x32xf32, #tpu.memory_space<hbm>> -> memref<20000x32xf32, #tpu.memory_space<hbm>>
      tpu.wait_indirect_dma semaphore(%arg12 : memref<!tpu.dma_semaphore, #tpu.memory_space<semaphore_mem>>) src(%dma_wait3A_28 : memref<20000x32xf32, #tpu.memory_space<hbm>>) dst(%arg10 : memref<480x32xf32, #tpu.memory_space<vmem>>)
      %dma_start3A_29 = arith.constant 0 : i32
      %dma_start3A_30 = tpu.memref_slice %arg8[%add3A_23, %dma_start3A_29] : memref<42x480xi32, #tpu.memory_space<vmem>> -> memref<1x480xi32, #tpu.memory_space<vmem>>
      %dma_start3A_31 = tpu.memref_squeeze %dma_start3A_30 : memref<1x480xi32, #tpu.memory_space<vmem>> -> memref<480xi32, #tpu.memory_space<vmem>>
      %dma_start3A_32 = arith.constant 0 : i32
      %dma_start3A_33 = arith.constant 0 : i32
      %dma_start3A_34 = tpu.memref_slice %arg2[%dma_start3A_32, %dma_start3A_33] : memref<20000x32xf32, #tpu.memory_space<hbm>> -> memref<20000x32xf32, #tpu.memory_space<hbm>>
      tpu.enqueue_indirect_dma source(%dma_start3A_34 : memref<20000x32xf32, #tpu.memory_space<hbm>>) target(%arg11 : memref<480x32xf32, #tpu.memory_space<vmem>>) offsets(%dma_start3A_31 : memref<480xi32, #tpu.memory_space<vmem>>) semaphore(%arg13 : memref<!tpu.dma_semaphore, #tpu.memory_space<semaphore_mem>>)
      %dma_start3A_35 = arith.constant 0 : i32
      %dma_start3A_36 = tpu.memref_slice %arg9[%mul3A_21, %dma_start3A_35] : memref<42x480xi32, #tpu.memory_space<vmem>> -> memref<1x480xi32, #tpu.memory_space<vmem>>
      %dma_start3A_37 = tpu.memref_squeeze %dma_start3A_36 : memref<1x480xi32, #tpu.memory_space<vmem>> -> memref<480xi32, #tpu.memory_space<vmem>>
      %dma_start3A_38 = arith.constant 0 : i32
      %dma_start3A_39 = arith.constant 0 : i32
      %dma_start3A_40 = tpu.memref_slice %arg7[%dma_start3A_38, %dma_start3A_39] : memref<10240x32xf32, #tpu.memory_space<vmem_shared>> -> memref<10240x32xf32, #tpu.memory_space<vmem_shared>>
      tpu.enqueue_indirect_dma source(%arg10 : memref<480x32xf32, #tpu.memory_space<vmem>>) target(%dma_start3A_40 : memref<10240x32xf32, #tpu.memory_space<vmem_shared>>) offsets(%dma_start3A_37 : memref<480xi32, #tpu.memory_space<vmem>>) semaphore(%arg14 : memref<!tpu.dma_semaphore, #tpu.memory_space<semaphore_mem>>) {add = true}
      %dma_wait3A_41 = arith.constant 0 : i32
      %dma_wait3A_42 = tpu.memref_slice %arg9[%mul3A_21, %dma_wait3A_41] : memref<42x480xi32, #tpu.memory_space<vmem>> -> memref<1x480xi32, #tpu.memory_space<vmem>>
      %dma_wait3A_43 = tpu.memref_squeeze %dma_wait3A_42 : memref<1x480xi32, #tpu.memory_space<vmem>> -> memref<480xi32, #tpu.memory_space<vmem>>
      %dma_wait3A_44 = arith.constant 0 : i32
      %dma_wait3A_45 = arith.constant 0 : i32
      %dma_wait3A_46 = tpu.memref_slice %arg7[%dma_wait3A_44, %dma_wait3A_45] : memref<10240x32xf32, #tpu.memory_space<vmem_shared>> -> memref<10240x32xf32, #tpu.memory_space<vmem_shared>>
      tpu.wait_indirect_dma semaphore(%arg14 : memref<!tpu.dma_semaphore, #tpu.memory_space<semaphore_mem>>) src(%arg10 : memref<480x32xf32, #tpu.memory_space<vmem>>) dst(%dma_wait3A_46 : memref<10240x32xf32, #tpu.memory_space<vmem_shared>>)
      %ne3A = arith.constant 20 : i32
      %ne3A_47 = arith.cmpi ne, %scan3A_19, %ne3A : i32
      %convert_element_type3A = arith.extui %ne3A_47 : i1 to i32
      %cond3A = arith.constant 0 : i32
      %cond3A_48 = arith.cmpi ne, %convert_element_type3A, %cond3A : i32
      scf.if %cond3A_48 {
        %add3A_67 = arith.constant 2 : i32
        %add3A_68 = arith.addi %mul3A_21, %add3A_67 : i32
        %dma_start3A_69 = arith.constant 0 : i32
        %dma_start3A_70 = tpu.memref_slice %arg8[%add3A_68, %dma_start3A_69] : memref<42x480xi32, #tpu.memory_space<vmem>> -> memref<1x480xi32, #tpu.memory_space<vmem>>
        %dma_start3A_71 = tpu.memref_squeeze %dma_start3A_70 : memref<1x480xi32, #tpu.memory_space<vmem>> -> memref<480xi32, #tpu.memory_space<vmem>>
        %dma_start3A_72 = arith.constant 0 : i32
        %dma_start3A_73 = arith.constant 0 : i32
        %dma_start3A_74 = tpu.memref_slice %arg2[%dma_start3A_72, %dma_start3A_73] : memref<20000x32xf32, #tpu.memory_space<hbm>> -> memref<20000x32xf32, #tpu.memory_space<hbm>>
        tpu.enqueue_indirect_dma source(%dma_start3A_74 : memref<20000x32xf32, #tpu.memory_space<hbm>>) target(%arg10 : memref<480x32xf32, #tpu.memory_space<vmem>>) offsets(%dma_start3A_71 : memref<480xi32, #tpu.memory_space<vmem>>) semaphore(%arg12 : memref<!tpu.dma_semaphore, #tpu.memory_space<semaphore_mem>>)
      } else {
      }
      %dma_wait3A_49 = arith.constant 0 : i32
      %dma_wait3A_50 = tpu.memref_slice %arg8[%add3A_23, %dma_wait3A_49] : memref<42x480xi32, #tpu.memory_space<vmem>> -> memref<1x480xi32, #tpu.memory_space<vmem>>
      %dma_wait3A_51 = tpu.memref_squeeze %dma_wait3A_50 : memref<1x480xi32, #tpu.memory_space<vmem>> -> memref<480xi32, #tpu.memory_space<vmem>>
      %dma_wait3A_52 = arith.constant 0 : i32
      %dma_wait3A_53 = arith.constant 0 : i32
      %dma_wait3A_54 = tpu.memref_slice %arg2[%dma_wait3A_52, %dma_wait3A_53] : memref<20000x32xf32, #tpu.memory_space<hbm>> -> memref<20000x32xf32, #tpu.memory_space<hbm>>
      tpu.wait_indirect_dma semaphore(%arg13 : memref<!tpu.dma_semaphore, #tpu.memory_space<semaphore_mem>>) src(%dma_wait3A_54 : memref<20000x32xf32, #tpu.memory_space<hbm>>) dst(%arg11 : memref<480x32xf32, #tpu.memory_space<vmem>>)
      %dma_start3A_55 = arith.constant 0 : i32
      %dma_start3A_56 = tpu.memref_slice %arg9[%add3A_23, %dma_start3A_55] : memref<42x480xi32, #tpu.memory_space<vmem>> -> memref<1x480xi32, #tpu.memory_space<vmem>>
      %dma_start3A_57 = tpu.memref_squeeze %dma_start3A_56 : memref<1x480xi32, #tpu.memory_space<vmem>> -> memref<480xi32, #tpu.memory_space<vmem>>
      %dma_start3A_58 = arith.constant 0 : i32
      %dma_start3A_59 = arith.constant 0 : i32
      %dma_start3A_60 = tpu.memref_slice %arg7[%dma_start3A_58, %dma_start3A_59] : memref<10240x32xf32, #tpu.memory_space<vmem_shared>> -> memref<10240x32xf32, #tpu.memory_space<vmem_shared>>
      tpu.enqueue_indirect_dma source(%arg11 : memref<480x32xf32, #tpu.memory_space<vmem>>) target(%dma_start3A_60 : memref<10240x32xf32, #tpu.memory_space<vmem_shared>>) offsets(%dma_start3A_57 : memref<480xi32, #tpu.memory_space<vmem>>) semaphore(%arg15 : memref<!tpu.dma_semaphore, #tpu.memory_space<semaphore_mem>>) {add = true}
      %dma_wait3A_61 = arith.constant 0 : i32
      %dma_wait3A_62 = tpu.memref_slice %arg9[%add3A_23, %dma_wait3A_61] : memref<42x480xi32, #tpu.memory_space<vmem>> -> memref<1x480xi32, #tpu.memory_space<vmem>>
      %dma_wait3A_63 = tpu.memref_squeeze %dma_wait3A_62 : memref<1x480xi32, #tpu.memory_space<vmem>> -> memref<480xi32, #tpu.memory_space<vmem>>
      %dma_wait3A_64 = arith.constant 0 : i32
      %dma_wait3A_65 = arith.constant 0 : i32
      %dma_wait3A_66 = tpu.memref_slice %arg7[%dma_wait3A_64, %dma_wait3A_65] : memref<10240x32xf32, #tpu.memory_space<vmem_shared>> -> memref<10240x32xf32, #tpu.memory_space<vmem_shared>>
      tpu.wait_indirect_dma semaphore(%arg15 : memref<!tpu.dma_semaphore, #tpu.memory_space<semaphore_mem>>) src(%arg11 : memref<480x32xf32, #tpu.memory_space<vmem>>) dst(%dma_wait3A_66 : memref<10240x32xf32, #tpu.memory_space<vmem_shared>>)
    }
    %scan3A_13 = arith.constant 21 : i32
    %barrier3A_14 = arith.constant 0 : index
    tpu.barrier barrier_id(%barrier3A_14)
    %mul3A_15 = arith.constant 640 : i32
    %mul3A_16 = arith.muli %arg1, %mul3A_15 : i32
    %mul3A_17 = arith.constant 640 : i32
    %mul3A_18 = arith.muli %arg1, %mul3A_17 : i32
    "tpu.region"() ({
      %run_scoped3A = tpu.sem_alloc : memref<!tpu.dma_semaphore, #tpu.memory_space<semaphore_mem>>
      %dma_start3A_19 = arith.constant 0 : i32
      %dma_start3A_20 = tpu.memref_slice %arg6[%arg0, %mul3A_18, %dma_start3A_19] : memref<2x10240x32xf32, #tpu.memory_space<hbm>> -> memref<1x640x32xf32, #tpu.memory_space<hbm>>
      %dma_start3A_21 = tpu.memref_squeeze %dma_start3A_20 : memref<1x640x32xf32, #tpu.memory_space<hbm>> -> memref<640x32xf32, #tpu.memory_space<hbm>>
      %dma_start3A_22 = arith.constant 0 : i32
      %dma_start3A_23 = tpu.memref_slice %arg7[%mul3A_16, %dma_start3A_22] : memref<10240x32xf32, #tpu.memory_space<vmem_shared>> -> memref<640x32xf32, #tpu.memory_space<vmem_shared>>
      tpu.enqueue_dma source(%dma_start3A_23 : memref<640x32xf32, #tpu.memory_space<vmem_shared>>) target(%dma_start3A_21 : memref<640x32xf32, #tpu.memory_space<hbm>>) target_semaphore(%run_scoped3A : memref<!tpu.dma_semaphore, #tpu.memory_space<semaphore_mem>>)
      %dma_wait3A = arith.constant 0 : i32
      %dma_wait3A_24 = tpu.memref_slice %arg6[%arg0, %mul3A_18, %dma_wait3A] : memref<2x10240x32xf32, #tpu.memory_space<hbm>> -> memref<1x640x32xf32, #tpu.memory_space<hbm>>
      %dma_wait3A_25 = tpu.memref_squeeze %dma_wait3A_24 : memref<1x640x32xf32, #tpu.memory_space<hbm>> -> memref<640x32xf32, #tpu.memory_space<hbm>>
      %dma_wait3A_26 = arith.constant 0 : i32
      %dma_wait3A_27 = tpu.memref_slice %arg7[%mul3A_16, %dma_wait3A_26] : memref<10240x32xf32, #tpu.memory_space<vmem_shared>> -> memref<640x32xf32, #tpu.memory_space<vmem_shared>>
      tpu.wait_dma2 semaphore(%run_scoped3A : memref<!tpu.dma_semaphore, #tpu.memory_space<semaphore_mem>>) src(%dma_wait3A_27 : memref<640x32xf32, #tpu.memory_space<vmem_shared>>) dst(%dma_wait3A_25 : memref<640x32xf32, #tpu.memory_space<hbm>>)
      tpu.yield
    }) : () -> ()
    return
  }
}

module attributes {stable_mosaic.version = 14 : i64} {
  func.func @body(%arg0: memref<2x10240x1xf32, #tpu.memory_space<vmem>>, %arg1: memref<10000x128xf32, #tpu.memory_space<vmem>>, %arg2: memref<128x16xf32, #tpu.memory_space<vmem>>, %arg3: memref<10240x1xf32, #tpu.memory_space<vmem>>, %arg4: memref<10000x16xf32, #tpu.memory_space<vmem>>) attributes {dimension_semantics = [], scalar_prefetch = 0 : i64, scratch_operands = 0 : i64, tpu.core_type = #tpu.core_type<tc>} {
    %get3A = arith.constant 0 : index
    %get3A_0 = arith.constant 0 : index
    %get3A_1 = arith.constant 0 : index
    %get3A_2 = vector.load %arg0[%get3A, %get3A_0, %get3A_1] : memref<2x10240x1xf32, #tpu.memory_space<vmem>>, vector<1x10240x1xf32>
    %get3A_3 = vector.shape_cast %get3A_2 : vector<1x10240x1xf32> to vector<10240x1xf32>
    %get3A_4 = arith.constant 1 : index
    %get3A_5 = arith.constant 0 : index
    %get3A_6 = arith.constant 0 : index
    %get3A_7 = vector.load %arg0[%get3A_4, %get3A_5, %get3A_6] : memref<2x10240x1xf32, #tpu.memory_space<vmem>>, vector<1x10240x1xf32>
    %get3A_8 = vector.shape_cast %get3A_7 : vector<1x10240x1xf32> to vector<10240x1xf32>
    %add3A = arith.addf %get3A_3, %get3A_8 : vector<10240x1xf32>
    %add3A_9 = arith.constant 1.000000e+00 : f32
    %add3A_10 = vector.broadcast %add3A_9 : f32 to vector<10240x1xf32>
    %add3A_11 = arith.addf %add3A, %add3A_10 : vector<10240x1xf32>
    %rsqrt3A = math.rsqrt %add3A_11 : vector<10240x1xf32>
    %swap3A = arith.constant 0 : index
    %swap3A_12 = arith.constant 0 : index
    %swap3A_13 = vector.load %arg3[%swap3A, %swap3A_12] : memref<10240x1xf32, #tpu.memory_space<vmem>>, vector<10240x1xf32>
    tpu.vector_store %arg3[%swap3A, %swap3A_12], %rsqrt3A {strides = array<i32>} : memref<10240x1xf32, #tpu.memory_space<vmem>>, vector<10240x1xf32>,
    %slice3A = vector.extract_strided_slice %rsqrt3A {offsets = [0, 0], sizes = [10000, 1], strides = [1, 1]} : vector<10240x1xf32> to vector<10000x1xf32>
    %get3A_14 = arith.constant 0 : index
    %get3A_15 = arith.constant 0 : index
    %get3A_16 = vector.load %arg1[%get3A_14, %get3A_15] : memref<10000x128xf32, #tpu.memory_space<vmem>>, vector<10000x128xf32>
    %get3A_17 = arith.constant 0 : index
    %get3A_18 = arith.constant 0 : index
    %get3A_19 = vector.load %arg2[%get3A_17, %get3A_18] : memref<128x16xf32, #tpu.memory_space<vmem>>, vector<128x16xf32>
    %dot_general3A = arith.constant dense<0.000000e+00> : vector<10000x16xf32>
    %dot_general3A_20 = tpu.matmul %get3A_16, %get3A_19, %dot_general3A {dimension_numbers = #tpu.dot_dimension_numbers<[1], [0], [0], [1], [0, 0, 1, 1], [], []>, transpose_lhs_hint = false} : vector<10000x128xf32>, vector<128x16xf32>, vector<10000x16xf32> -> vector<10000x16xf32>
    %mul3A = vector.broadcast %slice3A : vector<10000x1xf32> to vector<10000x16xf32>
    %mul3A_21 = arith.mulf %mul3A, %dot_general3A_20 : vector<10000x16xf32>
    %swap3A_22 = arith.constant 0 : index
    %swap3A_23 = arith.constant 0 : index
    %swap3A_24 = vector.load %arg4[%swap3A_22, %swap3A_23] : memref<10000x16xf32, #tpu.memory_space<vmem>>, vector<10000x16xf32>
    tpu.vector_store %arg4[%swap3A_22, %swap3A_23], %mul3A_21 {strides = array<i32>} : memref<10000x16xf32, #tpu.memory_space<vmem>>, vector<10000x16xf32>,
    return
  }
}

module attributes {stable_mosaic.version = 14 : i64} {
  func.func @body(%arg0: memref<2x10240x16xf32, #tpu.memory_space<vmem>>, %arg1: memref<10000x16xf32, #tpu.memory_space<vmem>>, %arg2: memref<10240x1xf32, #tpu.memory_space<vmem>>, %arg3: memref<1x16xf32, #tpu.memory_space<vmem>>, %arg4: memref<10000x16xf32, #tpu.memory_space<vmem>>) attributes {dimension_semantics = [], scalar_prefetch = 0 : i64, scratch_operands = 0 : i64, tpu.core_type = #tpu.core_type<tc>} {
    %get3A = arith.constant 0 : index
    %get3A_0 = arith.constant 0 : index
    %get3A_1 = arith.constant 0 : index
    %get3A_2 = vector.load %arg0[%get3A, %get3A_0, %get3A_1] : memref<2x10240x16xf32, #tpu.memory_space<vmem>>, vector<1x10000x16xf32>
    %get3A_3 = vector.shape_cast %get3A_2 : vector<1x10000x16xf32> to vector<10000x16xf32>
    %get3A_4 = arith.constant 1 : index
    %get3A_5 = arith.constant 0 : index
    %get3A_6 = arith.constant 0 : index
    %get3A_7 = vector.load %arg0[%get3A_4, %get3A_5, %get3A_6] : memref<2x10240x16xf32, #tpu.memory_space<vmem>>, vector<1x10000x16xf32>
    %get3A_8 = vector.shape_cast %get3A_7 : vector<1x10000x16xf32> to vector<10000x16xf32>
    %add3A = arith.addf %get3A_3, %get3A_8 : vector<10000x16xf32>
    %get3A_9 = arith.constant 0 : index
    %get3A_10 = arith.constant 0 : index
    %get3A_11 = vector.load %arg2[%get3A_9, %get3A_10] : memref<10240x1xf32, #tpu.memory_space<vmem>>, vector<10000x1xf32>
    %get3A_12 = arith.constant 0 : index
    %get3A_13 = arith.constant 0 : index
    %get3A_14 = vector.load %arg1[%get3A_12, %get3A_13] : memref<10000x16xf32, #tpu.memory_space<vmem>>, vector<10000x16xf32>
    %add3A_15 = arith.addf %add3A, %get3A_14 : vector<10000x16xf32>
    %mul3A = vector.broadcast %get3A_11 : vector<10000x1xf32> to vector<10000x16xf32>
    %mul3A_16 = arith.mulf %mul3A, %add3A_15 : vector<10000x16xf32>
    %get3A_17 = arith.constant 0 : index
    %get3A_18 = arith.constant 0 : index
    %get3A_19 = vector.load %arg3[%get3A_17, %get3A_18] : memref<1x16xf32, #tpu.memory_space<vmem>>, vector<1x16xf32>
    %add3A_20 = vector.broadcast %get3A_19 : vector<1x16xf32> to vector<10000x16xf32>
    %add3A_21 = arith.addf %mul3A_16, %add3A_20 : vector<10000x16xf32>
    %max3A = arith.constant 0.000000e+00 : f32
    %max3A_22 = vector.broadcast %max3A : f32 to vector<10000x16xf32>
    %max3A_23 = arith.maximumf %add3A_21, %max3A_22 : vector<10000x16xf32>
    %mul3A_24 = vector.broadcast %get3A_11 : vector<10000x1xf32> to vector<10000x16xf32>
    %mul3A_25 = arith.mulf %mul3A_24, %max3A_23 : vector<10000x16xf32>
    %swap3A = arith.constant 0 : index
    %swap3A_26 = arith.constant 0 : index
    %swap3A_27 = vector.load %arg4[%swap3A, %swap3A_26] : memref<10000x16xf32, #tpu.memory_space<vmem>>, vector<10000x16xf32>
    tpu.vector_store %arg4[%swap3A, %swap3A_26], %mul3A_25 {strides = array<i32>} : memref<10000x16xf32, #tpu.memory_space<vmem>>, vector<10000x16xf32>,
    return
  }
}

module attributes {stable_mosaic.version = 14 : i64} {
  func.func @body(%arg0: memref<2x10240x16xf32, #tpu.memory_space<vmem>>, %arg1: memref<10000x16xf32, #tpu.memory_space<vmem>>, %arg2: memref<10240x1xf32, #tpu.memory_space<vmem>>, %arg3: memref<1x32xf32, #tpu.memory_space<vmem>>, %arg4: memref<16x32xf32, #tpu.memory_space<vmem>>, %arg5: memref<20000x16xf32, #tpu.memory_space<vmem>>) attributes {dimension_semantics = [], scalar_prefetch = 0 : i64, scratch_operands = 0 : i64, tpu.core_type = #tpu.core_type<tc>} {
    %get3A = arith.constant 0 : index
    %get3A_0 = arith.constant 0 : index
    %get3A_1 = arith.constant 0 : index
    %get3A_2 = vector.load %arg0[%get3A, %get3A_0, %get3A_1] : memref<2x10240x16xf32, #tpu.memory_space<vmem>>, vector<1x10000x16xf32>
    %get3A_3 = vector.shape_cast %get3A_2 : vector<1x10000x16xf32> to vector<10000x16xf32>
    %get3A_4 = arith.constant 1 : index
    %get3A_5 = arith.constant 0 : index
    %get3A_6 = arith.constant 0 : index
    %get3A_7 = vector.load %arg0[%get3A_4, %get3A_5, %get3A_6] : memref<2x10240x16xf32, #tpu.memory_space<vmem>>, vector<1x10000x16xf32>
    %get3A_8 = vector.shape_cast %get3A_7 : vector<1x10000x16xf32> to vector<10000x16xf32>
    %add3A = arith.addf %get3A_3, %get3A_8 : vector<10000x16xf32>
    %get3A_9 = arith.constant 0 : index
    %get3A_10 = arith.constant 0 : index
    %get3A_11 = vector.load %arg1[%get3A_9, %get3A_10] : memref<10000x16xf32, #tpu.memory_space<vmem>>, vector<10000x16xf32>
    %get3A_12 = arith.constant 0 : index
    %get3A_13 = arith.constant 0 : index
    %get3A_14 = vector.load %arg2[%get3A_12, %get3A_13] : memref<10240x1xf32, #tpu.memory_space<vmem>>, vector<10000x1xf32>
    %add3A_15 = arith.addf %add3A, %get3A_11 : vector<10000x16xf32>
    %mul3A = vector.broadcast %get3A_14 : vector<10000x1xf32> to vector<10000x16xf32>
    %mul3A_16 = arith.mulf %mul3A, %add3A_15 : vector<10000x16xf32>
    %get3A_17 = arith.constant 0 : index
    %get3A_18 = arith.constant 0 : index
    %get3A_19 = vector.load %arg4[%get3A_17, %get3A_18] : memref<16x32xf32, #tpu.memory_space<vmem>>, vector<16x32xf32>
    %dot_general3A = arith.constant dense<0.000000e+00> : vector<10000x32xf32>
    %dot_general3A_20 = tpu.matmul %mul3A_16, %get3A_19, %dot_general3A {dimension_numbers = #tpu.dot_dimension_numbers<[1], [0], [0], [1], [0, 0, 1, 1], [], []>, transpose_lhs_hint = false} : vector<10000x16xf32>, vector<16x32xf32>, vector<10000x32xf32> -> vector<10000x32xf32>
    %get3A_21 = arith.constant 0 : index
    %get3A_22 = arith.constant 0 : index
    %get3A_23 = vector.load %arg3[%get3A_21, %get3A_22] : memref<1x32xf32, #tpu.memory_space<vmem>>, vector<1x32xf32>
    %add3A_24 = vector.broadcast %get3A_23 : vector<1x32xf32> to vector<10000x32xf32>
    %add3A_25 = arith.addf %dot_general3A_20, %add3A_24 : vector<10000x32xf32>
    %max3A = arith.constant 0.000000e+00 : f32
    %max3A_26 = vector.broadcast %max3A : f32 to vector<10000x32xf32>
    %max3A_27 = arith.maximumf %add3A_25, %max3A_26 : vector<10000x32xf32>
    %mul3A_28 = vector.broadcast %get3A_14 : vector<10000x1xf32> to vector<10000x32xf32>
    %mul3A_29 = arith.mulf %mul3A_28, %max3A_27 : vector<10000x32xf32>
    %slice3A = vector.extract_strided_slice %mul3A_29 {offsets = [0, 0], sizes = [10000, 16], strides = [1, 1]} : vector<10000x32xf32> to vector<10000x16xf32>
    %swap3A = arith.constant 0 : index
    %swap3A_30 = arith.constant 0 : index
    %swap3A_31 = vector.load %arg5[%swap3A, %swap3A_30] : memref<20000x16xf32, #tpu.memory_space<vmem>>, vector<10000x16xf32>
    tpu.vector_store %arg5[%swap3A, %swap3A_30], %slice3A {strides = array<i32>} : memref<20000x16xf32, #tpu.memory_space<vmem>>, vector<10000x16xf32>,
    %slice3A_32 = vector.extract_strided_slice %mul3A_29 {offsets = [0, 16], sizes = [10000, 16], strides = [1, 1]} : vector<10000x32xf32> to vector<10000x16xf32>
    %swap3A_33 = arith.constant 10000 : index
    %swap3A_34 = arith.constant 0 : index
    %swap3A_35 = vector.load %arg5[%swap3A_33, %swap3A_34] : memref<20000x16xf32, #tpu.memory_space<vmem>>, vector<10000x16xf32>
    tpu.vector_store %arg5[%swap3A_33, %swap3A_34], %slice3A_32 {strides = array<i32>} : memref<20000x16xf32, #tpu.memory_space<vmem>>, vector<10000x16xf32>,
    return
  }
}

module attributes {stable_mosaic.version = 14 : i64} {
  func.func @body(%arg0: memref<2x10240x16xf32, #tpu.memory_space<vmem>>, %arg1: memref<20000x16xf32, #tpu.memory_space<vmem>>, %arg2: memref<10240x1xf32, #tpu.memory_space<vmem>>, %arg3: memref<1x64xf32, #tpu.memory_space<vmem>>, %arg4: memref<32x64xf32, #tpu.memory_space<vmem>>, %arg5: memref<20000x32xf32, #tpu.memory_space<vmem>>) attributes {dimension_semantics = [], scalar_prefetch = 0 : i64, scratch_operands = 0 : i64, tpu.core_type = #tpu.core_type<tc>} {
    %get3A = arith.constant 0 : index
    %get3A_0 = arith.constant 0 : index
    %get3A_1 = arith.constant 0 : index
    %get3A_2 = vector.load %arg0[%get3A, %get3A_0, %get3A_1] : memref<2x10240x16xf32, #tpu.memory_space<vmem>>, vector<1x10000x16xf32>
    %get3A_3 = vector.shape_cast %get3A_2 : vector<1x10000x16xf32> to vector<10000x16xf32>
    %get3A_4 = arith.constant 1 : index
    %get3A_5 = arith.constant 0 : index
    %get3A_6 = arith.constant 0 : index
    %get3A_7 = vector.load %arg0[%get3A_4, %get3A_5, %get3A_6] : memref<2x10240x16xf32, #tpu.memory_space<vmem>>, vector<1x10000x16xf32>
    %get3A_8 = vector.shape_cast %get3A_7 : vector<1x10000x16xf32> to vector<10000x16xf32>
    %concatenate3A = tpu.concatenate %get3A_3, %get3A_8 in 1 : vector<10000x16xf32>, vector<10000x16xf32> -> vector<10000x32xf32>
    %get3A_9 = arith.constant 0 : index
    %get3A_10 = arith.constant 0 : index
    %get3A_11 = vector.load %arg1[%get3A_9, %get3A_10] : memref<20000x16xf32, #tpu.memory_space<vmem>>, vector<10000x16xf32>
    %get3A_12 = arith.constant 10000 : index
    %get3A_13 = arith.constant 0 : index
    %get3A_14 = vector.load %arg1[%get3A_12, %get3A_13] : memref<20000x16xf32, #tpu.memory_space<vmem>>, vector<10000x16xf32>
    %concatenate3A_15 = tpu.concatenate %get3A_11, %get3A_14 in 1 : vector<10000x16xf32>, vector<10000x16xf32> -> vector<10000x32xf32>
    %get3A_16 = arith.constant 0 : index
    %get3A_17 = arith.constant 0 : index
    %get3A_18 = vector.load %arg2[%get3A_16, %get3A_17] : memref<10240x1xf32, #tpu.memory_space<vmem>>, vector<10000x1xf32>
    %add3A = arith.addf %concatenate3A, %concatenate3A_15 : vector<10000x32xf32>
    %mul3A = vector.broadcast %get3A_18 : vector<10000x1xf32> to vector<10000x32xf32>
    %mul3A_19 = arith.mulf %mul3A, %add3A : vector<10000x32xf32>
    %get3A_20 = arith.constant 0 : index
    %get3A_21 = arith.constant 0 : index
    %get3A_22 = vector.load %arg4[%get3A_20, %get3A_21] : memref<32x64xf32, #tpu.memory_space<vmem>>, vector<32x64xf32>
    %dot_general3A = arith.constant dense<0.000000e+00> : vector<10000x64xf32>
    %dot_general3A_23 = tpu.matmul %mul3A_19, %get3A_22, %dot_general3A {dimension_numbers = #tpu.dot_dimension_numbers<[1], [0], [0], [1], [0, 0, 1, 1], [], []>, transpose_lhs_hint = false} : vector<10000x32xf32>, vector<32x64xf32>, vector<10000x64xf32> -> vector<10000x64xf32>
    %get3A_24 = arith.constant 0 : index
    %get3A_25 = arith.constant 0 : index
    %get3A_26 = vector.load %arg3[%get3A_24, %get3A_25] : memref<1x64xf32, #tpu.memory_space<vmem>>, vector<1x64xf32>
    %add3A_27 = vector.broadcast %get3A_26 : vector<1x64xf32> to vector<10000x64xf32>
    %add3A_28 = arith.addf %dot_general3A_23, %add3A_27 : vector<10000x64xf32>
    %max3A = arith.constant 0.000000e+00 : f32
    %max3A_29 = vector.broadcast %max3A : f32 to vector<10000x64xf32>
    %max3A_30 = arith.maximumf %add3A_28, %max3A_29 : vector<10000x64xf32>
    %mul3A_31 = vector.broadcast %get3A_18 : vector<10000x1xf32> to vector<10000x64xf32>
    %mul3A_32 = arith.mulf %mul3A_31, %max3A_30 : vector<10000x64xf32>
    %slice3A = vector.extract_strided_slice %mul3A_32 {offsets = [0, 0], sizes = [10000, 32], strides = [1, 1]} : vector<10000x64xf32> to vector<10000x32xf32>
    %swap3A = arith.constant 0 : index
    %swap3A_33 = arith.constant 0 : index
    %swap3A_34 = vector.load %arg5[%swap3A, %swap3A_33] : memref<20000x32xf32, #tpu.memory_space<vmem>>, vector<10000x32xf32>
    tpu.vector_store %arg5[%swap3A, %swap3A_33], %slice3A {strides = array<i32>} : memref<20000x32xf32, #tpu.memory_space<vmem>>, vector<10000x32xf32>,
    %slice3A_35 = vector.extract_strided_slice %mul3A_32 {offsets = [0, 32], sizes = [10000, 32], strides = [1, 1]} : vector<10000x64xf32> to vector<10000x32xf32>
    %swap3A_36 = arith.constant 10000 : index
    %swap3A_37 = arith.constant 0 : index
    %swap3A_38 = vector.load %arg5[%swap3A_36, %swap3A_37] : memref<20000x32xf32, #tpu.memory_space<vmem>>, vector<10000x32xf32>
    tpu.vector_store %arg5[%swap3A_36, %swap3A_37], %slice3A_35 {strides = array<i32>} : memref<20000x32xf32, #tpu.memory_space<vmem>>, vector<10000x32xf32>,
    return
  }
}

module attributes {stable_mosaic.version = 14 : i64} {
  func.func @body(%arg0: memref<2x10240x32xf32, #tpu.memory_space<vmem>>, %arg1: memref<20000x32xf32, #tpu.memory_space<vmem>>, %arg2: memref<10240x1xf32, #tpu.memory_space<vmem>>, %arg3: memref<1x128xf32, #tpu.memory_space<vmem>>, %arg4: memref<64x128xf32, #tpu.memory_space<vmem>>, %arg5: memref<128x32xf32, #tpu.memory_space<vmem>>, %arg6: memref<1x32xf32, #tpu.memory_space<vmem>>, %arg7: memref<32x10xf32, #tpu.memory_space<vmem>>, %arg8: memref<1x10xf32, #tpu.memory_space<vmem>>, %arg9: memref<10000x10xf32, #tpu.memory_space<vmem>>) attributes {dimension_semantics = [], scalar_prefetch = 0 : i64, scratch_operands = 0 : i64, tpu.core_type = #tpu.core_type<tc>} {
    %get3A = arith.constant 0 : index
    %get3A_0 = arith.constant 0 : index
    %get3A_1 = arith.constant 0 : index
    %get3A_2 = vector.load %arg0[%get3A, %get3A_0, %get3A_1] : memref<2x10240x32xf32, #tpu.memory_space<vmem>>, vector<1x10000x32xf32>
    %get3A_3 = vector.shape_cast %get3A_2 : vector<1x10000x32xf32> to vector<10000x32xf32>
    %get3A_4 = arith.constant 1 : index
    %get3A_5 = arith.constant 0 : index
    %get3A_6 = arith.constant 0 : index
    %get3A_7 = vector.load %arg0[%get3A_4, %get3A_5, %get3A_6] : memref<2x10240x32xf32, #tpu.memory_space<vmem>>, vector<1x10000x32xf32>
    %get3A_8 = vector.shape_cast %get3A_7 : vector<1x10000x32xf32> to vector<10000x32xf32>
    %concatenate3A = tpu.concatenate %get3A_3, %get3A_8 in 1 : vector<10000x32xf32>, vector<10000x32xf32> -> vector<10000x64xf32>
    %get3A_9 = arith.constant 0 : index
    %get3A_10 = arith.constant 0 : index
    %get3A_11 = vector.load %arg1[%get3A_9, %get3A_10] : memref<20000x32xf32, #tpu.memory_space<vmem>>, vector<10000x32xf32>
    %get3A_12 = arith.constant 10000 : index
    %get3A_13 = arith.constant 0 : index
    %get3A_14 = vector.load %arg1[%get3A_12, %get3A_13] : memref<20000x32xf32, #tpu.memory_space<vmem>>, vector<10000x32xf32>
    %concatenate3A_15 = tpu.concatenate %get3A_11, %get3A_14 in 1 : vector<10000x32xf32>, vector<10000x32xf32> -> vector<10000x64xf32>
    %get3A_16 = arith.constant 0 : index
    %get3A_17 = arith.constant 0 : index
    %get3A_18 = vector.load %arg2[%get3A_16, %get3A_17] : memref<10240x1xf32, #tpu.memory_space<vmem>>, vector<10000x1xf32>
    %add3A = arith.addf %concatenate3A, %concatenate3A_15 : vector<10000x64xf32>
    %mul3A = vector.broadcast %get3A_18 : vector<10000x1xf32> to vector<10000x64xf32>
    %mul3A_19 = arith.mulf %mul3A, %add3A : vector<10000x64xf32>
    %get3A_20 = arith.constant 0 : index
    %get3A_21 = arith.constant 0 : index
    %get3A_22 = vector.load %arg4[%get3A_20, %get3A_21] : memref<64x128xf32, #tpu.memory_space<vmem>>, vector<64x128xf32>
    %dot_general3A = arith.constant dense<0.000000e+00> : vector<10000x128xf32>
    %dot_general3A_23 = tpu.matmul %mul3A_19, %get3A_22, %dot_general3A {dimension_numbers = #tpu.dot_dimension_numbers<[1], [0], [0], [1], [0, 0, 1, 1], [], []>, transpose_lhs_hint = false} : vector<10000x64xf32>, vector<64x128xf32>, vector<10000x128xf32> -> vector<10000x128xf32>
    %get3A_24 = arith.constant 0 : index
    %get3A_25 = arith.constant 0 : index
    %get3A_26 = vector.load %arg3[%get3A_24, %get3A_25] : memref<1x128xf32, #tpu.memory_space<vmem>>, vector<1x128xf32>
    %add3A_27 = vector.broadcast %get3A_26 : vector<1x128xf32> to vector<10000x128xf32>
    %add3A_28 = arith.addf %dot_general3A_23, %add3A_27 : vector<10000x128xf32>
    %max3A = arith.constant 0.000000e+00 : f32
    %max3A_29 = vector.broadcast %max3A : f32 to vector<10000x128xf32>
    %max3A_30 = arith.maximumf %add3A_28, %max3A_29 : vector<10000x128xf32>
    %get3A_31 = arith.constant 0 : index
    %get3A_32 = arith.constant 0 : index
    %get3A_33 = vector.load %arg5[%get3A_31, %get3A_32] : memref<128x32xf32, #tpu.memory_space<vmem>>, vector<128x32xf32>
    %dot_general3A_34 = arith.constant dense<0.000000e+00> : vector<10000x32xf32>
    %dot_general3A_35 = tpu.matmul %max3A_30, %get3A_33, %dot_general3A_34 {dimension_numbers = #tpu.dot_dimension_numbers<[1], [0], [0], [1], [0, 0, 1, 1], [], []>, transpose_lhs_hint = false} : vector<10000x128xf32>, vector<128x32xf32>, vector<10000x32xf32> -> vector<10000x32xf32>
    %get3A_36 = arith.constant 0 : index
    %get3A_37 = arith.constant 0 : index
    %get3A_38 = vector.load %arg6[%get3A_36, %get3A_37] : memref<1x32xf32, #tpu.memory_space<vmem>>, vector<1x32xf32>
    %add3A_39 = vector.broadcast %get3A_38 : vector<1x32xf32> to vector<10000x32xf32>
    %add3A_40 = arith.addf %dot_general3A_35, %add3A_39 : vector<10000x32xf32>
    %max3A_41 = arith.constant 0.000000e+00 : f32
    %max3A_42 = vector.broadcast %max3A_41 : f32 to vector<10000x32xf32>
    %max3A_43 = arith.maximumf %add3A_40, %max3A_42 : vector<10000x32xf32>
    %get3A_44 = arith.constant 0 : index
    %get3A_45 = arith.constant 0 : index
    %get3A_46 = vector.load %arg7[%get3A_44, %get3A_45] : memref<32x10xf32, #tpu.memory_space<vmem>>, vector<32x10xf32>
    %dot_general3A_47 = arith.constant dense<0.000000e+00> : vector<10000x10xf32>
    %dot_general3A_48 = tpu.matmul %max3A_43, %get3A_46, %dot_general3A_47 {dimension_numbers = #tpu.dot_dimension_numbers<[1], [0], [0], [1], [0, 0, 1, 1], [], []>, transpose_lhs_hint = false} : vector<10000x32xf32>, vector<32x10xf32>, vector<10000x10xf32> -> vector<10000x10xf32>
    %get3A_49 = arith.constant 0 : index
    %get3A_50 = arith.constant 0 : index
    %get3A_51 = vector.load %arg8[%get3A_49, %get3A_50] : memref<1x10xf32, #tpu.memory_space<vmem>>, vector<1x10xf32>
    %add3A_52 = vector.broadcast %get3A_51 : vector<1x10xf32> to vector<10000x10xf32>
    %add3A_53 = arith.addf %dot_general3A_48, %add3A_52 : vector<10000x10xf32>
    %tanh3A = math.tanh %add3A_53 : vector<10000x10xf32>
    %swap3A = arith.constant 0 : index
    %swap3A_54 = arith.constant 0 : index
    %swap3A_55 = vector.load %arg9[%swap3A, %swap3A_54] : memref<10000x10xf32, #tpu.memory_space<vmem>>, vector<10000x10xf32>
    tpu.vector_store %arg9[%swap3A, %swap3A_54], %tanh3A {strides = array<i32>} : memref<10000x10xf32, #tpu.memory_space<vmem>>, vector<10000x10xf32>,
    return
  }
}

</mosaic_0001>

<sc_bundles>
// kernel: kernel.12.cloned.1.call-start
scs
__scs_entry_jumppad:
0x0: {  	(pc) =	sbr.rel $0x88, $3  }
0x1: {  	(tag) =	ssettag $0x0;
	lr =	simm.s32 $0x1  }
0x2: {  	[smem:$0x3F93] =	sst lr;
	_ =	strace $0xD0000000  }
0x3: {  	_ = 	snop  }
0x4: {  	_ = 	snop  }
0x5: {  	_ = 	snop  }
0x6: {  	_ = 	snop  }
0x7: {  	_ = 	snop  }
__scs_overlays_trampoline_lowered:
0x8: {  	[smem:$0x3FA2] =	sst s0  }
0x9: {  	[smem:$0x3FA3] =	sst s1  }
0xa: {  	[smem:$0x3FA4] =	sst s2  }
0xb: {  	[smem:$0x3FA5] =	sst s3  }
0xc: {  	[smem:$0x3FA6] =	sst s4  }
0xd: {  	[smem:$0x3FA7] =	sst s5  }
0xe: {  	[smem:$0x3FA8] =	sst s6  }
0xf: {  	[smem:$0x3FA9] =	sst s7  }
0x10: {  	[smem:$0x3FAA] =	sst s8  }
0x11: {  	[smem:$0x3FAB] =	sst s9;
	s0 =	simm.s32 @!p0 $0x0  }
0x12: {  	s1 =	sld [smem:$0x3F91];
	s0 =	simm.s32 @p0 $0x1  }
0x13: {  	[smem:$0x3FAC] =	sst s0;
	s0 =	simm.s32 @!p1 $0x0  }
0x14: {  	s2 =	sld [smem:$0x3F90];
	s0 =	simm.s32 @p1 $0x1  }
0x15: {  	[smem:$0x3FAD] =	sst s0;
	s0 =	simm.s32 @!p2 $0x0  }
0x16: {  	s3 =	sld [smem:$0x3FDB];
	s0 =	simm.s32 @p2 $0x1  }
0x17: {  	s4 =	simm.s32 $0x1BF5;
	[smem:$0x3FAF] =	sst s0  }
0x18: {  	s0 =	sld [smem:$0x3F92];
	_ =	swait.ge [sflag:s4], $0x0  }
0x19: {  	s7 =	sld [smem:$0x3F93]  }
0x1a: {  	s8 =	sadd.s32 $0xFFFFE003, lr  }
0x1b: {  	s9 =	sadd.s32 $0xFFFFFEF7, lr;
	s5 =	simm.s32 $0xFFFFFFFF;
	p2 =	slt.u32 s8, $0xFFFFF086  }
0x1c: {  	p1 =	slt.u32 s9, $0xF7A;
	s5 =	simm.s32 @!p2 $0x0  }
0x1d: {  	s5 =	simm.s32 @p1 $0x1;
	p0 =	seq.s32 s7, s2  }
0x1e: {  	s7 =	smul.u32 @!p0 $0xF7A, s2;
	p2 =	seq.s32 @!p0 s5, $0x0  }
0x1f: {  	s9 =	smul.u32 $0xF7A, s1;
	s8 =	simm.s32 @!p0 $0x1BF5;
	p2 =	por !p2, p0  }
0x20: {  	[sflag:s8] =	ssyncset.s32 @!p0 $0xFFFFF086;
	s6 =	sadd.s32 @!p0 s3, s7;
	s7 =	simm.s32 @!p0 $0x108  }
0x21: {  	s3 =	sadd.s32 s3, s9;
	s6 =	sadd.s32 @!p0 $0x88, s6;
	s7 =	simm.s32 @p2 $0x1082  }
0x22: {  	[simem:s7], [sflag:s8] =	dma.local @!p0 [hbm:s6], $0xF7A  }
0x23: {  	s9 =	sor.u32 $0xD0000000, s2;
	s6 =	simm.s32 $0x108;
	_ =	swait.ge @!p0 [sflag:s8], $0x0  }
0x24: {  	s3 =	sadd.s32 $0x88, s3;
	s6 =	simm.s32 @!p1 $0x1082;
	[sflag:s4] =	ssyncset.s32 $0xFFFFF086  }
0x25: {  	[simem:s6], [sflag:s4] =	dma.local [hbm:s3], $0xF7A  }
0x26: {  	[smem:$0x3F93] =	sst s1;
	(tag) =	ssettag s2;
	_ =	strace s9  }
0x27: {  	s1 =	sld [smem:$0x3FA3]  }
0x28: {  	s2 =	sld [smem:$0x3FA4]  }
0x29: {  	s4 =	sld [smem:$0x3FA6]  }
0x2a: {  	p0 =	seq.s32 s5, $0x0;
	s5 =	sld [smem:$0x3FA7]  }
0x2b: {  	s6 =	sld [smem:$0x3FA8]  }
0x2c: {  	s7 =	sld [smem:$0x3FA9]  }
0x2d: {  	s3 =	simm.s32 $0x108;
	s8 =	sld [smem:$0x3FAA]  }
0x2e: {  	s3 =	simm.s32 @!p0 $0x1082;
	s9 =	sld [smem:$0x3FAB]  }
0x2f: {  	lr =	sadd.s32 s0, s3;
	s0 =	sld [smem:$0x3FA2]  }
0x30: {  	s3 =	sld [smem:$0x3FA5]  }
0x31: {  	[smem:$0x3FAE] =	sst s10  }
0x32: {  	s10 =	sld [smem:$0x3FAC];
	_ =	sdelay $0x3  }
0x33: {  	p0 =	seq.s32 s10, $0x1;
	s10 =	sld [smem:$0x3FAE];
	_ =	sdelay $0x3  }
0x34: {  	[smem:$0x3FAE] =	sst s10  }
0x35: {  	s10 =	sld [smem:$0x3FAD];
	_ =	sdelay $0x3  }
0x36: {  	p1 =	seq.s32 s10, $0x1;
	s10 =	sld [smem:$0x3FAE];
	_ =	sdelay $0x3  }
0x37: {  	[smem:$0x3FAE] =	sst s10  }
0x38: {  	s10 =	sld [smem:$0x3FAF]  }
0x39: {  	_ = 	snop;
	(pc) =	sbr.ind lr, $3  }
0x3a: {  	_ = 	snop  }
0x3b: {  	_ = 	snop  }
0x3c: {  	p2 =	seq.s32 s10, $0x1;
	s10 =	sld [smem:$0x3FAE]  }
0x3d: {  	_ =	shalt  }
0x3e: {  	_ =	shalt  }
0x3f: {  	_ =	shalt  }
0x40: {  	_ =	shalt  }
0x41: {  	_ =	shalt  }
0x42: {  	_ =	shalt  }
0x43: {  	_ =	shalt  }
0x44: {  	_ =	shalt  }
0x45: {  	_ =	shalt  }
0x46: {  	_ =	shalt  }
0x47: {  	_ =	shalt  }
0x48: {  	_ =	shalt  }
0x49: {  	_ =	shalt  }
0x4a: {  	_ =	shalt  }
0x4b: {  	_ =	shalt  }
0x4c: {  	_ =	shalt  }
0x4d: {  	_ =	shalt  }
0x4e: {  	_ =	shalt  }
0x4f: {  	_ =	shalt  }
0x50: {  	_ =	shalt  }
0x51: {  	_ =	shalt  }
0x52: {  	_ =	shalt  }
0x53: {  	_ =	shalt  }
0x54: {  	_ =	shalt  }
0x55: {  	_ =	shalt  }
0x56: {  	_ =	shalt  }
0x57: {  	_ =	shalt  }
0x58: {  	_ =	shalt  }
0x59: {  	_ =	shalt  }
0x5a: {  	_ =	shalt  }
0x5b: {  	_ =	shalt  }
0x5c: {  	_ =	shalt  }
0x5d: {  	_ =	shalt  }
0x5e: {  	_ =	shalt  }
0x5f: {  	_ =	shalt  }
0x60: {  	_ =	shalt  }
0x61: {  	_ =	shalt  }
0x62: {  	_ =	shalt  }
0x63: {  	_ =	shalt  }
0x64: {  	_ =	shalt  }
0x65: {  	_ =	shalt  }
0x66: {  	_ =	shalt  }
0x67: {  	_ =	shalt  }
0x68: {  	_ =	shalt  }
0x69: {  	_ =	shalt  }
0x6a: {  	_ =	shalt  }
0x6b: {  	_ =	shalt  }
0x6c: {  	_ =	shalt  }
0x6d: {  	_ =	shalt  }
0x6e: {  	_ =	shalt  }
0x6f: {  	_ =	shalt  }
0x70: {  	_ =	shalt  }
0x71: {  	_ =	shalt  }
0x72: {  	_ =	shalt  }
0x73: {  	_ =	shalt  }
0x74: {  	_ =	shalt  }
0x75: {  	_ =	shalt  }
0x76: {  	_ =	shalt  }
0x77: {  	_ =	shalt  }
0x78: {  	_ =	shalt  }
0x79: {  	_ =	shalt  }
0x7a: {  	_ =	shalt  }
0x7b: {  	_ =	shalt  }
0x7c: {  	_ =	shalt  }
0x7d: {  	_ =	shalt  }
0x7e: {  	_ =	shalt  }
0x7f: {  	_ =	shalt  }
0x80: {  	_ =	shalt  }
0x81: {  	_ =	shalt  }
0x82: {  	_ =	shalt  }
0x83: {  	_ =	shalt  }
0x84: {  	_ =	shalt  }
0x85: {  	_ =	shalt  }
0x86: {  	_ =	shalt  }
0x87: {  	_ =	shalt  }
.Lfunc_end0:
.L_simem_size_0:
called_computation_lowered:
.L_overlay_start_0:
0x88: {  	s2 =	sld [smem:$0x3FD9]  }
0x89: {  	s3 =	sld [smem:$0x3FFE];
	_ =	sdelay $0x1  }
0x8a: {  	s1 =	srdreg.scid  }
0x8b: {  	s0 =	sand.u32 $0x1, s1  }
0x8c: {  	s17 =	sshll.u32 s0, $0xA;
	s2 =	sadd.s32 s3, s2  }
0x8d: {  	s2 =	sadd.s32 s2, s17  }
0x8e: {  	[smem:$0x3FBA] =	sst s2  }
0x8f: {  	_ = 	snop  }
0x90: {  	s2 =	sld [smem:$0x3FD0];
	(tm) =	ssettm $0x1  }
0x91: {  	s18 =	sld [smem:$0x3FFB];
	_ =	sdelay $0x3  }
0x92: {  	_ =	strace s18  }
0x93: {  	s3 =	sld [smem:$0x3FFC];
	_ =	sdelay $0x3  }
0x94: {  	_ =	strace s3  }
0x95: {  	s3 =	sld [smem:$0x3FFD];
	_ =	sdelay $0x3  }
0x96: {  	_ =	strace s3  }
0x97: {  	_ =	strace $0x8FFFFFFF  }
0x98: {  	s19 =	sld [smem:$0x3FDB];
	_ =	sdelay $0x1  }
0x99: {  	s4 =	simm.s32 $_scs_section_size  }
0x9a: {  	s5 =	simm.s32 $_size__tile_overlayer_lowered;
	s6 =	simm.s32 $_tile_overlayer_lowered  }
0x9b: {  	s22 =	simm.s32 $0x1BFF;
	s21 =	sshll.u32 s6, $0x1;
	s3 =	sadd.s32 s4, s19  }
0x9c: {  	s7 =	simm.s32 $0x0;
	s20 =	sshll.u32 s5, $0x1;
	s5 =	sadd.s32 s21, s3  }
0x9d: {  	[timem:s7], [sflag:s22] =	dma.local [hbm:s5], s20  }
0x9e: {  	_ =	swait.ge [sflag:s22], s20  }
0x9f: {  	s4 =	ssub.s32 $0x0, s20;
	[sflag:s22] =	ssyncset.done $0x0  }
0xa0: {  	[sflag:s22] =	ssyncadd.s32 s4;
	_ =	sdelay $0x1  }
0xa1: {  	s23 =	simm.s32 $0x1B8B  }
0xa2: {  	_ =	swait.ge [sflag:s23], $0x1  }
0xa3: {  	[sflag:s23] =	ssyncset.done $0x0  }
0xa4: {  	s25 =	simm.s32 $0x1B8E;
	s24 =	sld [smem:$0x3FFE];
	[sflag:s23] =	ssyncadd.s32 $0xFFFFFFFF  }
0xa5: {  	s26 =	simm.s32 $execute0_lowered;
	[smem:$0x3FD2] =	sst s25  }
0xa6: {  	s5 =	sshll.u32 s26, $0x1;
	_ =	strace $0x80000046;
	[dreg:$0x1] =	wrdreg $0xFFFFFFFF  }
0xa7: {  	s28 =	simm.s32 $_size_execute0_lowered;
	s3 =	sadd.s32 s3, s5;
	[dreg:$0x0] =	wrdreg $0x0  }
0xa8: {  	s5 =	sshll.u32 s28, $0x1;
	[dreg:$0x2] =	wrdreg s3  }
0xa9: {  	[dreg:$0x3] =	wrdreg s5  }
0xaa: {  	[dreg:$0x4] =	wrdreg $0xC0  }
0xab: {  	_ =	task [dreg:s7], $0x5FFFF  }
0xac: {  	[dreg:$0x1] =	wrdreg $0xFFFFFFFF  }
0xad: {  	[dreg:$0x0] =	wrdreg $0x60  }
0xae: {  	[dreg:$0x2] =	wrdreg s24  }
0xaf: {  	[dreg:$0x3] =	wrdreg s2  }
0xb0: {  	[dreg:$0x4] =	wrdreg $0x40800  }
0xb1: {  	[dreg:$0x5] =	wrdreg $0x9  }
0xb2: {  	_ =	task.clear_ibuf [dreg:s7], $0x6FFFF;
	_ =	strace $0x90000046  }
0xb3: {  	s29 =	simm.s32 $0x9;
	_ =	strace $0x80000048  }
0xb4: {  	_ =	swait.ge [sflag:s29], $0x1  }
0xb5: {  	[sflag:s29] =	ssyncadd.s32 $0xFFFFFFFF  }
0xb6: {  	_ =	strace $0x90000048  }
0xb7: {  	_ =	sfence  }
0xb8: {  	s30 =	sld [smem:$0x0];
	_ =	sdelay $0x2  }
0xb9: {  	s31 =	sshll.u32 s1, $0xD;
	s1 =	sshrl.u32 s1, $0x2  }
0xba: {  	s3 =	sand.u32 $0x4000, s31;
	s1 =	sadd.s32 s1, s30  }
0xbb: {  	s0 =	sor.u32 s3, s0;
	s1 =	sshll.u32 s1, $0x11  }
0xbc: {  	s0 =	sor.u32 s1, s0  }
0xbd: {  	s0 =	sadd.s32 $0x8F2B, s0  }
0xbe: {  	[sflag:s0] =	ssyncadd.remote.s32 $0x1  }
0xbf: {  	_ =	sfence.sel $0xFFFF  }
0xc0: {  	[dreg:$0x0] =	wrdreg $0xFFFFFFFF;
	(pc) =	sbr.abs _section_cstart, $3  }
0xc1: {  	[dreg:$0x1] =	wrdreg $0xFFFFFFFF  }
0xc2: {  	_ =	task.clear_ibuf [dreg:s7], $0x2FFFF;
	_ =	strace $0x9FFFFFFF  }
0xc3: {  	(tm) =	ssettm $0x7FFFFFFF  }
tec
execute0_lowered:
.L_overlay_start_1:
0x0: {  	(tag) =	ssettag $0x1  }
0x1: {  	s5 =	rddreg [dreg:$0x0]  }
0x2: {  	s8 =	rddreg [dreg:$0x1]  }
0x3: {  	s1 =	rddreg [dreg:$0x2]  }
0x4: {  	s0 =	rddreg [dreg:$0x3]  }
0x5: {  	s3 =	simm.s32 $0x0;
	s4 =	srdreg.scid;
	s2 =	stileid.u32  }
0x6: {  	s14 =	simm.s32 $0x0;
	[smem:$0x7FF] =	sst s3;
	s6 =	sand.u32 $0x1, s4  }
0x7: {  	s29 =	sshll.u32 s2, $0xB;
	s9 =	smul.u32 $0x280, s2;
	s4 =	sadd.s32 $0x1DE00, s5  }
0x8: {  	s31 =	sshll.u32 s2, $0x6;
	_ =	strace $0x80000047;
	s7 =	ssub.s32 $0x2, s6  }
0x9: {  	s10 =	sadd.s32 s29, s5;
	s12 =	smul.u32 $0x2800, s6;
	s5 =	sadd.s32 $0x1E000, s5  }
0xa: {  	s6 =	sshll.u32 s6, $0xF;
	s11 =	sshrl.u32 s7, $0x1;
	s13 =	sadd.s32 s9, s1  }
0xb: {  	s10 =	sadd.s32 s6, s10;
	s6 =	sor.u32 $0x1C01, s31;
	s11 =	ssub.s32 s7, s11  }
0xc: {  	s30 =	sadd.s32 s9, s12;
	s7 =	sadd.s32 $0xDE00, s10;
	s10 =	sshrl.u32 s13, $0x3  }
0xd: {  	s13 =	simm.s32 $0x50;
	s12 =	sshrl.u32 s30, $0x3;
	s9 =	smax.u32 s11, $0x1  }
0xe: {  	s11 =	simm.s32 $0x1;
	s8 =	sadd.s32 s8, s12;
	s12 =	simm.s32 $0x4000  }
.LBB2_1:
0xf: {  	[spmem:s10], [sflag:s6] =	dma.local [hbm:s4], $0x50  }
0x10: {  	_ =	swait.ge [sflag:s11], $0x50  }
0x11: {  	[sflag:s11] =	ssyncset.done $0x0  }
0x12: {  	[sflag:s11] =	ssyncadd.s32 $0xFFFFFFB0  }
0x13: {  	[tilespmem:s12], [sflag:$0x1] =	stream.linear.gather [hbm4b:s5+s3], $0x80, $0x38;
	[tilespmem:$0x4300] =	vst v63  }
0x14: {  	_ =	swait.ge [sflag:s11], $0x80  }
0x15: {  	[sflag:s11] =	ssyncset.done $0x0  }
0x16: {  	[sflag:s11] =	ssyncadd.s32 $0xFFFFFF80  }
0x17: {  	[tilespmem:s3], [sflag:$0x1] =	stream.linear.gather [hbm4b:s7+s3], $0x3F00, $0x38;
	[tilespmem:$0x4300] =	vst v63  }
0x18: {  	_ =	swait.ge [sflag:s11], $0x3F00  }
0x19: {  	[sflag:s11] =	ssyncset.done $0x0  }
0x1a: {  	[sflag:s11] =	ssyncadd.s32 $0xFFFFC100  }
0x1b: {  	s15 =	simm.s32 $0x0;
	[bflag:$0x0] =	sbarrier.arrive $0xFFFF  }
0x1c: {  	[spmem:s1] =	stream.indirect.scatter.add.f32 [tilespmem:s12], [sflag:$0x1], $0x1, s15, s13, $0xb8;
	[tilespmem:$0x4300] =	vst v63  }
0x1d: {  	_ =	swait.ge [sflag:s11], $0x50  }
0x1e: {  	s15 =	simm.s32 $0x200;
	[sflag:s11] =	ssyncset.done $0x0  }
.LBB2_2:
0x1f: {  	s16 =	sshra.s32 s15, $0x2;
	[sflag:s11] =	ssyncadd.s32 $0xFFFFFFB0;
	p0 =	sne.s32 s15, $0xFA00  }
0x20: {  	[spmem:s1] =	stream.indirect.scatter.add.f32 [tilespmem:s12], [sflag:$0x1], $0x1, s16, s13, $0xb8;
	[tilespmem:$0x4300] =	vst v63  }
.Ltmp0:
0x21: {  	_ = 	snop;
	(pc) =	sbr.rel @p0 .LBB2_2-.Ltmp0, $4  }
0x22: {  	_ = 	snop  }
0x23: {  	s15 =	sadd.s32 $0x200, s15  }
0x24: {  	_ =	swait.ge [sflag:s11], $0x50  }
0x25: {  	[sflag:s11] =	ssyncset.done $0x0  }
0x26: {  	s14 =	sadd.s32 $0x1, s14  }
0x27: {  	[sflag:s11] =	ssyncadd.s32 $0xFFFFFFB0;
	p0 =	sne.s32 s14, s9  }
.Ltmp1:
0x28: {  	[bflag:$0x0] =	sbarrier.arrive $0xFFFF;
	(pc) =	sbr.rel @p0 .LBB2_1-.Ltmp1, $4  }
0x29: {  	[hbm:s8], [sflag:s6] =	dma.local [spmem:s10], $0x50  }
0x2a: {  	_ =	swait.ge [sflag:s11], $0x50  }
0x2b: {  	[sflag:s11] =	ssyncset.done $0x0  }
0x2c: {  	[sflag:s11] =	ssyncadd.s32 $0xFFFFFFB0  }
0x2d: {  	_ =	sfence.sel $0x180000  }
0x2e: {  	[bflag:$0x0] =	sbarrier.arrive $0xFFFF  }
0x2f: {  	p0 =	sne.s32 s2, $0x0;
	_ =	strace $0x90000047  }
0x30: {  	s0 =	sadd.s32 @!p0 $0x100000, s0;
	[bflag:$0x2] =	sbarrier.arrive $0xFFFF  }
0x31: {  	[sflag:s0] =	ssyncadd.tile.s32 @!p0 $0x1;
	_ =	shalt  }
.Lfunc_end2:
_tile_overlayer_lowered:
.L_overlay_start_2:
0x32: {  	(tag) =	ssettag $0x2  }
0x33: {  	s0 =	rddreg [dreg:$0x0];
	s2 =	stileid.u32  }
0x34: {  	s1 =	rddreg [dreg:$0x1];
	p0 =	sne.s32 s2, $0x0  }
0x35: {  	s3 =	rddreg [dreg:$0x2];
	[bflag:$0x3] =	sbarrier.arrive $0xFFFF;
	s2 =	simm.s32 @!p0 $0x1C01  }
0x36: {  	[timem:s3], [sflag:s2] =	dma.local @!p0 [hbm:s0], s1  }
0x37: {  	s0 =	simm.s32 @!p0 $0x1  }
0x38: {  	_ =	swait.ge @!p0 [sflag:s0], s1  }
0x39: {  	s1 =	ssub.s32 @!p0 $0x0, s1;
	[sflag:s0] =	ssyncset.done @!p0 $0x0  }
0x3a: {  	[sflag:s0] =	ssyncadd.s32 @!p0 s1  }
0x3b: {  	[bflag:$0x3] =	sbarrier.arrive $0xFFFF  }
0x3c: {  	_ =	shalt  }

// kernel: kernel.15.cloned.1.call-start
scs
__scs_entry_jumppad:
0x0: {  	(pc) =	sbr.rel $0x88, $3  }
0x1: {  	(tag) =	ssettag $0x0;
	lr =	simm.s32 $0x1  }
0x2: {  	[smem:$0x3F93] =	sst lr;
	_ =	strace $0xD0000000  }
0x3: {  	_ = 	snop  }
0x4: {  	_ = 	snop  }
0x5: {  	_ = 	snop  }
0x6: {  	_ = 	snop  }
0x7: {  	_ = 	snop  }
__scs_overlays_trampoline_lowered:
0x8: {  	[smem:$0x3FA2] =	sst s0  }
0x9: {  	[smem:$0x3FA3] =	sst s1  }
0xa: {  	[smem:$0x3FA4] =	sst s2  }
0xb: {  	[smem:$0x3FA5] =	sst s3  }
0xc: {  	[smem:$0x3FA6] =	sst s4  }
0xd: {  	[smem:$0x3FA7] =	sst s5  }
0xe: {  	[smem:$0x3FA8] =	sst s6  }
0xf: {  	[smem:$0x3FA9] =	sst s7  }
0x10: {  	[smem:$0x3FAA] =	sst s8  }
0x11: {  	[smem:$0x3FAB] =	sst s9;
	s0 =	simm.s32 @!p0 $0x0  }
0x12: {  	s1 =	sld [smem:$0x3F91];
	s0 =	simm.s32 @p0 $0x1  }
0x13: {  	[smem:$0x3FAC] =	sst s0;
	s0 =	simm.s32 @!p1 $0x0  }
0x14: {  	s2 =	sld [smem:$0x3F90];
	s0 =	simm.s32 @p1 $0x1  }
0x15: {  	[smem:$0x3FAD] =	sst s0;
	s0 =	simm.s32 @!p2 $0x0  }
0x16: {  	s3 =	sld [smem:$0x3FDB];
	s0 =	simm.s32 @p2 $0x1  }
0x17: {  	s4 =	simm.s32 $0x1BF5;
	[smem:$0x3FAF] =	sst s0  }
0x18: {  	s0 =	sld [smem:$0x3F92];
	_ =	swait.ge [sflag:s4], $0x0  }
0x19: {  	s7 =	sld [smem:$0x3F93]  }
0x1a: {  	s8 =	sadd.s32 $0xFFFFE003, lr  }
0x1b: {  	s9 =	sadd.s32 $0xFFFFFEF7, lr;
	s5 =	simm.s32 $0xFFFFFFFF;
	p2 =	slt.u32 s8, $0xFFFFF086  }
0x1c: {  	p1 =	slt.u32 s9, $0xF7A;
	s5 =	simm.s32 @!p2 $0x0  }
0x1d: {  	s5 =	simm.s32 @p1 $0x1;
	p0 =	seq.s32 s7, s2  }
0x1e: {  	s7 =	smul.u32 @!p0 $0xF7A, s2;
	p2 =	seq.s32 @!p0 s5, $0x0  }
0x1f: {  	s9 =	smul.u32 $0xF7A, s1;
	s8 =	simm.s32 @!p0 $0x1BF5;
	p2 =	por !p2, p0  }
0x20: {  	[sflag:s8] =	ssyncset.s32 @!p0 $0xFFFFF086;
	s6 =	sadd.s32 @!p0 s3, s7;
	s7 =	simm.s32 @!p0 $0x108  }
0x21: {  	s3 =	sadd.s32 s3, s9;
	s6 =	sadd.s32 @!p0 $0x88, s6;
	s7 =	simm.s32 @p2 $0x1082  }
0x22: {  	[simem:s7], [sflag:s8] =	dma.local @!p0 [hbm:s6], $0xF7A  }
0x23: {  	s9 =	sor.u32 $0xD0000000, s2;
	s6 =	simm.s32 $0x108;
	_ =	swait.ge @!p0 [sflag:s8], $0x0  }
0x24: {  	s3 =	sadd.s32 $0x88, s3;
	s6 =	simm.s32 @!p1 $0x1082;
	[sflag:s4] =	ssyncset.s32 $0xFFFFF086  }
0x25: {  	[simem:s6], [sflag:s4] =	dma.local [hbm:s3], $0xF7A  }
0x26: {  	[smem:$0x3F93] =	sst s1;
	(tag) =	ssettag s2;
	_ =	strace s9  }
0x27: {  	s1 =	sld [smem:$0x3FA3]  }
0x28: {  	s2 =	sld [smem:$0x3FA4]  }
0x29: {  	s4 =	sld [smem:$0x3FA6]  }
0x2a: {  	p0 =	seq.s32 s5, $0x0;
	s5 =	sld [smem:$0x3FA7]  }
0x2b: {  	s6 =	sld [smem:$0x3FA8]  }
0x2c: {  	s7 =	sld [smem:$0x3FA9]  }
0x2d: {  	s3 =	simm.s32 $0x108;
	s8 =	sld [smem:$0x3FAA]  }
0x2e: {  	s3 =	simm.s32 @!p0 $0x1082;
	s9 =	sld [smem:$0x3FAB]  }
0x2f: {  	lr =	sadd.s32 s0, s3;
	s0 =	sld [smem:$0x3FA2]  }
0x30: {  	s3 =	sld [smem:$0x3FA5]  }
0x31: {  	[smem:$0x3FAE] =	sst s10  }
0x32: {  	s10 =	sld [smem:$0x3FAC];
	_ =	sdelay $0x3  }
0x33: {  	p0 =	seq.s32 s10, $0x1;
	s10 =	sld [smem:$0x3FAE];
	_ =	sdelay $0x3  }
0x34: {  	[smem:$0x3FAE] =	sst s10  }
0x35: {  	s10 =	sld [smem:$0x3FAD];
	_ =	sdelay $0x3  }
0x36: {  	p1 =	seq.s32 s10, $0x1;
	s10 =	sld [smem:$0x3FAE];
	_ =	sdelay $0x3  }
0x37: {  	[smem:$0x3FAE] =	sst s10  }
0x38: {  	s10 =	sld [smem:$0x3FAF]  }
0x39: {  	_ = 	snop;
	(pc) =	sbr.ind lr, $3  }
0x3a: {  	_ = 	snop  }
0x3b: {  	_ = 	snop  }
0x3c: {  	p2 =	seq.s32 s10, $0x1;
	s10 =	sld [smem:$0x3FAE]  }
0x3d: {  	_ =	shalt  }
0x3e: {  	_ =	shalt  }
0x3f: {  	_ =	shalt  }
0x40: {  	_ =	shalt  }
0x41: {  	_ =	shalt  }
0x42: {  	_ =	shalt  }
0x43: {  	_ =	shalt  }
0x44: {  	_ =	shalt  }
0x45: {  	_ =	shalt  }
0x46: {  	_ =	shalt  }
0x47: {  	_ =	shalt  }
0x48: {  	_ =	shalt  }
0x49: {  	_ =	shalt  }
0x4a: {  	_ =	shalt  }
0x4b: {  	_ =	shalt  }
0x4c: {  	_ =	shalt  }
0x4d: {  	_ =	shalt  }
0x4e: {  	_ =	shalt  }
0x4f: {  	_ =	shalt  }
0x50: {  	_ =	shalt  }
0x51: {  	_ =	shalt  }
0x52: {  	_ =	shalt  }
0x53: {  	_ =	shalt  }
0x54: {  	_ =	shalt  }
0x55: {  	_ =	shalt  }
0x56: {  	_ =	shalt  }
0x57: {  	_ =	shalt  }
0x58: {  	_ =	shalt  }
0x59: {  	_ =	shalt  }
0x5a: {  	_ =	shalt  }
0x5b: {  	_ =	shalt  }
0x5c: {  	_ =	shalt  }
0x5d: {  	_ =	shalt  }
0x5e: {  	_ =	shalt  }
0x5f: {  	_ =	shalt  }
0x60: {  	_ =	shalt  }
0x61: {  	_ =	shalt  }
0x62: {  	_ =	shalt  }
0x63: {  	_ =	shalt  }
0x64: {  	_ =	shalt  }
0x65: {  	_ =	shalt  }
0x66: {  	_ =	shalt  }
0x67: {  	_ =	shalt  }
0x68: {  	_ =	shalt  }
0x69: {  	_ =	shalt  }
0x6a: {  	_ =	shalt  }
0x6b: {  	_ =	shalt  }
0x6c: {  	_ =	shalt  }
0x6d: {  	_ =	shalt  }
0x6e: {  	_ =	shalt  }
0x6f: {  	_ =	shalt  }
0x70: {  	_ =	shalt  }
0x71: {  	_ =	shalt  }
0x72: {  	_ =	shalt  }
0x73: {  	_ =	shalt  }
0x74: {  	_ =	shalt  }
0x75: {  	_ =	shalt  }
0x76: {  	_ =	shalt  }
0x77: {  	_ =	shalt  }
0x78: {  	_ =	shalt  }
0x79: {  	_ =	shalt  }
0x7a: {  	_ =	shalt  }
0x7b: {  	_ =	shalt  }
0x7c: {  	_ =	shalt  }
0x7d: {  	_ =	shalt  }
0x7e: {  	_ =	shalt  }
0x7f: {  	_ =	shalt  }
0x80: {  	_ =	shalt  }
0x81: {  	_ =	shalt  }
0x82: {  	_ =	shalt  }
0x83: {  	_ =	shalt  }
0x84: {  	_ =	shalt  }
0x85: {  	_ =	shalt  }
0x86: {  	_ =	shalt  }
0x87: {  	_ =	shalt  }
.Lfunc_end0:
.L_simem_size_0:
called_computation.1_lowered:
.L_overlay_start_0:
0x88: {  	s2 =	sld [smem:$0x3FD9]  }
0x89: {  	s3 =	sld [smem:$0x3FFE];
	_ =	sdelay $0x1  }
0x8a: {  	s1 =	srdreg.scid  }
0x8b: {  	s0 =	sand.u32 $0x1, s1  }
0x8c: {  	s17 =	sshll.u32 s0, $0xA;
	s2 =	sadd.s32 s3, s2  }
0x8d: {  	s2 =	sadd.s32 s2, s17  }
0x8e: {  	[smem:$0x3FBA] =	sst s2  }
0x8f: {  	_ = 	snop  }
0x90: {  	s2 =	sld [smem:$0x3FD0];
	(tm) =	ssettm $0x1  }
0x91: {  	s18 =	sld [smem:$0x3FFB];
	_ =	sdelay $0x3  }
0x92: {  	_ =	strace s18  }
0x93: {  	s3 =	sld [smem:$0x3FFC];
	_ =	sdelay $0x3  }
0x94: {  	_ =	strace s3  }
0x95: {  	s3 =	sld [smem:$0x3FFD];
	_ =	sdelay $0x3  }
0x96: {  	_ =	strace s3  }
0x97: {  	_ =	strace $0x8FFFFFFF  }
0x98: {  	s19 =	sld [smem:$0x3FDB];
	_ =	sdelay $0x1  }
0x99: {  	s4 =	simm.s32 $_scs_section_size  }
0x9a: {  	s5 =	simm.s32 $_size__tile_overlayer_lowered;
	s6 =	simm.s32 $_tile_overlayer_lowered  }
0x9b: {  	s22 =	simm.s32 $0x1BFF;
	s21 =	sshll.u32 s6, $0x1;
	s3 =	sadd.s32 s4, s19  }
0x9c: {  	s7 =	simm.s32 $0x0;
	s20 =	sshll.u32 s5, $0x1;
	s5 =	sadd.s32 s21, s3  }
0x9d: {  	[timem:s7], [sflag:s22] =	dma.local [hbm:s5], s20  }
0x9e: {  	_ =	swait.ge [sflag:s22], s20  }
0x9f: {  	s4 =	ssub.s32 $0x0, s20;
	[sflag:s22] =	ssyncset.done $0x0  }
0xa0: {  	[sflag:s22] =	ssyncadd.s32 s4;
	_ =	sdelay $0x1  }
0xa1: {  	s23 =	simm.s32 $0x1B8B  }
0xa2: {  	_ =	swait.ge [sflag:s23], $0x1  }
0xa3: {  	[sflag:s23] =	ssyncset.done $0x0  }
0xa4: {  	s25 =	simm.s32 $0x1B8E;
	s24 =	sld [smem:$0x3FFE];
	[sflag:s23] =	ssyncadd.s32 $0xFFFFFFFF  }
0xa5: {  	s26 =	simm.s32 $execute0_lowered;
	[smem:$0x3FD2] =	sst s25  }
0xa6: {  	s5 =	sshll.u32 s26, $0x1;
	_ =	strace $0x80000049;
	[dreg:$0x1] =	wrdreg $0xFFFFFFFF  }
0xa7: {  	s28 =	simm.s32 $_size_execute0_lowered;
	s3 =	sadd.s32 s3, s5;
	[dreg:$0x0] =	wrdreg $0x0  }
0xa8: {  	s5 =	sshll.u32 s28, $0x1;
	[dreg:$0x2] =	wrdreg s3  }
0xa9: {  	[dreg:$0x3] =	wrdreg s5  }
0xaa: {  	[dreg:$0x4] =	wrdreg $0xC0  }
0xab: {  	_ =	task [dreg:s7], $0x5FFFF  }
0xac: {  	[dreg:$0x1] =	wrdreg $0xFFFFFFFF  }
0xad: {  	[dreg:$0x0] =	wrdreg $0x60  }
0xae: {  	[dreg:$0x2] =	wrdreg s2  }
0xaf: {  	[dreg:$0x3] =	wrdreg s24  }
0xb0: {  	[dreg:$0x4] =	wrdreg $0x0  }
0xb1: {  	[dreg:$0x5] =	wrdreg $0x9  }
0xb2: {  	_ =	task.clear_ibuf [dreg:s7], $0x6FFFF;
	_ =	strace $0x90000049  }
0xb3: {  	s29 =	simm.s32 $0x9;
	_ =	strace $0x8000004B  }
0xb4: {  	_ =	swait.ge [sflag:s29], $0x1  }
0xb5: {  	[sflag:s29] =	ssyncadd.s32 $0xFFFFFFFF  }
0xb6: {  	_ =	strace $0x9000004B  }
0xb7: {  	_ =	sfence  }
0xb8: {  	s30 =	sld [smem:$0x0];
	_ =	sdelay $0x2  }
0xb9: {  	s31 =	sshll.u32 s1, $0xD;
	s1 =	sshrl.u32 s1, $0x2  }
0xba: {  	s3 =	sand.u32 $0x4000, s31;
	s1 =	sadd.s32 s1, s30  }
0xbb: {  	s0 =	sor.u32 s3, s0;
	s1 =	sshll.u32 s1, $0x11  }
0xbc: {  	s0 =	sor.u32 s1, s0  }
0xbd: {  	s0 =	sadd.s32 $0x8F2B, s0  }
0xbe: {  	[sflag:s0] =	ssyncadd.remote.s32 $0x1  }
0xbf: {  	_ =	sfence.sel $0xFFFF  }
0xc0: {  	[dreg:$0x0] =	wrdreg $0xFFFFFFFF;
	(pc) =	sbr.abs _section_cstart, $3  }
0xc1: {  	[dreg:$0x1] =	wrdreg $0xFFFFFFFF  }
0xc2: {  	_ =	task.clear_ibuf [dreg:s7], $0x2FFFF;
	_ =	strace $0x9FFFFFFF  }
0xc3: {  	(tm) =	ssettm $0x7FFFFFFF  }
tec
execute0_lowered:
.L_overlay_start_1:
0x0: {  	(tag) =	ssettag $0x1  }
0x1: {  	s3 =	rddreg [dreg:$0x0]  }
0x2: {  	s0 =	srdreg.scid;
	s4 =	rddreg [dreg:$0x1]  }
0x3: {  	s8 =	stileid.u32;
	s2 =	rddreg [dreg:$0x2]  }
0x4: {  	s23 =	simm.s32 $0x0;
	s31 =	simm.s32 $0x2800;
	s30 =	simm.s32 $0x4F60  }
0x5: {  	s9 =	simm.s32 $0x76C0;
	s22 =	simm.s32 $0x2BF0;
	s11 =	simm.s32 $0x1  }
0x6: {  	s24 =	simm.s32 $0x2FE0;
	s25 =	simm.s32 $0x5350;
	s12 =	simm.s32 $0x3  }
0x7: {  	s26 =	simm.s32 $0x33D0;
	s13 =	simm.s32 $0x2;
	s10 =	simm.s32 $0x4  }
0x8: {  	s29 =	simm.s32 $0x5740;
	s28 =	simm.s32 $0x37C0;
	p0 =	por $0x0, $0x0  }
0x9: {  	s17 =	simm.s32 $0x6AF0;
	s15 =	simm.s32 $0x4B70;
	s16 =	simm.s32 $0x6EE0  }
0xa: {  	s14 =	simm.s32 $0x72D0;
	[smem:$0x7FF] =	sst s23;
	s7 =	sadd.s32 $0xDE00, s4  }
0xb: {  	s0 =	sand.u32 $0x1, s0;
	_ =	strace $0x8000004A;
	[dreg:$0x4] =	wrdreg s7  }
0xc: {  	s5 =	smul.u32 $0x2800, s8;
	s20 =	sshll.u32 s8, $0x6;
	[dreg:$0x8] =	wrdreg s22  }
0xd: {  	s1 =	sshll.u32 s0, $0x4;
	s6 =	smul.u32 $0x28000, s0;
	[dreg:$0x9] =	wrdreg s24  }
0xe: {  	s0 =	ssub.s32 $0x2, s0;
	s7 =	simm.s32 $0x3F0;
	[dreg:$0xa] =	wrdreg s25  }
0xf: {  	[dreg:$0xb] =	wrdreg s26;
	s26 =	simm.s32 $0x5B30;
	s24 =	simm.s32 $0x3BB0  }
0x10: {  	s25 =	simm.s32 $0x5F20;
	s22 =	simm.s32 $0x3FA0;
	s1 =	sor.u32 s8, s1  }
0x11: {  	s18 =	sshrl.u32 s0, $0x1;
	s8 =	simm.s32 $0xB5C0;
	s1 =	smul.u32 $0x4EC, s1  }
0x12: {  	s6 =	sadd.s32 s5, s6;
	s0 =	ssub.s32 s0, s18;
	s5 =	sadd.s32 s5, s2  }
0x13: {  	s18 =	simm.s32 $0x4390;
	s6 =	sshrl.u32 s6, $0x3;
	s0 =	smax.u32 s0, $0x1  }
0x14: {  	s1 =	sadd.s32 s1, s4;
	s6 =	sadd.s32 s6, s4;
	p1 =	sne.s32 s0, $0x1  }
.Ltmp0:
0x15: {  	s4 =	sor.u32 $0x1C05, s20;
	s19 =	sadd.s32 $0x1E200, s1;
	(pc) =	sbr.rel @!p1 .LBB2_3-.Ltmp0, $4  }
0x16: {  	s20 =	simm.s32 $0x6700;
	s1 =	sadd.s32 $0x4000, s1;
	[dreg:$0x5] =	wrdreg s19  }
0x17: {  	s21 =	sadd.s32 $0xE400, s6;
	s6 =	sshrl.u32 s5, $0x3;
	[dreg:$0x6] =	wrdreg s1  }
0x18: {  	s5 =	simm.s32 $0x5;
	[dreg:$0x7] =	wrdreg s21;
	s21 =	simm.s32 $0x6310  }
0x19: {  	s1 =	sadd.s32 $0xFFFFFFFF, s0;
	s19 =	simm.s32 $0x4780;
	s0 =	rddreg [dreg:$0x4]  }
0x1a: {  	[spmem:s6], [sflag:s4] =	dma.local [hbm:s0], $0x500  }
0x1b: {  	_ =	swait.ge [sflag:s5], $0x500  }
0x1c: {  	[sflag:s5] =	ssyncset.done $0x0  }
0x1d: {  	s0 =	rddreg [dreg:$0x5];
	[sflag:s5] =	ssyncadd.s32 $0xFFFFFB00  }
0x1e: {  	[tilespmem:s31], [sflag:$0x5] =	stream.linear.gather [hbm4b:s0+s23], $0x2760, $0x38;
	[tilespmem:$0xF4C0] =	vst v63  }
0x1f: {  	_ =	swait.ge [sflag:s5], $0x2760  }
0x20: {  	[sflag:s5] =	ssyncset.done $0x0  }
0x21: {  	s0 =	rddreg [dreg:$0x6];
	[sflag:s5] =	ssyncadd.s32 $0xFFFFD8A0  }
0x22: {  	[tilespmem:s30], [sflag:$0x5] =	stream.linear.gather [hbm4b:s0+s23], $0x2760, $0x38;
	[tilespmem:$0xF4C0] =	vst v63  }
0x23: {  	_ =	swait.ge [sflag:s5], $0x2760  }
0x24: {  	[sflag:s5] =	ssyncset.done $0x0  }
0x25: {  	[sflag:s5] =	ssyncadd.s32 $0xFFFFD8A0  }
0x26: {  	[bflag:$0x0] =	sbarrier.arrive $0xFFFF  }
0x27: {  	[tilespmem:s9], [sflag:$0x1] =	stream.indirect.gather [hbm4b:s3+s7], $0x10, s31, s7, $0xb8;
	[tilespmem:$0xF4C0] =	vst v63  }
0x28: {  	_ =	swait.ge [sflag:s11], $0x3F00  }
0x29: {  	[sflag:s11] =	ssyncset.done $0x0  }
0x2a: {  	s0 =	rddreg [dreg:$0x8];
	[sflag:s11] =	ssyncadd.s32 $0xFFFFC100  }
0x2b: {  	[tilespmem:s8], [sflag:$0x2] =	stream.indirect.gather [hbm4b:s3+s7], $0x10, s0, s7, $0xb8;
	[tilespmem:$0xF4C0] =	vst v63  }
0x2c: {  	_ = 	snop  }
0x2d: {  	[spmem:s2] =	stream.indirect.scatter.add.f32 [tilespmem:s9], [sflag:$0x3], $0x10, s30, s7, $0xb8;
	[tilespmem:$0xF4C0] =	vst v63  }
0x2e: {  	_ =	swait.ge [sflag:s12], $0x3F00  }
0x2f: {  	[sflag:s12] =	ssyncset.done $0x0  }
0x30: {  	s0 =	rddreg [dreg:$0x9];
	[sflag:s12] =	ssyncadd.s32 $0xFFFFC100  }
0x31: {  	[tilespmem:s9], [sflag:$0x1] =	stream.indirect.gather [hbm4b:s3+s7], $0x10, s0, s7, $0xb8;
	[tilespmem:$0xF4C0] =	vst v63  }
0x32: {  	_ =	swait.ge [sflag:s13], $0x3F00  }
0x33: {  	[sflag:s13] =	ssyncset.done $0x0  }
0x34: {  	s0 =	rddreg [dreg:$0xa];
	[sflag:s13] =	ssyncadd.s32 $0xFFFFC100  }
0x35: {  	[spmem:s2] =	stream.indirect.scatter.add.f32 [tilespmem:s8], [sflag:$0x4], $0x10, s0, s7, $0xb8;
	[tilespmem:$0xF4C0] =	vst v63  }
0x36: {  	_ =	swait.ge [sflag:s10], $0x3F00  }
0x37: {  	[sflag:s10] =	ssyncset.done $0x0  }
0x38: {  	[sflag:s10] =	ssyncadd.s32 $0xFFFFC100  }
0x39: {  	_ =	swait.ge [sflag:s11], $0x3F00  }
0x3a: {  	[sflag:s11] =	ssyncset.done $0x0  }
0x3b: {  	s0 =	rddreg [dreg:$0xb];
	[sflag:s11] =	ssyncadd.s32 $0xFFFFC100  }
0x3c: {  	[tilespmem:s8], [sflag:$0x2] =	stream.indirect.gather [hbm4b:s3+s7], $0x10, s0, s7, $0xb8;
	[tilespmem:$0xF4C0] =	vst v63  }
0x3d: {  	_ = 	snop  }
0x3e: {  	[spmem:s2] =	stream.indirect.scatter.add.f32 [tilespmem:s9], [sflag:$0x3], $0x10, s29, s7, $0xb8;
	[tilespmem:$0xF4C0] =	vst v63  }
0x3f: {  	_ =	swait.ge [sflag:s12], $0x3F00  }
0x40: {  	[sflag:s12] =	ssyncset.done $0x0  }
0x41: {  	[sflag:s12] =	ssyncadd.s32 $0xFFFFC100  }
0x42: {  	[tilespmem:s9], [sflag:$0x1] =	stream.indirect.gather [hbm4b:s3+s7], $0x10, s28, s7, $0xb8;
	[tilespmem:$0xF4C0] =	vst v63  }
0x43: {  	_ =	swait.ge [sflag:s13], $0x3F00  }
0x44: {  	[sflag:s13] =	ssyncset.done $0x0  }
0x45: {  	[sflag:s13] =	ssyncadd.s32 $0xFFFFC100  }
0x46: {  	[spmem:s2] =	stream.indirect.scatter.add.f32 [tilespmem:s8], [sflag:$0x4], $0x10, s26, s7, $0xb8;
	[tilespmem:$0xF4C0] =	vst v63  }
0x47: {  	_ =	swait.ge [sflag:s10], $0x3F00  }
0x48: {  	[sflag:s10] =	ssyncset.done $0x0  }
0x49: {  	[sflag:s10] =	ssyncadd.s32 $0xFFFFC100  }
0x4a: {  	_ =	swait.ge [sflag:s11], $0x3F00  }
0x4b: {  	[sflag:s11] =	ssyncset.done $0x0  }
0x4c: {  	[sflag:s11] =	ssyncadd.s32 $0xFFFFC100  }
0x4d: {  	[tilespmem:s8], [sflag:$0x2] =	stream.indirect.gather [hbm4b:s3+s7], $0x10, s24, s7, $0xb8;
	[tilespmem:$0xF4C0] =	vst v63  }
0x4e: {  	_ = 	snop  }
0x4f: {  	[spmem:s2] =	stream.indirect.scatter.add.f32 [tilespmem:s9], [sflag:$0x3], $0x10, s25, s7, $0xb8;
	[tilespmem:$0xF4C0] =	vst v63  }
0x50: {  	_ =	swait.ge [sflag:s12], $0x3F00  }
0x51: {  	[sflag:s12] =	ssyncset.done $0x0  }
0x52: {  	[sflag:s12] =	ssyncadd.s32 $0xFFFFC100  }
0x53: {  	[tilespmem:s9], [sflag:$0x1] =	stream.indirect.gather [hbm4b:s3+s7], $0x10, s22, s7, $0xb8;
	[tilespmem:$0xF4C0] =	vst v63  }
0x54: {  	_ =	swait.ge [sflag:s13], $0x3F00  }
0x55: {  	[sflag:s13] =	ssyncset.done $0x0  }
0x56: {  	[sflag:s13] =	ssyncadd.s32 $0xFFFFC100  }
0x57: {  	[spmem:s2] =	stream.indirect.scatter.add.f32 [tilespmem:s8], [sflag:$0x4], $0x10, s21, s7, $0xb8;
	[tilespmem:$0xF4C0] =	vst v63  }
0x58: {  	_ =	swait.ge [sflag:s10], $0x3F00  }
0x59: {  	[sflag:s10] =	ssyncset.done $0x0  }
0x5a: {  	[sflag:s10] =	ssyncadd.s32 $0xFFFFC100  }
0x5b: {  	_ =	swait.ge [sflag:s11], $0x3F00  }
0x5c: {  	[sflag:s11] =	ssyncset.done $0x0  }
0x5d: {  	[sflag:s11] =	ssyncadd.s32 $0xFFFFC100  }
0x5e: {  	[tilespmem:s8], [sflag:$0x2] =	stream.indirect.gather [hbm4b:s3+s7], $0x10, s18, s7, $0xb8;
	[tilespmem:$0xF4C0] =	vst v63  }
0x5f: {  	_ = 	snop  }
0x60: {  	[spmem:s2] =	stream.indirect.scatter.add.f32 [tilespmem:s9], [sflag:$0x3], $0x10, s20, s7, $0xb8;
	[tilespmem:$0xF4C0] =	vst v63  }
0x61: {  	_ =	swait.ge [sflag:s12], $0x3F00  }
0x62: {  	[sflag:s12] =	ssyncset.done $0x0  }
0x63: {  	[sflag:s12] =	ssyncadd.s32 $0xFFFFC100  }
0x64: {  	[tilespmem:s9], [sflag:$0x1] =	stream.indirect.gather [hbm4b:s3+s7], $0x10, s19, s7, $0xb8;
	[tilespmem:$0xF4C0] =	vst v63  }
0x65: {  	_ =	swait.ge [sflag:s13], $0x3F00  }
0x66: {  	[sflag:s13] =	ssyncset.done $0x0  }
0x67: {  	[sflag:s13] =	ssyncadd.s32 $0xFFFFC100  }
0x68: {  	[spmem:s2] =	stream.indirect.scatter.add.f32 [tilespmem:s8], [sflag:$0x4], $0x10, s17, s7, $0xb8;
	[tilespmem:$0xF4C0] =	vst v63  }
0x69: {  	_ =	swait.ge [sflag:s10], $0x3F00  }
0x6a: {  	[sflag:s10] =	ssyncset.done $0x0  }
0x6b: {  	[sflag:s10] =	ssyncadd.s32 $0xFFFFC100  }
0x6c: {  	_ =	swait.ge [sflag:s11], $0x3F00  }
0x6d: {  	[sflag:s11] =	ssyncset.done $0x0  }
0x6e: {  	[sflag:s11] =	ssyncadd.s32 $0xFFFFC100  }
0x6f: {  	[tilespmem:s8], [sflag:$0x2] =	stream.indirect.gather [hbm4b:s3+s7], $0x10, s15, s7, $0xb8;
	[tilespmem:$0xF4C0] =	vst v63  }
0x70: {  	_ = 	snop  }
0x71: {  	[spmem:s2] =	stream.indirect.scatter.add.f32 [tilespmem:s9], [sflag:$0x3], $0x10, s16, s7, $0xb8;
	[tilespmem:$0xF4C0] =	vst v63  }
0x72: {  	_ =	swait.ge [sflag:s12], $0x3F00  }
0x73: {  	[sflag:s12] =	ssyncset.done $0x0  }
0x74: {  	[sflag:s12] =	ssyncadd.s32 $0xFFFFC100  }
0x75: {  	_ =	swait.ge [sflag:s13], $0x3F00  }
0x76: {  	[sflag:s13] =	ssyncset.done $0x0  }
0x77: {  	[sflag:s13] =	ssyncadd.s32 $0xFFFFC100  }
0x78: {  	[spmem:s2] =	stream.indirect.scatter.add.f32 [tilespmem:s8], [sflag:$0x4], $0x10, s14, s7, $0xb8;
	[tilespmem:$0xF4C0] =	vst v63  }
0x79: {  	_ =	swait.ge [sflag:s10], $0x3F00  }
0x7a: {  	[sflag:s10] =	ssyncset.done $0x0  }
0x7b: {  	p1 =	sne.s32 s1, $0x1;
	[sflag:s10] =	ssyncadd.s32 $0xFFFFC100  }
.Ltmp1:
0x7c: {  	[bflag:$0x0] =	sbarrier.arrive $0xFFFF;
	(pc) =	sbr.rel @!p1 .LBB2_3-.Ltmp1, $4  }
0x7d: {  	s0 =	rddreg [dreg:$0x7]  }
0x7e: {  	[hbm:s0], [sflag:s4] =	dma.local [spmem:s6], $0x500  }
0x7f: {  	s1 =	sadd.s32 $0xFFFFFFFF, s1;
	_ =	swait.ge [sflag:s5], $0x500  }
0x80: {  	p0 =	por $0x1, $0x1;
	s0 =	rddreg [dreg:$0x4];
	[sflag:s5] =	ssyncset.done $0x0  }
.LBB2_2:
0x81: {  	[sflag:s5] =	ssyncadd.s32 $0xFFFFFB00  }
0x82: {  	[spmem:s6], [sflag:s4] =	dma.local [hbm:s0], $0x500  }
0x83: {  	_ =	swait.ge [sflag:s5], $0x500  }
0x84: {  	[sflag:s5] =	ssyncset.done $0x0  }
0x85: {  	s0 =	rddreg [dreg:$0x5];
	[sflag:s5] =	ssyncadd.s32 $0xFFFFFB00  }
0x86: {  	[tilespmem:s31], [sflag:$0x5] =	stream.linear.gather [hbm4b:s0+s23], $0x2760, $0x38;
	[tilespmem:$0xF4C0] =	vst v63  }
0x87: {  	_ =	swait.ge [sflag:s5], $0x2760  }
0x88: {  	[sflag:s5] =	ssyncset.done $0x0  }
0x89: {  	s0 =	rddreg [dreg:$0x6];
	[sflag:s5] =	ssyncadd.s32 $0xFFFFD8A0  }
0x8a: {  	[tilespmem:s30], [sflag:$0x5] =	stream.linear.gather [hbm4b:s0+s23], $0x2760, $0x38;
	[tilespmem:$0xF4C0] =	vst v63  }
0x8b: {  	_ =	swait.ge [sflag:s5], $0x2760  }
0x8c: {  	[sflag:s5] =	ssyncset.done $0x0  }
0x8d: {  	[sflag:s5] =	ssyncadd.s32 $0xFFFFD8A0  }
0x8e: {  	[bflag:$0x0] =	sbarrier.arrive $0xFFFF  }
0x8f: {  	[tilespmem:s9], [sflag:$0x1] =	stream.indirect.gather [hbm4b:s3+s7], $0x10, s31, s7, $0xb8;
	[tilespmem:$0xF4C0] =	vst v63  }
0x90: {  	_ =	swait.ge [sflag:s11], $0x3F00  }
0x91: {  	[sflag:s11] =	ssyncset.done $0x0  }
0x92: {  	s0 =	rddreg [dreg:$0x8];
	[sflag:s11] =	ssyncadd.s32 $0xFFFFC100  }
0x93: {  	[tilespmem:s8], [sflag:$0x2] =	stream.indirect.gather [hbm4b:s3+s7], $0x10, s0, s7, $0xb8;
	[tilespmem:$0xF4C0] =	vst v63  }
0x94: {  	_ = 	snop  }
0x95: {  	[spmem:s2] =	stream.indirect.scatter.add.f32 [tilespmem:s9], [sflag:$0x3], $0x10, s30, s7, $0xb8;
	[tilespmem:$0xF4C0] =	vst v63  }
0x96: {  	_ =	swait.ge [sflag:s12], $0x3F00  }
0x97: {  	[sflag:s12] =	ssyncset.done $0x0  }
0x98: {  	s0 =	rddreg [dreg:$0x9];
	[sflag:s12] =	ssyncadd.s32 $0xFFFFC100  }
0x99: {  	[tilespmem:s9], [sflag:$0x1] =	stream.indirect.gather [hbm4b:s3+s7], $0x10, s0, s7, $0xb8;
	[tilespmem:$0xF4C0] =	vst v63  }
0x9a: {  	_ =	swait.ge [sflag:s13], $0x3F00  }
0x9b: {  	[sflag:s13] =	ssyncset.done $0x0  }
0x9c: {  	s0 =	rddreg [dreg:$0xa];
	[sflag:s13] =	ssyncadd.s32 $0xFFFFC100  }
0x9d: {  	[spmem:s2] =	stream.indirect.scatter.add.f32 [tilespmem:s8], [sflag:$0x4], $0x10, s0, s7, $0xb8;
	[tilespmem:$0xF4C0] =	vst v63  }
0x9e: {  	_ =	swait.ge [sflag:s10], $0x3F00  }
0x9f: {  	[sflag:s10] =	ssyncset.done $0x0  }
0xa0: {  	[sflag:s10] =	ssyncadd.s32 $0xFFFFC100  }
0xa1: {  	_ =	swait.ge [sflag:s11], $0x3F00  }
0xa2: {  	[sflag:s11] =	ssyncset.done $0x0  }
0xa3: {  	s0 =	rddreg [dreg:$0xb];
	[sflag:s11] =	ssyncadd.s32 $0xFFFFC100  }
0xa4: {  	[tilespmem:s8], [sflag:$0x2] =	stream.indirect.gather [hbm4b:s3+s7], $0x10, s0, s7, $0xb8;
	[tilespmem:$0xF4C0] =	vst v63  }
0xa5: {  	_ = 	snop  }
0xa6: {  	[spmem:s2] =	stream.indirect.scatter.add.f32 [tilespmem:s9], [sflag:$0x3], $0x10, s29, s7, $0xb8;
	[tilespmem:$0xF4C0] =	vst v63  }
0xa7: {  	_ =	swait.ge [sflag:s12], $0x3F00  }
0xa8: {  	[sflag:s12] =	ssyncset.done $0x0  }
0xa9: {  	[sflag:s12] =	ssyncadd.s32 $0xFFFFC100  }
0xaa: {  	[tilespmem:s9], [sflag:$0x1] =	stream.indirect.gather [hbm4b:s3+s7], $0x10, s28, s7, $0xb8;
	[tilespmem:$0xF4C0] =	vst v63  }
0xab: {  	_ =	swait.ge [sflag:s13], $0x3F00  }
0xac: {  	[sflag:s13] =	ssyncset.done $0x0  }
0xad: {  	[sflag:s13] =	ssyncadd.s32 $0xFFFFC100  }
0xae: {  	[spmem:s2] =	stream.indirect.scatter.add.f32 [tilespmem:s8], [sflag:$0x4], $0x10, s26, s7, $0xb8;
	[tilespmem:$0xF4C0] =	vst v63  }
0xaf: {  	_ =	swait.ge [sflag:s10], $0x3F00  }
0xb0: {  	[sflag:s10] =	ssyncset.done $0x0  }
0xb1: {  	[sflag:s10] =	ssyncadd.s32 $0xFFFFC100  }
0xb2: {  	_ =	swait.ge [sflag:s11], $0x3F00  }
0xb3: {  	[sflag:s11] =	ssyncset.done $0x0  }
0xb4: {  	[sflag:s11] =	ssyncadd.s32 $0xFFFFC100  }
0xb5: {  	[tilespmem:s8], [sflag:$0x2] =	stream.indirect.gather [hbm4b:s3+s7], $0x10, s24, s7, $0xb8;
	[tilespmem:$0xF4C0] =	vst v63  }
0xb6: {  	_ = 	snop  }
0xb7: {  	[spmem:s2] =	stream.indirect.scatter.add.f32 [tilespmem:s9], [sflag:$0x3], $0x10, s25, s7, $0xb8;
	[tilespmem:$0xF4C0] =	vst v63  }
0xb8: {  	_ =	swait.ge [sflag:s12], $0x3F00  }
0xb9: {  	[sflag:s12] =	ssyncset.done $0x0  }
0xba: {  	[sflag:s12] =	ssyncadd.s32 $0xFFFFC100  }
0xbb: {  	[tilespmem:s9], [sflag:$0x1] =	stream.indirect.gather [hbm4b:s3+s7], $0x10, s22, s7, $0xb8;
	[tilespmem:$0xF4C0] =	vst v63  }
0xbc: {  	_ =	swait.ge [sflag:s13], $0x3F00  }
0xbd: {  	[sflag:s13] =	ssyncset.done $0x0  }
0xbe: {  	[sflag:s13] =	ssyncadd.s32 $0xFFFFC100  }
0xbf: {  	[spmem:s2] =	stream.indirect.scatter.add.f32 [tilespmem:s8], [sflag:$0x4], $0x10, s21, s7, $0xb8;
	[tilespmem:$0xF4C0] =	vst v63  }
0xc0: {  	_ =	swait.ge [sflag:s10], $0x3F00  }
0xc1: {  	[sflag:s10] =	ssyncset.done $0x0  }
0xc2: {  	[sflag:s10] =	ssyncadd.s32 $0xFFFFC100  }
0xc3: {  	_ =	swait.ge [sflag:s11], $0x3F00  }
0xc4: {  	[sflag:s11] =	ssyncset.done $0x0  }
0xc5: {  	[sflag:s11] =	ssyncadd.s32 $0xFFFFC100  }
0xc6: {  	[tilespmem:s8], [sflag:$0x2] =	stream.indirect.gather [hbm4b:s3+s7], $0x10, s18, s7, $0xb8;
	[tilespmem:$0xF4C0] =	vst v63  }
0xc7: {  	_ = 	snop  }
0xc8: {  	[spmem:s2] =	stream.indirect.scatter.add.f32 [tilespmem:s9], [sflag:$0x3], $0x10, s20, s7, $0xb8;
	[tilespmem:$0xF4C0] =	vst v63  }
0xc9: {  	_ =	swait.ge [sflag:s12], $0x3F00  }
0xca: {  	[sflag:s12] =	ssyncset.done $0x0  }
0xcb: {  	[sflag:s12] =	ssyncadd.s32 $0xFFFFC100  }
0xcc: {  	[tilespmem:s9], [sflag:$0x1] =	stream.indirect.gather [hbm4b:s3+s7], $0x10, s19, s7, $0xb8;
	[tilespmem:$0xF4C0] =	vst v63  }
0xcd: {  	_ =	swait.ge [sflag:s13], $0x3F00  }
0xce: {  	[sflag:s13] =	ssyncset.done $0x0  }
0xcf: {  	[sflag:s13] =	ssyncadd.s32 $0xFFFFC100  }
0xd0: {  	[spmem:s2] =	stream.indirect.scatter.add.f32 [tilespmem:s8], [sflag:$0x4], $0x10, s17, s7, $0xb8;
	[tilespmem:$0xF4C0] =	vst v63  }
0xd1: {  	_ =	swait.ge [sflag:s10], $0x3F00  }
0xd2: {  	[sflag:s10] =	ssyncset.done $0x0  }
0xd3: {  	[sflag:s10] =	ssyncadd.s32 $0xFFFFC100  }
0xd4: {  	_ =	swait.ge [sflag:s11], $0x3F00  }
0xd5: {  	[sflag:s11] =	ssyncset.done $0x0  }
0xd6: {  	[sflag:s11] =	ssyncadd.s32 $0xFFFFC100  }
0xd7: {  	[tilespmem:s8], [sflag:$0x2] =	stream.indirect.gather [hbm4b:s3+s7], $0x10, s15, s7, $0xb8;
	[tilespmem:$0xF4C0] =	vst v63  }
0xd8: {  	_ = 	snop  }
0xd9: {  	[spmem:s2] =	stream.indirect.scatter.add.f32 [tilespmem:s9], [sflag:$0x3], $0x10, s16, s7, $0xb8;
	[tilespmem:$0xF4C0] =	vst v63  }
0xda: {  	_ =	swait.ge [sflag:s12], $0x3F00  }
0xdb: {  	[sflag:s12] =	ssyncset.done $0x0  }
0xdc: {  	[sflag:s12] =	ssyncadd.s32 $0xFFFFC100  }
0xdd: {  	_ =	swait.ge [sflag:s13], $0x3F00  }
0xde: {  	[sflag:s13] =	ssyncset.done $0x0  }
0xdf: {  	[sflag:s13] =	ssyncadd.s32 $0xFFFFC100  }
0xe0: {  	[spmem:s2] =	stream.indirect.scatter.add.f32 [tilespmem:s8], [sflag:$0x4], $0x10, s14, s7, $0xb8;
	[tilespmem:$0xF4C0] =	vst v63  }
0xe1: {  	_ =	swait.ge [sflag:s10], $0x3F00  }
0xe2: {  	[sflag:s10] =	ssyncset.done $0x0  }
0xe3: {  	p1 =	sne.s32 s1, $0x1;
	[sflag:s10] =	ssyncadd.s32 $0xFFFFC100  }
.Ltmp2:
0xe4: {  	[bflag:$0x0] =	sbarrier.arrive $0xFFFF;
	(pc) =	sbr.rel @p1 .LBB2_2-.Ltmp2, $4  }
0xe5: {  	s0 =	rddreg [dreg:$0x7]  }
0xe6: {  	[hbm:s0], [sflag:s4] =	dma.local [spmem:s6], $0x500  }
0xe7: {  	_ =	swait.ge [sflag:s5], $0x500  }
0xe8: {  	s1 =	sadd.s32 $0xFFFFFFFF, s1;
	s0 =	rddreg [dreg:$0x4];
	[sflag:s5] =	ssyncset.done $0x0  }
.LBB2_3:
0xe9: {  	[sflag:s5] =	ssyncadd.s32 @p0 $0xFFFFFB00  }
0xea: {  	[spmem:s6], [sflag:s4] =	dma.local [hbm:s0], $0x500  }
0xeb: {  	_ =	swait.ge [sflag:s5], $0x500  }
0xec: {  	[sflag:s5] =	ssyncset.done $0x0  }
0xed: {  	s1 =	rddreg [dreg:$0x5];
	[sflag:s5] =	ssyncadd.s32 $0xFFFFFB00  }
0xee: {  	[tilespmem:s31], [sflag:$0x5] =	stream.linear.gather [hbm4b:s1+s23], $0x2760, $0x38;
	[tilespmem:$0xF4C0] =	vst v63  }
0xef: {  	_ =	swait.ge [sflag:s5], $0x2760  }
0xf0: {  	[sflag:s5] =	ssyncset.done $0x0  }
0xf1: {  	s1 =	rddreg [dreg:$0x6];
	[sflag:s5] =	ssyncadd.s32 $0xFFFFD8A0  }
0xf2: {  	[tilespmem:s30], [sflag:$0x5] =	stream.linear.gather [hbm4b:s1+s23], $0x2760, $0x38;
	[tilespmem:$0xF4C0] =	vst v63  }
0xf3: {  	_ =	swait.ge [sflag:s5], $0x2760  }
0xf4: {  	[sflag:s5] =	ssyncset.done $0x0  }
0xf5: {  	[sflag:s5] =	ssyncadd.s32 $0xFFFFD8A0  }
0xf6: {  	[bflag:$0x0] =	sbarrier.arrive $0xFFFF  }
0xf7: {  	[tilespmem:s9], [sflag:$0x1] =	stream.indirect.gather [hbm4b:s3+s7], $0x10, s31, s7, $0xb8;
	[tilespmem:$0xF4C0] =	vst v63  }
0xf8: {  	_ =	swait.ge [sflag:s11], $0x3F00  }
0xf9: {  	[sflag:s11] =	ssyncset.done $0x0  }
0xfa: {  	s23 =	rddreg [dreg:$0x8];
	[sflag:s11] =	ssyncadd.s32 $0xFFFFC100  }
0xfb: {  	[tilespmem:s8], [sflag:$0x2] =	stream.indirect.gather [hbm4b:s3+s7], $0x10, s23, s7, $0xb8;
	[tilespmem:$0xF4C0] =	vst v63  }
0xfc: {  	_ = 	snop  }
0xfd: {  	[spmem:s2] =	stream.indirect.scatter.add.f32 [tilespmem:s9], [sflag:$0x3], $0x10, s30, s7, $0xb8;
	[tilespmem:$0xF4C0] =	vst v63  }
0xfe: {  	_ =	swait.ge [sflag:s12], $0x3F00  }
0xff: {  	[sflag:s12] =	ssyncset.done $0x0  }
0x100: {  	s31 =	rddreg [dreg:$0x9];
	[sflag:s12] =	ssyncadd.s32 $0xFFFFC100  }
0x101: {  	[tilespmem:s9], [sflag:$0x1] =	stream.indirect.gather [hbm4b:s3+s7], $0x10, s31, s7, $0xb8;
	[tilespmem:$0xF4C0] =	vst v63  }
0x102: {  	_ =	swait.ge [sflag:s13], $0x3F00  }
0x103: {  	[sflag:s13] =	ssyncset.done $0x0  }
0x104: {  	s1 =	rddreg [dreg:$0xa];
	[sflag:s13] =	ssyncadd.s32 $0xFFFFC100  }
0x105: {  	[spmem:s2] =	stream.indirect.scatter.add.f32 [tilespmem:s8], [sflag:$0x4], $0x10, s1, s7, $0xb8;
	[tilespmem:$0xF4C0] =	vst v63  }
0x106: {  	_ =	swait.ge [sflag:s10], $0x3F00  }
0x107: {  	[sflag:s10] =	ssyncset.done $0x0  }
0x108: {  	[sflag:s10] =	ssyncadd.s32 $0xFFFFC100  }
0x109: {  	_ =	swait.ge [sflag:s11], $0x3F00  }
0x10a: {  	[sflag:s11] =	ssyncset.done $0x0  }
0x10b: {  	s23 =	rddreg [dreg:$0xb];
	[sflag:s11] =	ssyncadd.s32 $0xFFFFC100  }
0x10c: {  	[tilespmem:s8], [sflag:$0x2] =	stream.indirect.gather [hbm4b:s3+s7], $0x10, s23, s7, $0xb8;
	[tilespmem:$0xF4C0] =	vst v63  }
0x10d: {  	_ = 	snop  }
0x10e: {  	[spmem:s2] =	stream.indirect.scatter.add.f32 [tilespmem:s9], [sflag:$0x3], $0x10, s29, s7, $0xb8;
	[tilespmem:$0xF4C0] =	vst v63  }
0x10f: {  	_ =	swait.ge [sflag:s12], $0x3F00  }
0x110: {  	[sflag:s12] =	ssyncset.done $0x0  }
0x111: {  	[sflag:s12] =	ssyncadd.s32 $0xFFFFC100  }
0x112: {  	[tilespmem:s9], [sflag:$0x1] =	stream.indirect.gather [hbm4b:s3+s7], $0x10, s28, s7, $0xb8;
	[tilespmem:$0xF4C0] =	vst v63  }
0x113: {  	_ =	swait.ge [sflag:s13], $0x3F00  }
0x114: {  	[sflag:s13] =	ssyncset.done $0x0  }
0x115: {  	[sflag:s13] =	ssyncadd.s32 $0xFFFFC100  }
0x116: {  	[spmem:s2] =	stream.indirect.scatter.add.f32 [tilespmem:s8], [sflag:$0x4], $0x10, s26, s7, $0xb8;
	[tilespmem:$0xF4C0] =	vst v63  }
0x117: {  	_ =	swait.ge [sflag:s10], $0x3F00  }
0x118: {  	[sflag:s10] =	ssyncset.done $0x0  }
0x119: {  	[sflag:s10] =	ssyncadd.s32 $0xFFFFC100  }
0x11a: {  	_ =	swait.ge [sflag:s11], $0x3F00  }
0x11b: {  	[sflag:s11] =	ssyncset.done $0x0  }
0x11c: {  	[sflag:s11] =	ssyncadd.s32 $0xFFFFC100  }
0x11d: {  	[tilespmem:s8], [sflag:$0x2] =	stream.indirect.gather [hbm4b:s3+s7], $0x10, s24, s7, $0xb8;
	[tilespmem:$0xF4C0] =	vst v63  }
0x11e: {  	_ = 	snop  }
0x11f: {  	[spmem:s2] =	stream.indirect.scatter.add.f32 [tilespmem:s9], [sflag:$0x3], $0x10, s25, s7, $0xb8;
	[tilespmem:$0xF4C0] =	vst v63  }
0x120: {  	_ =	swait.ge [sflag:s12], $0x3F00  }
0x121: {  	[sflag:s12] =	ssyncset.done $0x0  }
0x122: {  	[sflag:s12] =	ssyncadd.s32 $0xFFFFC100  }
0x123: {  	[tilespmem:s9], [sflag:$0x1] =	stream.indirect.gather [hbm4b:s3+s7], $0x10, s22, s7, $0xb8;
	[tilespmem:$0xF4C0] =	vst v63  }
0x124: {  	_ =	swait.ge [sflag:s13], $0x3F00  }
0x125: {  	[sflag:s13] =	ssyncset.done $0x0  }
0x126: {  	[sflag:s13] =	ssyncadd.s32 $0xFFFFC100  }
0x127: {  	[spmem:s2] =	stream.indirect.scatter.add.f32 [tilespmem:s8], [sflag:$0x4], $0x10, s21, s7, $0xb8;
	[tilespmem:$0xF4C0] =	vst v63  }
0x128: {  	_ =	swait.ge [sflag:s10], $0x3F00  }
0x129: {  	[sflag:s10] =	ssyncset.done $0x0  }
0x12a: {  	[sflag:s10] =	ssyncadd.s32 $0xFFFFC100  }
0x12b: {  	_ =	swait.ge [sflag:s11], $0x3F00  }
0x12c: {  	[sflag:s11] =	ssyncset.done $0x0  }
0x12d: {  	[sflag:s11] =	ssyncadd.s32 $0xFFFFC100  }
0x12e: {  	[tilespmem:s8], [sflag:$0x2] =	stream.indirect.gather [hbm4b:s3+s7], $0x10, s18, s7, $0xb8;
	[tilespmem:$0xF4C0] =	vst v63  }
0x12f: {  	_ = 	snop  }
0x130: {  	[spmem:s2] =	stream.indirect.scatter.add.f32 [tilespmem:s9], [sflag:$0x3], $0x10, s20, s7, $0xb8;
	[tilespmem:$0xF4C0] =	vst v63  }
0x131: {  	_ =	swait.ge [sflag:s12], $0x3F00  }
0x132: {  	[sflag:s12] =	ssyncset.done $0x0  }
0x133: {  	[sflag:s12] =	ssyncadd.s32 $0xFFFFC100  }
0x134: {  	[tilespmem:s9], [sflag:$0x1] =	stream.indirect.gather [hbm4b:s3+s7], $0x10, s19, s7, $0xb8;
	[tilespmem:$0xF4C0] =	vst v63  }
0x135: {  	_ =	swait.ge [sflag:s13], $0x3F00  }
0x136: {  	[sflag:s13] =	ssyncset.done $0x0  }
0x137: {  	[sflag:s13] =	ssyncadd.s32 $0xFFFFC100  }
0x138: {  	[spmem:s2] =	stream.indirect.scatter.add.f32 [tilespmem:s8], [sflag:$0x4], $0x10, s17, s7, $0xb8;
	[tilespmem:$0xF4C0] =	vst v63  }
0x139: {  	_ =	swait.ge [sflag:s10], $0x3F00  }
0x13a: {  	[sflag:s10] =	ssyncset.done $0x0  }
0x13b: {  	[sflag:s10] =	ssyncadd.s32 $0xFFFFC100  }
0x13c: {  	_ =	swait.ge [sflag:s11], $0x3F00  }
0x13d: {  	[sflag:s11] =	ssyncset.done $0x0  }
0x13e: {  	[sflag:s11] =	ssyncadd.s32 $0xFFFFC100  }
0x13f: {  	[tilespmem:s8], [sflag:$0x2] =	stream.indirect.gather [hbm4b:s3+s7], $0x10, s15, s7, $0xb8;
	[tilespmem:$0xF4C0] =	vst v63  }
0x140: {  	_ = 	snop  }
0x141: {  	[spmem:s2] =	stream.indirect.scatter.add.f32 [tilespmem:s9], [sflag:$0x3], $0x10, s16, s7, $0xb8;
	[tilespmem:$0xF4C0] =	vst v63  }
0x142: {  	_ =	swait.ge [sflag:s12], $0x3F00  }
0x143: {  	[sflag:s12] =	ssyncset.done $0x0  }
0x144: {  	[sflag:s12] =	ssyncadd.s32 $0xFFFFC100  }
0x145: {  	_ =	swait.ge [sflag:s13], $0x3F00  }
0x146: {  	[sflag:s13] =	ssyncset.done $0x0  }
0x147: {  	[sflag:s13] =	ssyncadd.s32 $0xFFFFC100  }
0x148: {  	[spmem:s2] =	stream.indirect.scatter.add.f32 [tilespmem:s8], [sflag:$0x4], $0x10, s14, s7, $0xb8;
	[tilespmem:$0xF4C0] =	vst v63  }
0x149: {  	_ =	swait.ge [sflag:s10], $0x3F00  }
0x14a: {  	[sflag:s10] =	ssyncset.done $0x0  }
0x14b: {  	[sflag:s10] =	ssyncadd.s32 $0xFFFFC100  }
0x14c: {  	[bflag:$0x0] =	sbarrier.arrive $0xFFFF  }
0x14d: {  	s30 =	rddreg [dreg:$0x7]  }
0x14e: {  	[hbm:s30], [sflag:s4] =	dma.local [spmem:s6], $0x500  }
0x14f: {  	_ =	swait.ge [sflag:s5], $0x500  }
0x150: {  	[sflag:s5] =	ssyncset.done $0x0  }
0x151: {  	[sflag:s5] =	ssyncadd.s32 $0xFFFFFB00  }
0x152: {  	_ =	sfence.sel $0x180000  }
0x153: {  	[bflag:$0x0] =	sbarrier.arrive $0xFFFF  }
0x154: {  	_ =	strace $0x9000004A  }
0x155: {  	s31 =	stileid.u32;
	[bflag:$0x2] =	sbarrier.arrive $0xFFFF  }
0x156: {  	p0 =	sne.s32 s31, $0x0;
	s0 =	rddreg [dreg:$0x3]  }
0x157: {  	s0 =	sadd.s32 @!p0 $0x100000, s0  }
0x158: {  	[sflag:s0] =	ssyncadd.tile.s32 @!p0 $0x1;
	_ =	shalt  }
.Lfunc_end2:
_tile_overlayer_lowered:
.L_overlay_start_2:
0x159: {  	(tag) =	ssettag $0x2  }
0x15a: {  	s0 =	rddreg [dreg:$0x0];
	s2 =	stileid.u32  }
0x15b: {  	s1 =	rddreg [dreg:$0x1];
	p0 =	sne.s32 s2, $0x0  }
0x15c: {  	s3 =	rddreg [dreg:$0x2];
	[bflag:$0x3] =	sbarrier.arrive $0xFFFF;
	s2 =	simm.s32 @!p0 $0x1C05  }
0x15d: {  	[timem:s3], [sflag:s2] =	dma.local @!p0 [hbm:s0], s1  }
0x15e: {  	s0 =	simm.s32 @!p0 $0x5  }
0x15f: {  	_ =	swait.ge @!p0 [sflag:s0], s1  }
0x160: {  	s1 =	ssub.s32 @!p0 $0x0, s1;
	[sflag:s0] =	ssyncset.done @!p0 $0x0  }
0x161: {  	[sflag:s0] =	ssyncadd.s32 @!p0 s1  }
0x162: {  	[bflag:$0x3] =	sbarrier.arrive $0xFFFF  }
0x163: {  	_ =	shalt  }

// kernel: kernel.18.cloned.1.call-start
scs
__scs_entry_jumppad:
0x0: {  	(pc) =	sbr.rel $0x88, $3  }
0x1: {  	(tag) =	ssettag $0x0;
	lr =	simm.s32 $0x1  }
0x2: {  	[smem:$0x3F93] =	sst lr;
	_ =	strace $0xD0000000  }
0x3: {  	_ = 	snop  }
0x4: {  	_ = 	snop  }
0x5: {  	_ = 	snop  }
0x6: {  	_ = 	snop  }
0x7: {  	_ = 	snop  }
__scs_overlays_trampoline_lowered:
0x8: {  	[smem:$0x3FA2] =	sst s0  }
0x9: {  	[smem:$0x3FA3] =	sst s1  }
0xa: {  	[smem:$0x3FA4] =	sst s2  }
0xb: {  	[smem:$0x3FA5] =	sst s3  }
0xc: {  	[smem:$0x3FA6] =	sst s4  }
0xd: {  	[smem:$0x3FA7] =	sst s5  }
0xe: {  	[smem:$0x3FA8] =	sst s6  }
0xf: {  	[smem:$0x3FA9] =	sst s7  }
0x10: {  	[smem:$0x3FAA] =	sst s8  }
0x11: {  	[smem:$0x3FAB] =	sst s9;
	s0 =	simm.s32 @!p0 $0x0  }
0x12: {  	s1 =	sld [smem:$0x3F91];
	s0 =	simm.s32 @p0 $0x1  }
0x13: {  	[smem:$0x3FAC] =	sst s0;
	s0 =	simm.s32 @!p1 $0x0  }
0x14: {  	s2 =	sld [smem:$0x3F90];
	s0 =	simm.s32 @p1 $0x1  }
0x15: {  	[smem:$0x3FAD] =	sst s0;
	s0 =	simm.s32 @!p2 $0x0  }
0x16: {  	s3 =	sld [smem:$0x3FDB];
	s0 =	simm.s32 @p2 $0x1  }
0x17: {  	s4 =	simm.s32 $0x1BF5;
	[smem:$0x3FAF] =	sst s0  }
0x18: {  	s0 =	sld [smem:$0x3F92];
	_ =	swait.ge [sflag:s4], $0x0  }
0x19: {  	s7 =	sld [smem:$0x3F93]  }
0x1a: {  	s8 =	sadd.s32 $0xFFFFE003, lr  }
0x1b: {  	s9 =	sadd.s32 $0xFFFFFEF7, lr;
	s5 =	simm.s32 $0xFFFFFFFF;
	p2 =	slt.u32 s8, $0xFFFFF086  }
0x1c: {  	p1 =	slt.u32 s9, $0xF7A;
	s5 =	simm.s32 @!p2 $0x0  }
0x1d: {  	s5 =	simm.s32 @p1 $0x1;
	p0 =	seq.s32 s7, s2  }
0x1e: {  	s7 =	smul.u32 @!p0 $0xF7A, s2;
	p2 =	seq.s32 @!p0 s5, $0x0  }
0x1f: {  	s9 =	smul.u32 $0xF7A, s1;
	s8 =	simm.s32 @!p0 $0x1BF5;
	p2 =	por !p2, p0  }
0x20: {  	[sflag:s8] =	ssyncset.s32 @!p0 $0xFFFFF086;
	s6 =	sadd.s32 @!p0 s3, s7;
	s7 =	simm.s32 @!p0 $0x108  }
0x21: {  	s3 =	sadd.s32 s3, s9;
	s6 =	sadd.s32 @!p0 $0x88, s6;
	s7 =	simm.s32 @p2 $0x1082  }
0x22: {  	[simem:s7], [sflag:s8] =	dma.local @!p0 [hbm:s6], $0xF7A  }
0x23: {  	s9 =	sor.u32 $0xD0000000, s2;
	s6 =	simm.s32 $0x108;
	_ =	swait.ge @!p0 [sflag:s8], $0x0  }
0x24: {  	s3 =	sadd.s32 $0x88, s3;
	s6 =	simm.s32 @!p1 $0x1082;
	[sflag:s4] =	ssyncset.s32 $0xFFFFF086  }
0x25: {  	[simem:s6], [sflag:s4] =	dma.local [hbm:s3], $0xF7A  }
0x26: {  	[smem:$0x3F93] =	sst s1;
	(tag) =	ssettag s2;
	_ =	strace s9  }
0x27: {  	s1 =	sld [smem:$0x3FA3]  }
0x28: {  	s2 =	sld [smem:$0x3FA4]  }
0x29: {  	s4 =	sld [smem:$0x3FA6]  }
0x2a: {  	p0 =	seq.s32 s5, $0x0;
	s5 =	sld [smem:$0x3FA7]  }
0x2b: {  	s6 =	sld [smem:$0x3FA8]  }
0x2c: {  	s7 =	sld [smem:$0x3FA9]  }
0x2d: {  	s3 =	simm.s32 $0x108;
	s8 =	sld [smem:$0x3FAA]  }
0x2e: {  	s3 =	simm.s32 @!p0 $0x1082;
	s9 =	sld [smem:$0x3FAB]  }
0x2f: {  	lr =	sadd.s32 s0, s3;
	s0 =	sld [smem:$0x3FA2]  }
0x30: {  	s3 =	sld [smem:$0x3FA5]  }
0x31: {  	[smem:$0x3FAE] =	sst s10  }
0x32: {  	s10 =	sld [smem:$0x3FAC];
	_ =	sdelay $0x3  }
0x33: {  	p0 =	seq.s32 s10, $0x1;
	s10 =	sld [smem:$0x3FAE];
	_ =	sdelay $0x3  }
0x34: {  	[smem:$0x3FAE] =	sst s10  }
0x35: {  	s10 =	sld [smem:$0x3FAD];
	_ =	sdelay $0x3  }
0x36: {  	p1 =	seq.s32 s10, $0x1;
	s10 =	sld [smem:$0x3FAE];
	_ =	sdelay $0x3  }
0x37: {  	[smem:$0x3FAE] =	sst s10  }
0x38: {  	s10 =	sld [smem:$0x3FAF]  }
0x39: {  	_ = 	snop;
	(pc) =	sbr.ind lr, $3  }
0x3a: {  	_ = 	snop  }
0x3b: {  	_ = 	snop  }
0x3c: {  	p2 =	seq.s32 s10, $0x1;
	s10 =	sld [smem:$0x3FAE]  }
0x3d: {  	_ =	shalt  }
0x3e: {  	_ =	shalt  }
0x3f: {  	_ =	shalt  }
0x40: {  	_ =	shalt  }
0x41: {  	_ =	shalt  }
0x42: {  	_ =	shalt  }
0x43: {  	_ =	shalt  }
0x44: {  	_ =	shalt  }
0x45: {  	_ =	shalt  }
0x46: {  	_ =	shalt  }
0x47: {  	_ =	shalt  }
0x48: {  	_ =	shalt  }
0x49: {  	_ =	shalt  }
0x4a: {  	_ =	shalt  }
0x4b: {  	_ =	shalt  }
0x4c: {  	_ =	shalt  }
0x4d: {  	_ =	shalt  }
0x4e: {  	_ =	shalt  }
0x4f: {  	_ =	shalt  }
0x50: {  	_ =	shalt  }
0x51: {  	_ =	shalt  }
0x52: {  	_ =	shalt  }
0x53: {  	_ =	shalt  }
0x54: {  	_ =	shalt  }
0x55: {  	_ =	shalt  }
0x56: {  	_ =	shalt  }
0x57: {  	_ =	shalt  }
0x58: {  	_ =	shalt  }
0x59: {  	_ =	shalt  }
0x5a: {  	_ =	shalt  }
0x5b: {  	_ =	shalt  }
0x5c: {  	_ =	shalt  }
0x5d: {  	_ =	shalt  }
0x5e: {  	_ =	shalt  }
0x5f: {  	_ =	shalt  }
0x60: {  	_ =	shalt  }
0x61: {  	_ =	shalt  }
0x62: {  	_ =	shalt  }
0x63: {  	_ =	shalt  }
0x64: {  	_ =	shalt  }
0x65: {  	_ =	shalt  }
0x66: {  	_ =	shalt  }
0x67: {  	_ =	shalt  }
0x68: {  	_ =	shalt  }
0x69: {  	_ =	shalt  }
0x6a: {  	_ =	shalt  }
0x6b: {  	_ =	shalt  }
0x6c: {  	_ =	shalt  }
0x6d: {  	_ =	shalt  }
0x6e: {  	_ =	shalt  }
0x6f: {  	_ =	shalt  }
0x70: {  	_ =	shalt  }
0x71: {  	_ =	shalt  }
0x72: {  	_ =	shalt  }
0x73: {  	_ =	shalt  }
0x74: {  	_ =	shalt  }
0x75: {  	_ =	shalt  }
0x76: {  	_ =	shalt  }
0x77: {  	_ =	shalt  }
0x78: {  	_ =	shalt  }
0x79: {  	_ =	shalt  }
0x7a: {  	_ =	shalt  }
0x7b: {  	_ =	shalt  }
0x7c: {  	_ =	shalt  }
0x7d: {  	_ =	shalt  }
0x7e: {  	_ =	shalt  }
0x7f: {  	_ =	shalt  }
0x80: {  	_ =	shalt  }
0x81: {  	_ =	shalt  }
0x82: {  	_ =	shalt  }
0x83: {  	_ =	shalt  }
0x84: {  	_ =	shalt  }
0x85: {  	_ =	shalt  }
0x86: {  	_ =	shalt  }
0x87: {  	_ =	shalt  }
.Lfunc_end0:
.L_simem_size_0:
called_computation.2_lowered:
.L_overlay_start_0:
0x88: {  	s2 =	sld [smem:$0x3FD9]  }
0x89: {  	s3 =	sld [smem:$0x3FFE];
	_ =	sdelay $0x1  }
0x8a: {  	s1 =	srdreg.scid  }
0x8b: {  	s0 =	sand.u32 $0x1, s1  }
0x8c: {  	s17 =	sshll.u32 s0, $0xA;
	s2 =	sadd.s32 s3, s2  }
0x8d: {  	s2 =	sadd.s32 s2, s17  }
0x8e: {  	[smem:$0x3FBA] =	sst s2  }
0x8f: {  	_ = 	snop  }
0x90: {  	s2 =	sld [smem:$0x3FD0];
	(tm) =	ssettm $0x1  }
0x91: {  	s18 =	sld [smem:$0x3FFB];
	_ =	sdelay $0x3  }
0x92: {  	_ =	strace s18  }
0x93: {  	s3 =	sld [smem:$0x3FFC];
	_ =	sdelay $0x3  }
0x94: {  	_ =	strace s3  }
0x95: {  	s3 =	sld [smem:$0x3FFD];
	_ =	sdelay $0x3  }
0x96: {  	_ =	strace s3  }
0x97: {  	_ =	strace $0x8FFFFFFF  }
0x98: {  	s19 =	sld [smem:$0x3FDB];
	_ =	sdelay $0x1  }
0x99: {  	s4 =	simm.s32 $_scs_section_size  }
0x9a: {  	s5 =	simm.s32 $_size__tile_overlayer_lowered;
	s6 =	simm.s32 $_tile_overlayer_lowered  }
0x9b: {  	s22 =	simm.s32 $0x1BFF;
	s21 =	sshll.u32 s6, $0x1;
	s3 =	sadd.s32 s4, s19  }
0x9c: {  	s7 =	simm.s32 $0x0;
	s20 =	sshll.u32 s5, $0x1;
	s5 =	sadd.s32 s21, s3  }
0x9d: {  	[timem:s7], [sflag:s22] =	dma.local [hbm:s5], s20  }
0x9e: {  	_ =	swait.ge [sflag:s22], s20  }
0x9f: {  	s4 =	ssub.s32 $0x0, s20;
	[sflag:s22] =	ssyncset.done $0x0  }
0xa0: {  	[sflag:s22] =	ssyncadd.s32 s4;
	_ =	sdelay $0x1  }
0xa1: {  	s23 =	simm.s32 $0x1B8B  }
0xa2: {  	_ =	swait.ge [sflag:s23], $0x1  }
0xa3: {  	[sflag:s23] =	ssyncset.done $0x0  }
0xa4: {  	s25 =	simm.s32 $0x1B8E;
	s24 =	sld [smem:$0x3FFE];
	[sflag:s23] =	ssyncadd.s32 $0xFFFFFFFF  }
0xa5: {  	s26 =	simm.s32 $execute0_lowered;
	[smem:$0x3FD2] =	sst s25  }
0xa6: {  	s5 =	sshll.u32 s26, $0x1;
	_ =	strace $0x8000004C;
	[dreg:$0x1] =	wrdreg $0xFFFFFFFF  }
0xa7: {  	s28 =	simm.s32 $_size_execute0_lowered;
	s3 =	sadd.s32 s3, s5;
	[dreg:$0x0] =	wrdreg $0x0  }
0xa8: {  	s5 =	sshll.u32 s28, $0x1;
	[dreg:$0x2] =	wrdreg s3  }
0xa9: {  	[dreg:$0x3] =	wrdreg s5  }
0xaa: {  	[dreg:$0x4] =	wrdreg $0xC0  }
0xab: {  	_ =	task [dreg:s7], $0x5FFFF  }
0xac: {  	[dreg:$0x1] =	wrdreg $0xFFFFFFFF  }
0xad: {  	[dreg:$0x0] =	wrdreg $0x60  }
0xae: {  	[dreg:$0x2] =	wrdreg s2  }
0xaf: {  	[dreg:$0x3] =	wrdreg s24  }
0xb0: {  	[dreg:$0x4] =	wrdreg $0x0  }
0xb1: {  	[dreg:$0x5] =	wrdreg $0x9  }
0xb2: {  	_ =	task.clear_ibuf [dreg:s7], $0x6FFFF;
	_ =	strace $0x9000004C  }
0xb3: {  	s29 =	simm.s32 $0x9;
	_ =	strace $0x8000004E  }
0xb4: {  	_ =	swait.ge [sflag:s29], $0x1  }
0xb5: {  	[sflag:s29] =	ssyncadd.s32 $0xFFFFFFFF  }
0xb6: {  	_ =	strace $0x9000004E  }
0xb7: {  	_ =	sfence  }
0xb8: {  	s30 =	sld [smem:$0x0];
	_ =	sdelay $0x2  }
0xb9: {  	s31 =	sshll.u32 s1, $0xD;
	s1 =	sshrl.u32 s1, $0x2  }
0xba: {  	s3 =	sand.u32 $0x4000, s31;
	s1 =	sadd.s32 s1, s30  }
0xbb: {  	s0 =	sor.u32 s3, s0;
	s1 =	sshll.u32 s1, $0x11  }
0xbc: {  	s0 =	sor.u32 s1, s0  }
0xbd: {  	s0 =	sadd.s32 $0x8F2B, s0  }
0xbe: {  	[sflag:s0] =	ssyncadd.remote.s32 $0x1  }
0xbf: {  	_ =	sfence.sel $0xFFFF  }
0xc0: {  	[dreg:$0x0] =	wrdreg $0xFFFFFFFF;
	(pc) =	sbr.abs _section_cstart, $3  }
0xc1: {  	[dreg:$0x1] =	wrdreg $0xFFFFFFFF  }
0xc2: {  	_ =	task.clear_ibuf [dreg:s7], $0x2FFFF;
	_ =	strace $0x9FFFFFFF  }
0xc3: {  	(tm) =	ssettm $0x7FFFFFFF  }
tec
execute0_lowered:
.L_overlay_start_1:
0x0: {  	(tag) =	ssettag $0x1  }
0x1: {  	s3 =	rddreg [dreg:$0x0]  }
0x2: {  	s0 =	srdreg.scid;
	s4 =	rddreg [dreg:$0x1]  }
0x3: {  	s8 =	stileid.u32;
	s2 =	rddreg [dreg:$0x2]  }
0x4: {  	s23 =	simm.s32 $0x0;
	s31 =	simm.s32 $0x2800;
	s30 =	simm.s32 $0x4F60  }
0x5: {  	s9 =	simm.s32 $0x76C0;
	s22 =	simm.s32 $0x2BF0;
	s11 =	simm.s32 $0x1  }
0x6: {  	s24 =	simm.s32 $0x2FE0;
	s25 =	simm.s32 $0x5350;
	s12 =	simm.s32 $0x3  }
0x7: {  	s26 =	simm.s32 $0x33D0;
	s13 =	simm.s32 $0x2;
	s10 =	simm.s32 $0x4  }
0x8: {  	s29 =	simm.s32 $0x5740;
	s28 =	simm.s32 $0x37C0;
	p0 =	por $0x0, $0x0  }
0x9: {  	s17 =	simm.s32 $0x6AF0;
	s15 =	simm.s32 $0x4B70;
	s16 =	simm.s32 $0x6EE0  }
0xa: {  	s14 =	simm.s32 $0x72D0;
	[smem:$0x7FF] =	sst s23;
	s7 =	sadd.s32 $0xDE00, s4  }
0xb: {  	s0 =	sand.u32 $0x1, s0;
	_ =	strace $0x8000004D;
	[dreg:$0x4] =	wrdreg s7  }
0xc: {  	s5 =	smul.u32 $0x2800, s8;
	s20 =	sshll.u32 s8, $0x6;
	[dreg:$0x8] =	wrdreg s22  }
0xd: {  	s1 =	sshll.u32 s0, $0x4;
	s6 =	smul.u32 $0x28000, s0;
	[dreg:$0x9] =	wrdreg s24  }
0xe: {  	s0 =	ssub.s32 $0x2, s0;
	s7 =	simm.s32 $0x3F0;
	[dreg:$0xa] =	wrdreg s25  }
0xf: {  	[dreg:$0xb] =	wrdreg s26;
	s26 =	simm.s32 $0x5B30;
	s24 =	simm.s32 $0x3BB0  }
0x10: {  	s25 =	simm.s32 $0x5F20;
	s22 =	simm.s32 $0x3FA0;
	s1 =	sor.u32 s8, s1  }
0x11: {  	s18 =	sshrl.u32 s0, $0x1;
	s8 =	simm.s32 $0xB5C0;
	s1 =	smul.u32 $0x4EC, s1  }
0x12: {  	s6 =	sadd.s32 s5, s6;
	s0 =	ssub.s32 s0, s18;
	s5 =	sadd.s32 s5, s2  }
0x13: {  	s18 =	simm.s32 $0x4390;
	s6 =	sshrl.u32 s6, $0x3;
	s0 =	smax.u32 s0, $0x1  }
0x14: {  	s1 =	sadd.s32 s1, s4;
	s6 =	sadd.s32 s6, s4;
	p1 =	sne.s32 s0, $0x1  }
.Ltmp0:
0x15: {  	s4 =	sor.u32 $0x1C05, s20;
	s19 =	sadd.s32 $0x1E200, s1;
	(pc) =	sbr.rel @!p1 .LBB2_3-.Ltmp0, $4  }
0x16: {  	s20 =	simm.s32 $0x6700;
	s1 =	sadd.s32 $0x4000, s1;
	[dreg:$0x5] =	wrdreg s19  }
0x17: {  	s21 =	sadd.s32 $0xE400, s6;
	s6 =	sshrl.u32 s5, $0x3;
	[dreg:$0x6] =	wrdreg s1  }
0x18: {  	s5 =	simm.s32 $0x5;
	[dreg:$0x7] =	wrdreg s21;
	s21 =	simm.s32 $0x6310  }
0x19: {  	s1 =	sadd.s32 $0xFFFFFFFF, s0;
	s19 =	simm.s32 $0x4780;
	s0 =	rddreg [dreg:$0x4]  }
0x1a: {  	[spmem:s6], [sflag:s4] =	dma.local [hbm:s0], $0x500  }
0x1b: {  	_ =	swait.ge [sflag:s5], $0x500  }
0x1c: {  	[sflag:s5] =	ssyncset.done $0x0  }
0x1d: {  	s0 =	rddreg [dreg:$0x5];
	[sflag:s5] =	ssyncadd.s32 $0xFFFFFB00  }
0x1e: {  	[tilespmem:s31], [sflag:$0x5] =	stream.linear.gather [hbm4b:s0+s23], $0x2760, $0x38;
	[tilespmem:$0xF4C0] =	vst v63  }
0x1f: {  	_ =	swait.ge [sflag:s5], $0x2760  }
0x20: {  	[sflag:s5] =	ssyncset.done $0x0  }
0x21: {  	s0 =	rddreg [dreg:$0x6];
	[sflag:s5] =	ssyncadd.s32 $0xFFFFD8A0  }
0x22: {  	[tilespmem:s30], [sflag:$0x5] =	stream.linear.gather [hbm4b:s0+s23], $0x2760, $0x38;
	[tilespmem:$0xF4C0] =	vst v63  }
0x23: {  	_ =	swait.ge [sflag:s5], $0x2760  }
0x24: {  	[sflag:s5] =	ssyncset.done $0x0  }
0x25: {  	[sflag:s5] =	ssyncadd.s32 $0xFFFFD8A0  }
0x26: {  	[bflag:$0x0] =	sbarrier.arrive $0xFFFF  }
0x27: {  	[tilespmem:s9], [sflag:$0x1] =	stream.indirect.gather [hbm4b:s3+s7], $0x10, s31, s7, $0xb8;
	[tilespmem:$0xF4C0] =	vst v63  }
0x28: {  	_ =	swait.ge [sflag:s11], $0x3F00  }
0x29: {  	[sflag:s11] =	ssyncset.done $0x0  }
0x2a: {  	s0 =	rddreg [dreg:$0x8];
	[sflag:s11] =	ssyncadd.s32 $0xFFFFC100  }
0x2b: {  	[tilespmem:s8], [sflag:$0x2] =	stream.indirect.gather [hbm4b:s3+s7], $0x10, s0, s7, $0xb8;
	[tilespmem:$0xF4C0] =	vst v63  }
0x2c: {  	_ = 	snop  }
0x2d: {  	[spmem:s2] =	stream.indirect.scatter.add.f32 [tilespmem:s9], [sflag:$0x3], $0x10, s30, s7, $0xb8;
	[tilespmem:$0xF4C0] =	vst v63  }
0x2e: {  	_ =	swait.ge [sflag:s12], $0x3F00  }
0x2f: {  	[sflag:s12] =	ssyncset.done $0x0  }
0x30: {  	s0 =	rddreg [dreg:$0x9];
	[sflag:s12] =	ssyncadd.s32 $0xFFFFC100  }
0x31: {  	[tilespmem:s9], [sflag:$0x1] =	stream.indirect.gather [hbm4b:s3+s7], $0x10, s0, s7, $0xb8;
	[tilespmem:$0xF4C0] =	vst v63  }
0x32: {  	_ =	swait.ge [sflag:s13], $0x3F00  }
0x33: {  	[sflag:s13] =	ssyncset.done $0x0  }
0x34: {  	s0 =	rddreg [dreg:$0xa];
	[sflag:s13] =	ssyncadd.s32 $0xFFFFC100  }
0x35: {  	[spmem:s2] =	stream.indirect.scatter.add.f32 [tilespmem:s8], [sflag:$0x4], $0x10, s0, s7, $0xb8;
	[tilespmem:$0xF4C0] =	vst v63  }
0x36: {  	_ =	swait.ge [sflag:s10], $0x3F00  }
0x37: {  	[sflag:s10] =	ssyncset.done $0x0  }
0x38: {  	[sflag:s10] =	ssyncadd.s32 $0xFFFFC100  }
0x39: {  	_ =	swait.ge [sflag:s11], $0x3F00  }
0x3a: {  	[sflag:s11] =	ssyncset.done $0x0  }
0x3b: {  	s0 =	rddreg [dreg:$0xb];
	[sflag:s11] =	ssyncadd.s32 $0xFFFFC100  }
0x3c: {  	[tilespmem:s8], [sflag:$0x2] =	stream.indirect.gather [hbm4b:s3+s7], $0x10, s0, s7, $0xb8;
	[tilespmem:$0xF4C0] =	vst v63  }
0x3d: {  	_ = 	snop  }
0x3e: {  	[spmem:s2] =	stream.indirect.scatter.add.f32 [tilespmem:s9], [sflag:$0x3], $0x10, s29, s7, $0xb8;
	[tilespmem:$0xF4C0] =	vst v63  }
0x3f: {  	_ =	swait.ge [sflag:s12], $0x3F00  }
0x40: {  	[sflag:s12] =	ssyncset.done $0x0  }
0x41: {  	[sflag:s12] =	ssyncadd.s32 $0xFFFFC100  }
0x42: {  	[tilespmem:s9], [sflag:$0x1] =	stream.indirect.gather [hbm4b:s3+s7], $0x10, s28, s7, $0xb8;
	[tilespmem:$0xF4C0] =	vst v63  }
0x43: {  	_ =	swait.ge [sflag:s13], $0x3F00  }
0x44: {  	[sflag:s13] =	ssyncset.done $0x0  }
0x45: {  	[sflag:s13] =	ssyncadd.s32 $0xFFFFC100  }
0x46: {  	[spmem:s2] =	stream.indirect.scatter.add.f32 [tilespmem:s8], [sflag:$0x4], $0x10, s26, s7, $0xb8;
	[tilespmem:$0xF4C0] =	vst v63  }
0x47: {  	_ =	swait.ge [sflag:s10], $0x3F00  }
0x48: {  	[sflag:s10] =	ssyncset.done $0x0  }
0x49: {  	[sflag:s10] =	ssyncadd.s32 $0xFFFFC100  }
0x4a: {  	_ =	swait.ge [sflag:s11], $0x3F00  }
0x4b: {  	[sflag:s11] =	ssyncset.done $0x0  }
0x4c: {  	[sflag:s11] =	ssyncadd.s32 $0xFFFFC100  }
0x4d: {  	[tilespmem:s8], [sflag:$0x2] =	stream.indirect.gather [hbm4b:s3+s7], $0x10, s24, s7, $0xb8;
	[tilespmem:$0xF4C0] =	vst v63  }
0x4e: {  	_ = 	snop  }
0x4f: {  	[spmem:s2] =	stream.indirect.scatter.add.f32 [tilespmem:s9], [sflag:$0x3], $0x10, s25, s7, $0xb8;
	[tilespmem:$0xF4C0] =	vst v63  }
0x50: {  	_ =	swait.ge [sflag:s12], $0x3F00  }
0x51: {  	[sflag:s12] =	ssyncset.done $0x0  }
0x52: {  	[sflag:s12] =	ssyncadd.s32 $0xFFFFC100  }
0x53: {  	[tilespmem:s9], [sflag:$0x1] =	stream.indirect.gather [hbm4b:s3+s7], $0x10, s22, s7, $0xb8;
	[tilespmem:$0xF4C0] =	vst v63  }
0x54: {  	_ =	swait.ge [sflag:s13], $0x3F00  }
0x55: {  	[sflag:s13] =	ssyncset.done $0x0  }
0x56: {  	[sflag:s13] =	ssyncadd.s32 $0xFFFFC100  }
0x57: {  	[spmem:s2] =	stream.indirect.scatter.add.f32 [tilespmem:s8], [sflag:$0x4], $0x10, s21, s7, $0xb8;
	[tilespmem:$0xF4C0] =	vst v63  }
0x58: {  	_ =	swait.ge [sflag:s10], $0x3F00  }
0x59: {  	[sflag:s10] =	ssyncset.done $0x0  }
0x5a: {  	[sflag:s10] =	ssyncadd.s32 $0xFFFFC100  }
0x5b: {  	_ =	swait.ge [sflag:s11], $0x3F00  }
0x5c: {  	[sflag:s11] =	ssyncset.done $0x0  }
0x5d: {  	[sflag:s11] =	ssyncadd.s32 $0xFFFFC100  }
0x5e: {  	[tilespmem:s8], [sflag:$0x2] =	stream.indirect.gather [hbm4b:s3+s7], $0x10, s18, s7, $0xb8;
	[tilespmem:$0xF4C0] =	vst v63  }
0x5f: {  	_ = 	snop  }
0x60: {  	[spmem:s2] =	stream.indirect.scatter.add.f32 [tilespmem:s9], [sflag:$0x3], $0x10, s20, s7, $0xb8;
	[tilespmem:$0xF4C0] =	vst v63  }
0x61: {  	_ =	swait.ge [sflag:s12], $0x3F00  }
0x62: {  	[sflag:s12] =	ssyncset.done $0x0  }
0x63: {  	[sflag:s12] =	ssyncadd.s32 $0xFFFFC100  }
0x64: {  	[tilespmem:s9], [sflag:$0x1] =	stream.indirect.gather [hbm4b:s3+s7], $0x10, s19, s7, $0xb8;
	[tilespmem:$0xF4C0] =	vst v63  }
0x65: {  	_ =	swait.ge [sflag:s13], $0x3F00  }
0x66: {  	[sflag:s13] =	ssyncset.done $0x0  }
0x67: {  	[sflag:s13] =	ssyncadd.s32 $0xFFFFC100  }
0x68: {  	[spmem:s2] =	stream.indirect.scatter.add.f32 [tilespmem:s8], [sflag:$0x4], $0x10, s17, s7, $0xb8;
	[tilespmem:$0xF4C0] =	vst v63  }
0x69: {  	_ =	swait.ge [sflag:s10], $0x3F00  }
0x6a: {  	[sflag:s10] =	ssyncset.done $0x0  }
0x6b: {  	[sflag:s10] =	ssyncadd.s32 $0xFFFFC100  }
0x6c: {  	_ =	swait.ge [sflag:s11], $0x3F00  }
0x6d: {  	[sflag:s11] =	ssyncset.done $0x0  }
0x6e: {  	[sflag:s11] =	ssyncadd.s32 $0xFFFFC100  }
0x6f: {  	[tilespmem:s8], [sflag:$0x2] =	stream.indirect.gather [hbm4b:s3+s7], $0x10, s15, s7, $0xb8;
	[tilespmem:$0xF4C0] =	vst v63  }
0x70: {  	_ = 	snop  }
0x71: {  	[spmem:s2] =	stream.indirect.scatter.add.f32 [tilespmem:s9], [sflag:$0x3], $0x10, s16, s7, $0xb8;
	[tilespmem:$0xF4C0] =	vst v63  }
0x72: {  	_ =	swait.ge [sflag:s12], $0x3F00  }
0x73: {  	[sflag:s12] =	ssyncset.done $0x0  }
0x74: {  	[sflag:s12] =	ssyncadd.s32 $0xFFFFC100  }
0x75: {  	_ =	swait.ge [sflag:s13], $0x3F00  }
0x76: {  	[sflag:s13] =	ssyncset.done $0x0  }
0x77: {  	[sflag:s13] =	ssyncadd.s32 $0xFFFFC100  }
0x78: {  	[spmem:s2] =	stream.indirect.scatter.add.f32 [tilespmem:s8], [sflag:$0x4], $0x10, s14, s7, $0xb8;
	[tilespmem:$0xF4C0] =	vst v63  }
0x79: {  	_ =	swait.ge [sflag:s10], $0x3F00  }
0x7a: {  	[sflag:s10] =	ssyncset.done $0x0  }
0x7b: {  	p1 =	sne.s32 s1, $0x1;
	[sflag:s10] =	ssyncadd.s32 $0xFFFFC100  }
.Ltmp1:
0x7c: {  	[bflag:$0x0] =	sbarrier.arrive $0xFFFF;
	(pc) =	sbr.rel @!p1 .LBB2_3-.Ltmp1, $4  }
0x7d: {  	s0 =	rddreg [dreg:$0x7]  }
0x7e: {  	[hbm:s0], [sflag:s4] =	dma.local [spmem:s6], $0x500  }
0x7f: {  	s1 =	sadd.s32 $0xFFFFFFFF, s1;
	_ =	swait.ge [sflag:s5], $0x500  }
0x80: {  	p0 =	por $0x1, $0x1;
	s0 =	rddreg [dreg:$0x4];
	[sflag:s5] =	ssyncset.done $0x0  }
.LBB2_2:
0x81: {  	[sflag:s5] =	ssyncadd.s32 $0xFFFFFB00  }
0x82: {  	[spmem:s6], [sflag:s4] =	dma.local [hbm:s0], $0x500  }
0x83: {  	_ =	swait.ge [sflag:s5], $0x500  }
0x84: {  	[sflag:s5] =	ssyncset.done $0x0  }
0x85: {  	s0 =	rddreg [dreg:$0x5];
	[sflag:s5] =	ssyncadd.s32 $0xFFFFFB00  }
0x86: {  	[tilespmem:s31], [sflag:$0x5] =	stream.linear.gather [hbm4b:s0+s23], $0x2760, $0x38;
	[tilespmem:$0xF4C0] =	vst v63  }
0x87: {  	_ =	swait.ge [sflag:s5], $0x2760  }
0x88: {  	[sflag:s5] =	ssyncset.done $0x0  }
0x89: {  	s0 =	rddreg [dreg:$0x6];
	[sflag:s5] =	ssyncadd.s32 $0xFFFFD8A0  }
0x8a: {  	[tilespmem:s30], [sflag:$0x5] =	stream.linear.gather [hbm4b:s0+s23], $0x2760, $0x38;
	[tilespmem:$0xF4C0] =	vst v63  }
0x8b: {  	_ =	swait.ge [sflag:s5], $0x2760  }
0x8c: {  	[sflag:s5] =	ssyncset.done $0x0  }
0x8d: {  	[sflag:s5] =	ssyncadd.s32 $0xFFFFD8A0  }
0x8e: {  	[bflag:$0x0] =	sbarrier.arrive $0xFFFF  }
0x8f: {  	[tilespmem:s9], [sflag:$0x1] =	stream.indirect.gather [hbm4b:s3+s7], $0x10, s31, s7, $0xb8;
	[tilespmem:$0xF4C0] =	vst v63  }
0x90: {  	_ =	swait.ge [sflag:s11], $0x3F00  }
0x91: {  	[sflag:s11] =	ssyncset.done $0x0  }
0x92: {  	s0 =	rddreg [dreg:$0x8];
	[sflag:s11] =	ssyncadd.s32 $0xFFFFC100  }
0x93: {  	[tilespmem:s8], [sflag:$0x2] =	stream.indirect.gather [hbm4b:s3+s7], $0x10, s0, s7, $0xb8;
	[tilespmem:$0xF4C0] =	vst v63  }
0x94: {  	_ = 	snop  }
0x95: {  	[spmem:s2] =	stream.indirect.scatter.add.f32 [tilespmem:s9], [sflag:$0x3], $0x10, s30, s7, $0xb8;
	[tilespmem:$0xF4C0] =	vst v63  }
0x96: {  	_ =	swait.ge [sflag:s12], $0x3F00  }
0x97: {  	[sflag:s12] =	ssyncset.done $0x0  }
0x98: {  	s0 =	rddreg [dreg:$0x9];
	[sflag:s12] =	ssyncadd.s32 $0xFFFFC100  }
0x99: {  	[tilespmem:s9], [sflag:$0x1] =	stream.indirect.gather [hbm4b:s3+s7], $0x10, s0, s7, $0xb8;
	[tilespmem:$0xF4C0] =	vst v63  }
0x9a: {  	_ =	swait.ge [sflag:s13], $0x3F00  }
0x9b: {  	[sflag:s13] =	ssyncset.done $0x0  }
0x9c: {  	s0 =	rddreg [dreg:$0xa];
	[sflag:s13] =	ssyncadd.s32 $0xFFFFC100  }
0x9d: {  	[spmem:s2] =	stream.indirect.scatter.add.f32 [tilespmem:s8], [sflag:$0x4], $0x10, s0, s7, $0xb8;
	[tilespmem:$0xF4C0] =	vst v63  }
0x9e: {  	_ =	swait.ge [sflag:s10], $0x3F00  }
0x9f: {  	[sflag:s10] =	ssyncset.done $0x0  }
0xa0: {  	[sflag:s10] =	ssyncadd.s32 $0xFFFFC100  }
0xa1: {  	_ =	swait.ge [sflag:s11], $0x3F00  }
0xa2: {  	[sflag:s11] =	ssyncset.done $0x0  }
0xa3: {  	s0 =	rddreg [dreg:$0xb];
	[sflag:s11] =	ssyncadd.s32 $0xFFFFC100  }
0xa4: {  	[tilespmem:s8], [sflag:$0x2] =	stream.indirect.gather [hbm4b:s3+s7], $0x10, s0, s7, $0xb8;
	[tilespmem:$0xF4C0] =	vst v63  }
0xa5: {  	_ = 	snop  }
0xa6: {  	[spmem:s2] =	stream.indirect.scatter.add.f32 [tilespmem:s9], [sflag:$0x3], $0x10, s29, s7, $0xb8;
	[tilespmem:$0xF4C0] =	vst v63  }
0xa7: {  	_ =	swait.ge [sflag:s12], $0x3F00  }
0xa8: {  	[sflag:s12] =	ssyncset.done $0x0  }
0xa9: {  	[sflag:s12] =	ssyncadd.s32 $0xFFFFC100  }
0xaa: {  	[tilespmem:s9], [sflag:$0x1] =	stream.indirect.gather [hbm4b:s3+s7], $0x10, s28, s7, $0xb8;
	[tilespmem:$0xF4C0] =	vst v63  }
0xab: {  	_ =	swait.ge [sflag:s13], $0x3F00  }
0xac: {  	[sflag:s13] =	ssyncset.done $0x0  }
0xad: {  	[sflag:s13] =	ssyncadd.s32 $0xFFFFC100  }
0xae: {  	[spmem:s2] =	stream.indirect.scatter.add.f32 [tilespmem:s8], [sflag:$0x4], $0x10, s26, s7, $0xb8;
	[tilespmem:$0xF4C0] =	vst v63  }
0xaf: {  	_ =	swait.ge [sflag:s10], $0x3F00  }
0xb0: {  	[sflag:s10] =	ssyncset.done $0x0  }
0xb1: {  	[sflag:s10] =	ssyncadd.s32 $0xFFFFC100  }
0xb2: {  	_ =	swait.ge [sflag:s11], $0x3F00  }
0xb3: {  	[sflag:s11] =	ssyncset.done $0x0  }
0xb4: {  	[sflag:s11] =	ssyncadd.s32 $0xFFFFC100  }
0xb5: {  	[tilespmem:s8], [sflag:$0x2] =	stream.indirect.gather [hbm4b:s3+s7], $0x10, s24, s7, $0xb8;
	[tilespmem:$0xF4C0] =	vst v63  }
0xb6: {  	_ = 	snop  }
0xb7: {  	[spmem:s2] =	stream.indirect.scatter.add.f32 [tilespmem:s9], [sflag:$0x3], $0x10, s25, s7, $0xb8;
	[tilespmem:$0xF4C0] =	vst v63  }
0xb8: {  	_ =	swait.ge [sflag:s12], $0x3F00  }
0xb9: {  	[sflag:s12] =	ssyncset.done $0x0  }
0xba: {  	[sflag:s12] =	ssyncadd.s32 $0xFFFFC100  }
0xbb: {  	[tilespmem:s9], [sflag:$0x1] =	stream.indirect.gather [hbm4b:s3+s7], $0x10, s22, s7, $0xb8;
	[tilespmem:$0xF4C0] =	vst v63  }
0xbc: {  	_ =	swait.ge [sflag:s13], $0x3F00  }
0xbd: {  	[sflag:s13] =	ssyncset.done $0x0  }
0xbe: {  	[sflag:s13] =	ssyncadd.s32 $0xFFFFC100  }
0xbf: {  	[spmem:s2] =	stream.indirect.scatter.add.f32 [tilespmem:s8], [sflag:$0x4], $0x10, s21, s7, $0xb8;
	[tilespmem:$0xF4C0] =	vst v63  }
0xc0: {  	_ =	swait.ge [sflag:s10], $0x3F00  }
0xc1: {  	[sflag:s10] =	ssyncset.done $0x0  }
0xc2: {  	[sflag:s10] =	ssyncadd.s32 $0xFFFFC100  }
0xc3: {  	_ =	swait.ge [sflag:s11], $0x3F00  }
0xc4: {  	[sflag:s11] =	ssyncset.done $0x0  }
0xc5: {  	[sflag:s11] =	ssyncadd.s32 $0xFFFFC100  }
0xc6: {  	[tilespmem:s8], [sflag:$0x2] =	stream.indirect.gather [hbm4b:s3+s7], $0x10, s18, s7, $0xb8;
	[tilespmem:$0xF4C0] =	vst v63  }
0xc7: {  	_ = 	snop  }
0xc8: {  	[spmem:s2] =	stream.indirect.scatter.add.f32 [tilespmem:s9], [sflag:$0x3], $0x10, s20, s7, $0xb8;
	[tilespmem:$0xF4C0] =	vst v63  }
0xc9: {  	_ =	swait.ge [sflag:s12], $0x3F00  }
0xca: {  	[sflag:s12] =	ssyncset.done $0x0  }
0xcb: {  	[sflag:s12] =	ssyncadd.s32 $0xFFFFC100  }
0xcc: {  	[tilespmem:s9], [sflag:$0x1] =	stream.indirect.gather [hbm4b:s3+s7], $0x10, s19, s7, $0xb8;
	[tilespmem:$0xF4C0] =	vst v63  }
0xcd: {  	_ =	swait.ge [sflag:s13], $0x3F00  }
0xce: {  	[sflag:s13] =	ssyncset.done $0x0  }
0xcf: {  	[sflag:s13] =	ssyncadd.s32 $0xFFFFC100  }
0xd0: {  	[spmem:s2] =	stream.indirect.scatter.add.f32 [tilespmem:s8], [sflag:$0x4], $0x10, s17, s7, $0xb8;
	[tilespmem:$0xF4C0] =	vst v63  }
0xd1: {  	_ =	swait.ge [sflag:s10], $0x3F00  }
0xd2: {  	[sflag:s10] =	ssyncset.done $0x0  }
0xd3: {  	[sflag:s10] =	ssyncadd.s32 $0xFFFFC100  }
0xd4: {  	_ =	swait.ge [sflag:s11], $0x3F00  }
0xd5: {  	[sflag:s11] =	ssyncset.done $0x0  }
0xd6: {  	[sflag:s11] =	ssyncadd.s32 $0xFFFFC100  }
0xd7: {  	[tilespmem:s8], [sflag:$0x2] =	stream.indirect.gather [hbm4b:s3+s7], $0x10, s15, s7, $0xb8;
	[tilespmem:$0xF4C0] =	vst v63  }
0xd8: {  	_ = 	snop  }
0xd9: {  	[spmem:s2] =	stream.indirect.scatter.add.f32 [tilespmem:s9], [sflag:$0x3], $0x10, s16, s7, $0xb8;
	[tilespmem:$0xF4C0] =	vst v63  }
0xda: {  	_ =	swait.ge [sflag:s12], $0x3F00  }
0xdb: {  	[sflag:s12] =	ssyncset.done $0x0  }
0xdc: {  	[sflag:s12] =	ssyncadd.s32 $0xFFFFC100  }
0xdd: {  	_ =	swait.ge [sflag:s13], $0x3F00  }
0xde: {  	[sflag:s13] =	ssyncset.done $0x0  }
0xdf: {  	[sflag:s13] =	ssyncadd.s32 $0xFFFFC100  }
0xe0: {  	[spmem:s2] =	stream.indirect.scatter.add.f32 [tilespmem:s8], [sflag:$0x4], $0x10, s14, s7, $0xb8;
	[tilespmem:$0xF4C0] =	vst v63  }
0xe1: {  	_ =	swait.ge [sflag:s10], $0x3F00  }
0xe2: {  	[sflag:s10] =	ssyncset.done $0x0  }
0xe3: {  	p1 =	sne.s32 s1, $0x1;
	[sflag:s10] =	ssyncadd.s32 $0xFFFFC100  }
.Ltmp2:
0xe4: {  	[bflag:$0x0] =	sbarrier.arrive $0xFFFF;
	(pc) =	sbr.rel @p1 .LBB2_2-.Ltmp2, $4  }
0xe5: {  	s0 =	rddreg [dreg:$0x7]  }
0xe6: {  	[hbm:s0], [sflag:s4] =	dma.local [spmem:s6], $0x500  }
0xe7: {  	_ =	swait.ge [sflag:s5], $0x500  }
0xe8: {  	s1 =	sadd.s32 $0xFFFFFFFF, s1;
	s0 =	rddreg [dreg:$0x4];
	[sflag:s5] =	ssyncset.done $0x0  }
.LBB2_3:
0xe9: {  	[sflag:s5] =	ssyncadd.s32 @p0 $0xFFFFFB00  }
0xea: {  	[spmem:s6], [sflag:s4] =	dma.local [hbm:s0], $0x500  }
0xeb: {  	_ =	swait.ge [sflag:s5], $0x500  }
0xec: {  	[sflag:s5] =	ssyncset.done $0x0  }
0xed: {  	s1 =	rddreg [dreg:$0x5];
	[sflag:s5] =	ssyncadd.s32 $0xFFFFFB00  }
0xee: {  	[tilespmem:s31], [sflag:$0x5] =	stream.linear.gather [hbm4b:s1+s23], $0x2760, $0x38;
	[tilespmem:$0xF4C0] =	vst v63  }
0xef: {  	_ =	swait.ge [sflag:s5], $0x2760  }
0xf0: {  	[sflag:s5] =	ssyncset.done $0x0  }
0xf1: {  	s1 =	rddreg [dreg:$0x6];
	[sflag:s5] =	ssyncadd.s32 $0xFFFFD8A0  }
0xf2: {  	[tilespmem:s30], [sflag:$0x5] =	stream.linear.gather [hbm4b:s1+s23], $0x2760, $0x38;
	[tilespmem:$0xF4C0] =	vst v63  }
0xf3: {  	_ =	swait.ge [sflag:s5], $0x2760  }
0xf4: {  	[sflag:s5] =	ssyncset.done $0x0  }
0xf5: {  	[sflag:s5] =	ssyncadd.s32 $0xFFFFD8A0  }
0xf6: {  	[bflag:$0x0] =	sbarrier.arrive $0xFFFF  }
0xf7: {  	[tilespmem:s9], [sflag:$0x1] =	stream.indirect.gather [hbm4b:s3+s7], $0x10, s31, s7, $0xb8;
	[tilespmem:$0xF4C0] =	vst v63  }
0xf8: {  	_ =	swait.ge [sflag:s11], $0x3F00  }
0xf9: {  	[sflag:s11] =	ssyncset.done $0x0  }
0xfa: {  	s23 =	rddreg [dreg:$0x8];
	[sflag:s11] =	ssyncadd.s32 $0xFFFFC100  }
0xfb: {  	[tilespmem:s8], [sflag:$0x2] =	stream.indirect.gather [hbm4b:s3+s7], $0x10, s23, s7, $0xb8;
	[tilespmem:$0xF4C0] =	vst v63  }
0xfc: {  	_ = 	snop  }
0xfd: {  	[spmem:s2] =	stream.indirect.scatter.add.f32 [tilespmem:s9], [sflag:$0x3], $0x10, s30, s7, $0xb8;
	[tilespmem:$0xF4C0] =	vst v63  }
0xfe: {  	_ =	swait.ge [sflag:s12], $0x3F00  }
0xff: {  	[sflag:s12] =	ssyncset.done $0x0  }
0x100: {  	s31 =	rddreg [dreg:$0x9];
	[sflag:s12] =	ssyncadd.s32 $0xFFFFC100  }
0x101: {  	[tilespmem:s9], [sflag:$0x1] =	stream.indirect.gather [hbm4b:s3+s7], $0x10, s31, s7, $0xb8;
	[tilespmem:$0xF4C0] =	vst v63  }
0x102: {  	_ =	swait.ge [sflag:s13], $0x3F00  }
0x103: {  	[sflag:s13] =	ssyncset.done $0x0  }
0x104: {  	s1 =	rddreg [dreg:$0xa];
	[sflag:s13] =	ssyncadd.s32 $0xFFFFC100  }
0x105: {  	[spmem:s2] =	stream.indirect.scatter.add.f32 [tilespmem:s8], [sflag:$0x4], $0x10, s1, s7, $0xb8;
	[tilespmem:$0xF4C0] =	vst v63  }
0x106: {  	_ =	swait.ge [sflag:s10], $0x3F00  }
0x107: {  	[sflag:s10] =	ssyncset.done $0x0  }
0x108: {  	[sflag:s10] =	ssyncadd.s32 $0xFFFFC100  }
0x109: {  	_ =	swait.ge [sflag:s11], $0x3F00  }
0x10a: {  	[sflag:s11] =	ssyncset.done $0x0  }
0x10b: {  	s23 =	rddreg [dreg:$0xb];
	[sflag:s11] =	ssyncadd.s32 $0xFFFFC100  }
0x10c: {  	[tilespmem:s8], [sflag:$0x2] =	stream.indirect.gather [hbm4b:s3+s7], $0x10, s23, s7, $0xb8;
	[tilespmem:$0xF4C0] =	vst v63  }
0x10d: {  	_ = 	snop  }
0x10e: {  	[spmem:s2] =	stream.indirect.scatter.add.f32 [tilespmem:s9], [sflag:$0x3], $0x10, s29, s7, $0xb8;
	[tilespmem:$0xF4C0] =	vst v63  }
0x10f: {  	_ =	swait.ge [sflag:s12], $0x3F00  }
0x110: {  	[sflag:s12] =	ssyncset.done $0x0  }
0x111: {  	[sflag:s12] =	ssyncadd.s32 $0xFFFFC100  }
0x112: {  	[tilespmem:s9], [sflag:$0x1] =	stream.indirect.gather [hbm4b:s3+s7], $0x10, s28, s7, $0xb8;
	[tilespmem:$0xF4C0] =	vst v63  }
0x113: {  	_ =	swait.ge [sflag:s13], $0x3F00  }
0x114: {  	[sflag:s13] =	ssyncset.done $0x0  }
0x115: {  	[sflag:s13] =	ssyncadd.s32 $0xFFFFC100  }
0x116: {  	[spmem:s2] =	stream.indirect.scatter.add.f32 [tilespmem:s8], [sflag:$0x4], $0x10, s26, s7, $0xb8;
	[tilespmem:$0xF4C0] =	vst v63  }
0x117: {  	_ =	swait.ge [sflag:s10], $0x3F00  }
0x118: {  	[sflag:s10] =	ssyncset.done $0x0  }
0x119: {  	[sflag:s10] =	ssyncadd.s32 $0xFFFFC100  }
0x11a: {  	_ =	swait.ge [sflag:s11], $0x3F00  }
0x11b: {  	[sflag:s11] =	ssyncset.done $0x0  }
0x11c: {  	[sflag:s11] =	ssyncadd.s32 $0xFFFFC100  }
0x11d: {  	[tilespmem:s8], [sflag:$0x2] =	stream.indirect.gather [hbm4b:s3+s7], $0x10, s24, s7, $0xb8;
	[tilespmem:$0xF4C0] =	vst v63  }
0x11e: {  	_ = 	snop  }
0x11f: {  	[spmem:s2] =	stream.indirect.scatter.add.f32 [tilespmem:s9], [sflag:$0x3], $0x10, s25, s7, $0xb8;
	[tilespmem:$0xF4C0] =	vst v63  }
0x120: {  	_ =	swait.ge [sflag:s12], $0x3F00  }
0x121: {  	[sflag:s12] =	ssyncset.done $0x0  }
0x122: {  	[sflag:s12] =	ssyncadd.s32 $0xFFFFC100  }
0x123: {  	[tilespmem:s9], [sflag:$0x1] =	stream.indirect.gather [hbm4b:s3+s7], $0x10, s22, s7, $0xb8;
	[tilespmem:$0xF4C0] =	vst v63  }
0x124: {  	_ =	swait.ge [sflag:s13], $0x3F00  }
0x125: {  	[sflag:s13] =	ssyncset.done $0x0  }
0x126: {  	[sflag:s13] =	ssyncadd.s32 $0xFFFFC100  }
0x127: {  	[spmem:s2] =	stream.indirect.scatter.add.f32 [tilespmem:s8], [sflag:$0x4], $0x10, s21, s7, $0xb8;
	[tilespmem:$0xF4C0] =	vst v63  }
0x128: {  	_ =	swait.ge [sflag:s10], $0x3F00  }
0x129: {  	[sflag:s10] =	ssyncset.done $0x0  }
0x12a: {  	[sflag:s10] =	ssyncadd.s32 $0xFFFFC100  }
0x12b: {  	_ =	swait.ge [sflag:s11], $0x3F00  }
0x12c: {  	[sflag:s11] =	ssyncset.done $0x0  }
0x12d: {  	[sflag:s11] =	ssyncadd.s32 $0xFFFFC100  }
0x12e: {  	[tilespmem:s8], [sflag:$0x2] =	stream.indirect.gather [hbm4b:s3+s7], $0x10, s18, s7, $0xb8;
	[tilespmem:$0xF4C0] =	vst v63  }
0x12f: {  	_ = 	snop  }
0x130: {  	[spmem:s2] =	stream.indirect.scatter.add.f32 [tilespmem:s9], [sflag:$0x3], $0x10, s20, s7, $0xb8;
	[tilespmem:$0xF4C0] =	vst v63  }
0x131: {  	_ =	swait.ge [sflag:s12], $0x3F00  }
0x132: {  	[sflag:s12] =	ssyncset.done $0x0  }
0x133: {  	[sflag:s12] =	ssyncadd.s32 $0xFFFFC100  }
0x134: {  	[tilespmem:s9], [sflag:$0x1] =	stream.indirect.gather [hbm4b:s3+s7], $0x10, s19, s7, $0xb8;
	[tilespmem:$0xF4C0] =	vst v63  }
0x135: {  	_ =	swait.ge [sflag:s13], $0x3F00  }
0x136: {  	[sflag:s13] =	ssyncset.done $0x0  }
0x137: {  	[sflag:s13] =	ssyncadd.s32 $0xFFFFC100  }
0x138: {  	[spmem:s2] =	stream.indirect.scatter.add.f32 [tilespmem:s8], [sflag:$0x4], $0x10, s17, s7, $0xb8;
	[tilespmem:$0xF4C0] =	vst v63  }
0x139: {  	_ =	swait.ge [sflag:s10], $0x3F00  }
0x13a: {  	[sflag:s10] =	ssyncset.done $0x0  }
0x13b: {  	[sflag:s10] =	ssyncadd.s32 $0xFFFFC100  }
0x13c: {  	_ =	swait.ge [sflag:s11], $0x3F00  }
0x13d: {  	[sflag:s11] =	ssyncset.done $0x0  }
0x13e: {  	[sflag:s11] =	ssyncadd.s32 $0xFFFFC100  }
0x13f: {  	[tilespmem:s8], [sflag:$0x2] =	stream.indirect.gather [hbm4b:s3+s7], $0x10, s15, s7, $0xb8;
	[tilespmem:$0xF4C0] =	vst v63  }
0x140: {  	_ = 	snop  }
0x141: {  	[spmem:s2] =	stream.indirect.scatter.add.f32 [tilespmem:s9], [sflag:$0x3], $0x10, s16, s7, $0xb8;
	[tilespmem:$0xF4C0] =	vst v63  }
0x142: {  	_ =	swait.ge [sflag:s12], $0x3F00  }
0x143: {  	[sflag:s12] =	ssyncset.done $0x0  }
0x144: {  	[sflag:s12] =	ssyncadd.s32 $0xFFFFC100  }
0x145: {  	_ =	swait.ge [sflag:s13], $0x3F00  }
0x146: {  	[sflag:s13] =	ssyncset.done $0x0  }
0x147: {  	[sflag:s13] =	ssyncadd.s32 $0xFFFFC100  }
0x148: {  	[spmem:s2] =	stream.indirect.scatter.add.f32 [tilespmem:s8], [sflag:$0x4], $0x10, s14, s7, $0xb8;
	[tilespmem:$0xF4C0] =	vst v63  }
0x149: {  	_ =	swait.ge [sflag:s10], $0x3F00  }
0x14a: {  	[sflag:s10] =	ssyncset.done $0x0  }
0x14b: {  	[sflag:s10] =	ssyncadd.s32 $0xFFFFC100  }
0x14c: {  	[bflag:$0x0] =	sbarrier.arrive $0xFFFF  }
0x14d: {  	s30 =	rddreg [dreg:$0x7]  }
0x14e: {  	[hbm:s30], [sflag:s4] =	dma.local [spmem:s6], $0x500  }
0x14f: {  	_ =	swait.ge [sflag:s5], $0x500  }
0x150: {  	[sflag:s5] =	ssyncset.done $0x0  }
0x151: {  	[sflag:s5] =	ssyncadd.s32 $0xFFFFFB00  }
0x152: {  	_ =	sfence.sel $0x180000  }
0x153: {  	[bflag:$0x0] =	sbarrier.arrive $0xFFFF  }
0x154: {  	_ =	strace $0x9000004D  }
0x155: {  	s31 =	stileid.u32;
	[bflag:$0x2] =	sbarrier.arrive $0xFFFF  }
0x156: {  	p0 =	sne.s32 s31, $0x0;
	s0 =	rddreg [dreg:$0x3]  }
0x157: {  	s0 =	sadd.s32 @!p0 $0x100000, s0  }
0x158: {  	[sflag:s0] =	ssyncadd.tile.s32 @!p0 $0x1;
	_ =	shalt  }
.Lfunc_end2:
_tile_overlayer_lowered:
.L_overlay_start_2:
0x159: {  	(tag) =	ssettag $0x2  }
0x15a: {  	s0 =	rddreg [dreg:$0x0];
	s2 =	stileid.u32  }
0x15b: {  	s1 =	rddreg [dreg:$0x1];
	p0 =	sne.s32 s2, $0x0  }
0x15c: {  	s3 =	rddreg [dreg:$0x2];
	[bflag:$0x3] =	sbarrier.arrive $0xFFFF;
	s2 =	simm.s32 @!p0 $0x1C05  }
0x15d: {  	[timem:s3], [sflag:s2] =	dma.local @!p0 [hbm:s0], s1  }
0x15e: {  	s0 =	simm.s32 @!p0 $0x5  }
0x15f: {  	_ =	swait.ge @!p0 [sflag:s0], s1  }
0x160: {  	s1 =	ssub.s32 @!p0 $0x0, s1;
	[sflag:s0] =	ssyncset.done @!p0 $0x0  }
0x161: {  	[sflag:s0] =	ssyncadd.s32 @!p0 s1  }
0x162: {  	[bflag:$0x3] =	sbarrier.arrive $0xFFFF  }
0x163: {  	_ =	shalt  }

// kernel: kernel.21.cloned.1.call-start
scs
__scs_entry_jumppad:
0x0: {  	(pc) =	sbr.rel $0x88, $3  }
0x1: {  	(tag) =	ssettag $0x0;
	lr =	simm.s32 $0x1  }
0x2: {  	[smem:$0x3F93] =	sst lr;
	_ =	strace $0xD0000000  }
0x3: {  	_ = 	snop  }
0x4: {  	_ = 	snop  }
0x5: {  	_ = 	snop  }
0x6: {  	_ = 	snop  }
0x7: {  	_ = 	snop  }
__scs_overlays_trampoline_lowered:
0x8: {  	[smem:$0x3FA2] =	sst s0  }
0x9: {  	[smem:$0x3FA3] =	sst s1  }
0xa: {  	[smem:$0x3FA4] =	sst s2  }
0xb: {  	[smem:$0x3FA5] =	sst s3  }
0xc: {  	[smem:$0x3FA6] =	sst s4  }
0xd: {  	[smem:$0x3FA7] =	sst s5  }
0xe: {  	[smem:$0x3FA8] =	sst s6  }
0xf: {  	[smem:$0x3FA9] =	sst s7  }
0x10: {  	[smem:$0x3FAA] =	sst s8  }
0x11: {  	[smem:$0x3FAB] =	sst s9;
	s0 =	simm.s32 @!p0 $0x0  }
0x12: {  	s1 =	sld [smem:$0x3F91];
	s0 =	simm.s32 @p0 $0x1  }
0x13: {  	[smem:$0x3FAC] =	sst s0;
	s0 =	simm.s32 @!p1 $0x0  }
0x14: {  	s2 =	sld [smem:$0x3F90];
	s0 =	simm.s32 @p1 $0x1  }
0x15: {  	[smem:$0x3FAD] =	sst s0;
	s0 =	simm.s32 @!p2 $0x0  }
0x16: {  	s3 =	sld [smem:$0x3FDB];
	s0 =	simm.s32 @p2 $0x1  }
0x17: {  	s4 =	simm.s32 $0x1BF5;
	[smem:$0x3FAF] =	sst s0  }
0x18: {  	s0 =	sld [smem:$0x3F92];
	_ =	swait.ge [sflag:s4], $0x0  }
0x19: {  	s7 =	sld [smem:$0x3F93]  }
0x1a: {  	s8 =	sadd.s32 $0xFFFFE003, lr  }
0x1b: {  	s9 =	sadd.s32 $0xFFFFFEF7, lr;
	s5 =	simm.s32 $0xFFFFFFFF;
	p2 =	slt.u32 s8, $0xFFFFF086  }
0x1c: {  	p1 =	slt.u32 s9, $0xF7A;
	s5 =	simm.s32 @!p2 $0x0  }
0x1d: {  	s5 =	simm.s32 @p1 $0x1;
	p0 =	seq.s32 s7, s2  }
0x1e: {  	s7 =	smul.u32 @!p0 $0xF7A, s2;
	p2 =	seq.s32 @!p0 s5, $0x0  }
0x1f: {  	s9 =	smul.u32 $0xF7A, s1;
	s8 =	simm.s32 @!p0 $0x1BF5;
	p2 =	por !p2, p0  }
0x20: {  	[sflag:s8] =	ssyncset.s32 @!p0 $0xFFFFF086;
	s6 =	sadd.s32 @!p0 s3, s7;
	s7 =	simm.s32 @!p0 $0x108  }
0x21: {  	s3 =	sadd.s32 s3, s9;
	s6 =	sadd.s32 @!p0 $0x88, s6;
	s7 =	simm.s32 @p2 $0x1082  }
0x22: {  	[simem:s7], [sflag:s8] =	dma.local @!p0 [hbm:s6], $0xF7A  }
0x23: {  	s9 =	sor.u32 $0xD0000000, s2;
	s6 =	simm.s32 $0x108;
	_ =	swait.ge @!p0 [sflag:s8], $0x0  }
0x24: {  	s3 =	sadd.s32 $0x88, s3;
	s6 =	simm.s32 @!p1 $0x1082;
	[sflag:s4] =	ssyncset.s32 $0xFFFFF086  }
0x25: {  	[simem:s6], [sflag:s4] =	dma.local [hbm:s3], $0xF7A  }
0x26: {  	[smem:$0x3F93] =	sst s1;
	(tag) =	ssettag s2;
	_ =	strace s9  }
0x27: {  	s1 =	sld [smem:$0x3FA3]  }
0x28: {  	s2 =	sld [smem:$0x3FA4]  }
0x29: {  	s4 =	sld [smem:$0x3FA6]  }
0x2a: {  	p0 =	seq.s32 s5, $0x0;
	s5 =	sld [smem:$0x3FA7]  }
0x2b: {  	s6 =	sld [smem:$0x3FA8]  }
0x2c: {  	s7 =	sld [smem:$0x3FA9]  }
0x2d: {  	s3 =	simm.s32 $0x108;
	s8 =	sld [smem:$0x3FAA]  }
0x2e: {  	s3 =	simm.s32 @!p0 $0x1082;
	s9 =	sld [smem:$0x3FAB]  }
0x2f: {  	lr =	sadd.s32 s0, s3;
	s0 =	sld [smem:$0x3FA2]  }
0x30: {  	s3 =	sld [smem:$0x3FA5]  }
0x31: {  	[smem:$0x3FAE] =	sst s10  }
0x32: {  	s10 =	sld [smem:$0x3FAC];
	_ =	sdelay $0x3  }
0x33: {  	p0 =	seq.s32 s10, $0x1;
	s10 =	sld [smem:$0x3FAE];
	_ =	sdelay $0x3  }
0x34: {  	[smem:$0x3FAE] =	sst s10  }
0x35: {  	s10 =	sld [smem:$0x3FAD];
	_ =	sdelay $0x3  }
0x36: {  	p1 =	seq.s32 s10, $0x1;
	s10 =	sld [smem:$0x3FAE];
	_ =	sdelay $0x3  }
0x37: {  	[smem:$0x3FAE] =	sst s10  }
0x38: {  	s10 =	sld [smem:$0x3FAF]  }
0x39: {  	_ = 	snop;
	(pc) =	sbr.ind lr, $3  }
0x3a: {  	_ = 	snop  }
0x3b: {  	_ = 	snop  }
0x3c: {  	p2 =	seq.s32 s10, $0x1;
	s10 =	sld [smem:$0x3FAE]  }
0x3d: {  	_ =	shalt  }
0x3e: {  	_ =	shalt  }
0x3f: {  	_ =	shalt  }
0x40: {  	_ =	shalt  }
0x41: {  	_ =	shalt  }
0x42: {  	_ =	shalt  }
0x43: {  	_ =	shalt  }
0x44: {  	_ =	shalt  }
0x45: {  	_ =	shalt  }
0x46: {  	_ =	shalt  }
0x47: {  	_ =	shalt  }
0x48: {  	_ =	shalt  }
0x49: {  	_ =	shalt  }
0x4a: {  	_ =	shalt  }
0x4b: {  	_ =	shalt  }
0x4c: {  	_ =	shalt  }
0x4d: {  	_ =	shalt  }
0x4e: {  	_ =	shalt  }
0x4f: {  	_ =	shalt  }
0x50: {  	_ =	shalt  }
0x51: {  	_ =	shalt  }
0x52: {  	_ =	shalt  }
0x53: {  	_ =	shalt  }
0x54: {  	_ =	shalt  }
0x55: {  	_ =	shalt  }
0x56: {  	_ =	shalt  }
0x57: {  	_ =	shalt  }
0x58: {  	_ =	shalt  }
0x59: {  	_ =	shalt  }
0x5a: {  	_ =	shalt  }
0x5b: {  	_ =	shalt  }
0x5c: {  	_ =	shalt  }
0x5d: {  	_ =	shalt  }
0x5e: {  	_ =	shalt  }
0x5f: {  	_ =	shalt  }
0x60: {  	_ =	shalt  }
0x61: {  	_ =	shalt  }
0x62: {  	_ =	shalt  }
0x63: {  	_ =	shalt  }
0x64: {  	_ =	shalt  }
0x65: {  	_ =	shalt  }
0x66: {  	_ =	shalt  }
0x67: {  	_ =	shalt  }
0x68: {  	_ =	shalt  }
0x69: {  	_ =	shalt  }
0x6a: {  	_ =	shalt  }
0x6b: {  	_ =	shalt  }
0x6c: {  	_ =	shalt  }
0x6d: {  	_ =	shalt  }
0x6e: {  	_ =	shalt  }
0x6f: {  	_ =	shalt  }
0x70: {  	_ =	shalt  }
0x71: {  	_ =	shalt  }
0x72: {  	_ =	shalt  }
0x73: {  	_ =	shalt  }
0x74: {  	_ =	shalt  }
0x75: {  	_ =	shalt  }
0x76: {  	_ =	shalt  }
0x77: {  	_ =	shalt  }
0x78: {  	_ =	shalt  }
0x79: {  	_ =	shalt  }
0x7a: {  	_ =	shalt  }
0x7b: {  	_ =	shalt  }
0x7c: {  	_ =	shalt  }
0x7d: {  	_ =	shalt  }
0x7e: {  	_ =	shalt  }
0x7f: {  	_ =	shalt  }
0x80: {  	_ =	shalt  }
0x81: {  	_ =	shalt  }
0x82: {  	_ =	shalt  }
0x83: {  	_ =	shalt  }
0x84: {  	_ =	shalt  }
0x85: {  	_ =	shalt  }
0x86: {  	_ =	shalt  }
0x87: {  	_ =	shalt  }
.Lfunc_end0:
.L_simem_size_0:
called_computation.3_lowered:
.L_overlay_start_0:
0x88: {  	s2 =	sld [smem:$0x3FD9]  }
0x89: {  	s3 =	sld [smem:$0x3FFE];
	_ =	sdelay $0x1  }
0x8a: {  	s1 =	srdreg.scid  }
0x8b: {  	s0 =	sand.u32 $0x1, s1  }
0x8c: {  	s16 =	sshll.u32 s0, $0xA;
	s2 =	sadd.s32 s3, s2  }
0x8d: {  	s2 =	sadd.s32 s2, s16  }
0x8e: {  	[smem:$0x3FBA] =	sst s2  }
0x8f: {  	_ = 	snop  }
0x90: {  	(tm) =	ssettm $0x1  }
0x91: {  	s17 =	sld [smem:$0x3FFB];
	_ =	sdelay $0x3  }
0x92: {  	_ =	strace s17  }
0x93: {  	s2 =	sld [smem:$0x3FFC];
	_ =	sdelay $0x3  }
0x94: {  	_ =	strace s2  }
0x95: {  	s2 =	sld [smem:$0x3FFD];
	_ =	sdelay $0x3  }
0x96: {  	_ =	strace s2  }
0x97: {  	_ =	strace $0x8FFFFFFF  }
0x98: {  	s18 =	sld [smem:$0x3FDB];
	_ =	sdelay $0x1  }
0x99: {  	s19 =	simm.s32 $_scs_section_size  }
0x9a: {  	s4 =	simm.s32 $_size__tile_overlayer_lowered;
	s5 =	simm.s32 $_tile_overlayer_lowered  }
0x9b: {  	s22 =	simm.s32 $0x1BFF;
	s21 =	sshll.u32 s5, $0x1;
	s2 =	sadd.s32 s19, s18  }
0x9c: {  	s6 =	simm.s32 $0x0;
	s20 =	sshll.u32 s4, $0x1;
	s4 =	sadd.s32 s21, s2  }
0x9d: {  	[timem:s6], [sflag:s22] =	dma.local [hbm:s4], s20  }
0x9e: {  	_ =	swait.ge [sflag:s22], s20  }
0x9f: {  	s3 =	ssub.s32 $0x0, s20;
	[sflag:s22] =	ssyncset.done $0x0  }
0xa0: {  	[sflag:s22] =	ssyncadd.s32 s3;
	_ =	sdelay $0x1  }
0xa1: {  	s23 =	simm.s32 $0x1B8B  }
0xa2: {  	_ =	swait.ge [sflag:s23], $0x1  }
0xa3: {  	[sflag:s23] =	ssyncset.done $0x0  }
0xa4: {  	s25 =	simm.s32 $0x1B8E;
	s24 =	sld [smem:$0x3FFE];
	[sflag:s23] =	ssyncadd.s32 $0xFFFFFFFF  }
0xa5: {  	s26 =	simm.s32 $execute0_lowered;
	[smem:$0x3FD2] =	sst s25  }
0xa6: {  	s4 =	sshll.u32 s26, $0x1;
	_ =	strace $0x8000004F;
	[dreg:$0x1] =	wrdreg $0xFFFFFFFF  }
0xa7: {  	s28 =	simm.s32 $_size_execute0_lowered;
	s2 =	sadd.s32 s2, s4;
	[dreg:$0x0] =	wrdreg $0x0  }
0xa8: {  	s4 =	sshll.u32 s28, $0x1;
	[dreg:$0x2] =	wrdreg s2  }
0xa9: {  	[dreg:$0x3] =	wrdreg s4  }
0xaa: {  	[dreg:$0x4] =	wrdreg $0xC0  }
0xab: {  	_ =	task [dreg:s6], $0x5FFFF  }
0xac: {  	[dreg:$0x1] =	wrdreg $0xFFFFFFFF  }
0xad: {  	[dreg:$0x0] =	wrdreg $0x60  }
0xae: {  	[dreg:$0x2] =	wrdreg s24  }
0xaf: {  	[dreg:$0x3] =	wrdreg $0x0  }
0xb0: {  	[dreg:$0x4] =	wrdreg $0x9  }
0xb1: {  	_ =	task.clear_ibuf [dreg:s6], $0x5FFFF;
	_ =	strace $0x9000004F  }
0xb2: {  	s29 =	simm.s32 $0x9;
	_ =	strace $0x80000051  }
0xb3: {  	_ =	swait.ge [sflag:s29], $0x1  }
0xb4: {  	[sflag:s29] =	ssyncadd.s32 $0xFFFFFFFF  }
0xb5: {  	_ =	strace $0x90000051  }
0xb6: {  	_ =	sfence  }
0xb7: {  	s30 =	sld [smem:$0x0];
	_ =	sdelay $0x2  }
0xb8: {  	s31 =	sshll.u32 s1, $0xD;
	s1 =	sshrl.u32 s1, $0x2  }
0xb9: {  	s3 =	sand.u32 $0x4000, s31;
	s1 =	sadd.s32 s1, s30  }
0xba: {  	s0 =	sor.u32 s3, s0;
	s1 =	sshll.u32 s1, $0x11  }
0xbb: {  	s0 =	sor.u32 s1, s0  }
0xbc: {  	s0 =	sadd.s32 $0x8F2B, s0  }
0xbd: {  	[sflag:s0] =	ssyncadd.remote.s32 $0x1  }
0xbe: {  	_ =	sfence.sel $0xFFFF  }
0xbf: {  	[dreg:$0x0] =	wrdreg $0xFFFFFFFF;
	(pc) =	sbr.abs _section_cstart, $3  }
0xc0: {  	[dreg:$0x1] =	wrdreg $0xFFFFFFFF  }
0xc1: {  	_ =	task.clear_ibuf [dreg:s6], $0x2FFFF;
	_ =	strace $0x9FFFFFFF  }
0xc2: {  	(tm) =	ssettm $0x7FFFFFFF  }
0xc3: {  	_ =	shalt  }
tec
execute0_lowered:
.L_overlay_start_1:
0x0: {  	(tag) =	ssettag $0x1  }
0x1: {  	s0 =	srdreg.scid;
	s6 =	rddreg [dreg:$0x0]  }
0x2: {  	s2 =	rddreg [dreg:$0x1];
	s3 =	simm.s32 $0x0;
	s13 =	simm.s32 $0x2800  }
0x3: {  	s14 =	simm.s32 $0x76C0;
	s15 =	simm.s32 $0x2A0;
	s16 =	simm.s32 $0xC580  }
0x4: {  	s17 =	simm.s32 $0x1;
	s18 =	simm.s32 $0xEF80;
	s19 =	simm.s32 $0x3  }
0x5: {  	s20 =	simm.s32 $0x2;
	s21 =	simm.s32 $0x4;
	s22 =	simm.s32 $0x7420  }
0x6: {  	s23 =	simm.s32 $0xC040;
	s5 =	sand.u32 $0x1, s0;
	s0 =	stileid.u32  }
0x7: {  	s24 =	simm.s32 $0xC2E0;
	s25 =	simm.s32 $0x0;
	s8 =	smul.u32 $0x9D8, s0  }
0x8: {  	[smem:$0x7FF] =	sst s3;
	s4 =	sadd.s32 $0xE400, s6;
	s9 =	smul.u32 $0x2800, s0  }
0x9: {  	s1 =	sshll.u32 s5, $0x4;
	s10 =	smul.u32 $0x28000, s5;
	s11 =	ssub.s32 $0x2, s5  }
0xa: {  	s5 =	sadd.s32 $0xDE00, s6;
	s30 =	sshll.u32 s0, $0x6;
	s1 =	sor.u32 s0, s1  }
0xb: {  	s12 =	sshrl.u32 s11, $0x1;
	s7 =	smul.u32 $0x9D8, s1;
	s1 =	rddreg [dreg:$0x2]  }
0xc: {  	_ =	strace $0x80000050;
	s8 =	sadd.s32 s8, s6;
	s10 =	sadd.s32 s9, s10  }
0xd: {  	s11 =	ssub.s32 s11, s12;
	s31 =	sadd.s32 s9, s2;
	s12 =	simm.s32 $0x5  }
0xe: {  	s10 =	sshrl.u32 s10, $0x3;
	s8 =	sadd.s32 $0x4000, s8;
	s7 =	sadd.s32 s7, s6  }
0xf: {  	s10 =	sadd.s32 s10, s6;
	s6 =	sor.u32 $0x1C05, s30;
	s7 =	sadd.s32 $0x50000, s7  }
0x10: {  	s9 =	sadd.s32 $0x18200, s10;
	s10 =	smax.u32 s11, $0x1;
	s11 =	sshrl.u32 s31, $0x3  }
.LBB2_1:
0x11: {  	[spmem:s11], [sflag:s6] =	dma.local [hbm:s5], $0x500  }
0x12: {  	_ =	swait.ge [sflag:s12], $0x500  }
0x13: {  	[sflag:s12] =	ssyncset.done $0x0  }
0x14: {  	[sflag:s12] =	ssyncadd.s32 $0xFFFFFB00  }
0x15: {  	[tilespmem:s13], [sflag:$0x5] =	stream.linear.gather [hbm4b:s7+s3], $0x4EC0, $0x38;
	[tilespmem:$0x11980] =	vst v63  }
0x16: {  	_ =	swait.ge [sflag:s12], $0x4EC0  }
0x17: {  	[sflag:s12] =	ssyncset.done $0x0  }
0x18: {  	[sflag:s12] =	ssyncadd.s32 $0xFFFFB140  }
0x19: {  	[tilespmem:s14], [sflag:$0x5] =	stream.linear.gather [hbm4b:s8+s3], $0x4EC0, $0x38;
	[tilespmem:$0x11980] =	vst v63  }
0x1a: {  	_ =	swait.ge [sflag:s12], $0x4EC0  }
0x1b: {  	[sflag:s12] =	ssyncset.done $0x0  }
0x1c: {  	[sflag:s12] =	ssyncadd.s32 $0xFFFFB140  }
0x1d: {  	[bflag:$0x0] =	sbarrier.arrive $0xFFFF  }
0x1e: {  	[tilespmem:s16], [sflag:$0x1] =	stream.indirect.gather [hbm4b:s4+s15], $0x10, s13, s15, $0xb8;
	[tilespmem:$0x11980] =	vst v63  }
0x1f: {  	_ =	swait.ge [sflag:s17], $0x2A00  }
0x20: {  	[sflag:s17] =	ssyncset.done $0x0  }
0x21: {  	s26 =	simm.s32 $0x2AA0;
	[sflag:s17] =	ssyncadd.s32 $0xFFFFD600  }
0x22: {  	[tilespmem:s18], [sflag:$0x2] =	stream.indirect.gather [hbm4b:s4+s15], $0x10, s26, s15, $0xb8;
	[tilespmem:$0x11980] =	vst v63  }
0x23: {  	s29 =	simm.s32 $0x76C0  }
0x24: {  	[spmem:s2] =	stream.indirect.scatter.add.f32 [tilespmem:s16], [sflag:$0x3], $0x10, s29, s15, $0xb8;
	[tilespmem:$0x11980] =	vst v63  }
0x25: {  	_ =	swait.ge [sflag:s19], $0x2A00  }
0x26: {  	[sflag:s19] =	ssyncset.done $0x0  }
0x27: {  	s30 =	simm.s32 $0x2D40;
	[sflag:s19] =	ssyncadd.s32 $0xFFFFD600  }
0x28: {  	[tilespmem:s16], [sflag:$0x1] =	stream.indirect.gather [hbm4b:s4+s15], $0x10, s30, s15, $0xb8;
	[tilespmem:$0x11980] =	vst v63  }
0x29: {  	_ =	swait.ge [sflag:s20], $0x2A00  }
0x2a: {  	[sflag:s20] =	ssyncset.done $0x0  }
0x2b: {  	s31 =	simm.s32 $0x7960;
	[sflag:s20] =	ssyncadd.s32 $0xFFFFD600  }
0x2c: {  	[spmem:s2] =	stream.indirect.scatter.add.f32 [tilespmem:s18], [sflag:$0x4], $0x10, s31, s15, $0xb8;
	[tilespmem:$0x11980] =	vst v63  }
0x2d: {  	_ =	swait.ge [sflag:s21], $0x2A00  }
0x2e: {  	s26 =	simm.s32 $0x1500;
	[sflag:s21] =	ssyncset.done $0x0  }
.LBB2_2:
0x2f: {  	p0 =	sne.s32 s26, $0x11100  }
0x30: {  	[sflag:s21] =	ssyncadd.s32 $0xFFFFD600;
	s28 =	smov.u32 s26;
	s26 =	sadd.s32 $0x1500, s26  }
0x31: {  	_ =	swait.ge [sflag:s17], $0x2A00  }
0x32: {  	s28 =	sshra.s32 s28, $0x2;
	[sflag:s17] =	ssyncset.done $0x0  }
0x33: {  	s29 =	sadd.s32 $0x2AA0, s28;
	[sflag:s17] =	ssyncadd.s32 $0xFFFFD600  }
0x34: {  	[tilespmem:s18], [sflag:$0x2] =	stream.indirect.gather [hbm4b:s4+s15], $0x10, s29, s15, $0xb8;
	[tilespmem:$0x11980] =	vst v63  }
0x35: {  	s29 =	sadd.s32 $0x76C0, s28  }
0x36: {  	[spmem:s2] =	stream.indirect.scatter.add.f32 [tilespmem:s16], [sflag:$0x3], $0x10, s29, s15, $0xb8;
	[tilespmem:$0x11980] =	vst v63  }
0x37: {  	_ =	swait.ge [sflag:s19], $0x2A00  }
0x38: {  	[sflag:s19] =	ssyncset.done $0x0  }
0x39: {  	s29 =	sadd.s32 $0x2D40, s28;
	[sflag:s19] =	ssyncadd.s32 $0xFFFFD600  }
0x3a: {  	[tilespmem:s16], [sflag:$0x1] =	stream.indirect.gather [hbm4b:s4+s15], $0x10, s29, s15, $0xb8;
	[tilespmem:$0x11980] =	vst v63  }
0x3b: {  	_ =	swait.ge [sflag:s20], $0x2A00  }
.Ltmp0:
0x3c: {  	[sflag:s20] =	ssyncset.done $0x0;
	(pc) =	sbr.rel @p0 .LBB2_2-.Ltmp0, $4  }
0x3d: {  	s28 =	sadd.s32 $0x7960, s28;
	[sflag:s20] =	ssyncadd.s32 $0xFFFFD600  }
0x3e: {  	[spmem:s2] =	stream.indirect.scatter.add.f32 [tilespmem:s18], [sflag:$0x4], $0x10, s28, s15, $0xb8;
	[tilespmem:$0x11980] =	vst v63  }
0x3f: {  	_ =	swait.ge [sflag:s21], $0x2A00  }
0x40: {  	[sflag:s21] =	ssyncset.done $0x0  }
0x41: {  	[sflag:s21] =	ssyncadd.s32 $0xFFFFD600  }
0x42: {  	_ =	swait.ge [sflag:s17], $0x2A00  }
0x43: {  	[sflag:s17] =	ssyncset.done $0x0  }
0x44: {  	[sflag:s17] =	ssyncadd.s32 $0xFFFFD600  }
0x45: {  	[tilespmem:s18], [sflag:$0x2] =	stream.indirect.gather [hbm4b:s4+s15], $0x10, s22, s15, $0xb8;
	[tilespmem:$0x11980] =	vst v63  }
0x46: {  	_ = 	snop  }
0x47: {  	[spmem:s2] =	stream.indirect.scatter.add.f32 [tilespmem:s16], [sflag:$0x3], $0x10, s23, s15, $0xb8;
	[tilespmem:$0x11980] =	vst v63  }
0x48: {  	_ =	swait.ge [sflag:s19], $0x2A00  }
0x49: {  	[sflag:s19] =	ssyncset.done $0x0  }
0x4a: {  	[sflag:s19] =	ssyncadd.s32 $0xFFFFD600  }
0x4b: {  	_ =	swait.ge [sflag:s20], $0x2A00  }
0x4c: {  	[sflag:s20] =	ssyncset.done $0x0  }
0x4d: {  	[sflag:s20] =	ssyncadd.s32 $0xFFFFD600  }
0x4e: {  	[spmem:s2] =	stream.indirect.scatter.add.f32 [tilespmem:s18], [sflag:$0x4], $0x10, s24, s15, $0xb8;
	[tilespmem:$0x11980] =	vst v63  }
0x4f: {  	_ =	swait.ge [sflag:s21], $0x2A00  }
0x50: {  	s25 =	sadd.s32 $0x1, s25;
	[sflag:s21] =	ssyncset.done $0x0  }
0x51: {  	p0 =	sne.s32 s25, s10;
	[sflag:s21] =	ssyncadd.s32 $0xFFFFD600  }
.Ltmp1:
0x52: {  	[bflag:$0x0] =	sbarrier.arrive $0xFFFF;
	(pc) =	sbr.rel @p0 .LBB2_1-.Ltmp1, $4  }
0x53: {  	[hbm:s9], [sflag:s6] =	dma.local [spmem:s11], $0x500  }
0x54: {  	_ =	swait.ge [sflag:s12], $0x500  }
0x55: {  	[sflag:s12] =	ssyncset.done $0x0  }
0x56: {  	[sflag:s12] =	ssyncadd.s32 $0xFFFFFB00  }
0x57: {  	_ =	sfence.sel $0x180000  }
0x58: {  	[bflag:$0x0] =	sbarrier.arrive $0xFFFF  }
0x59: {  	p0 =	sne.s32 s0, $0x0;
	_ =	strace $0x90000050  }
0x5a: {  	s0 =	sadd.s32 @!p0 $0x100000, s1;
	[bflag:$0x2] =	sbarrier.arrive $0xFFFF  }
0x5b: {  	[sflag:s0] =	ssyncadd.tile.s32 @!p0 $0x1;
	_ =	shalt  }
.Lfunc_end2:
_tile_overlayer_lowered:
.L_overlay_start_2:
0x5c: {  	(tag) =	ssettag $0x2  }
0x5d: {  	s0 =	rddreg [dreg:$0x0];
	s2 =	stileid.u32  }
0x5e: {  	s1 =	rddreg [dreg:$0x1];
	p0 =	sne.s32 s2, $0x0  }
0x5f: {  	s3 =	rddreg [dreg:$0x2];
	[bflag:$0x3] =	sbarrier.arrive $0xFFFF;
	s2 =	simm.s32 @!p0 $0x1C05  }
0x60: {  	[timem:s3], [sflag:s2] =	dma.local @!p0 [hbm:s0], s1  }
0x61: {  	s0 =	simm.s32 @!p0 $0x5  }
0x62: {  	_ =	swait.ge @!p0 [sflag:s0], s1  }
0x63: {  	s1 =	ssub.s32 @!p0 $0x0, s1;
	[sflag:s0] =	ssyncset.done @!p0 $0x0  }
0x64: {  	[sflag:s0] =	ssyncadd.s32 @!p0 s1  }
0x65: {  	[bflag:$0x3] =	sbarrier.arrive $0xFFFF  }
0x66: {  	_ =	shalt  }

// kernel: kernel.24.cloned.1.call-start
scs
__scs_entry_jumppad:
0x0: {  	(pc) =	sbr.rel $0x88, $3  }
0x1: {  	(tag) =	ssettag $0x0;
	lr =	simm.s32 $0x1  }
0x2: {  	[smem:$0x3F93] =	sst lr;
	_ =	strace $0xD0000000  }
0x3: {  	_ = 	snop  }
0x4: {  	_ = 	snop  }
0x5: {  	_ = 	snop  }
0x6: {  	_ = 	snop  }
0x7: {  	_ = 	snop  }
__scs_overlays_trampoline_lowered:
0x8: {  	[smem:$0x3FA2] =	sst s0  }
0x9: {  	[smem:$0x3FA3] =	sst s1  }
0xa: {  	[smem:$0x3FA4] =	sst s2  }
0xb: {  	[smem:$0x3FA5] =	sst s3  }
0xc: {  	[smem:$0x3FA6] =	sst s4  }
0xd: {  	[smem:$0x3FA7] =	sst s5  }
0xe: {  	[smem:$0x3FA8] =	sst s6  }
0xf: {  	[smem:$0x3FA9] =	sst s7  }
0x10: {  	[smem:$0x3FAA] =	sst s8  }
0x11: {  	[smem:$0x3FAB] =	sst s9;
	s0 =	simm.s32 @!p0 $0x0  }
0x12: {  	s1 =	sld [smem:$0x3F91];
	s0 =	simm.s32 @p0 $0x1  }
0x13: {  	[smem:$0x3FAC] =	sst s0;
	s0 =	simm.s32 @!p1 $0x0  }
0x14: {  	s2 =	sld [smem:$0x3F90];
	s0 =	simm.s32 @p1 $0x1  }
0x15: {  	[smem:$0x3FAD] =	sst s0;
	s0 =	simm.s32 @!p2 $0x0  }
0x16: {  	s3 =	sld [smem:$0x3FDB];
	s0 =	simm.s32 @p2 $0x1  }
0x17: {  	s4 =	simm.s32 $0x1BF5;
	[smem:$0x3FAF] =	sst s0  }
0x18: {  	s0 =	sld [smem:$0x3F92];
	_ =	swait.ge [sflag:s4], $0x0  }
0x19: {  	s7 =	sld [smem:$0x3F93]  }
0x1a: {  	s8 =	sadd.s32 $0xFFFFE003, lr  }
0x1b: {  	s9 =	sadd.s32 $0xFFFFFEF7, lr;
	s5 =	simm.s32 $0xFFFFFFFF;
	p2 =	slt.u32 s8, $0xFFFFF086  }
0x1c: {  	p1 =	slt.u32 s9, $0xF7A;
	s5 =	simm.s32 @!p2 $0x0  }
0x1d: {  	s5 =	simm.s32 @p1 $0x1;
	p0 =	seq.s32 s7, s2  }
0x1e: {  	s7 =	smul.u32 @!p0 $0xF7A, s2;
	p2 =	seq.s32 @!p0 s5, $0x0  }
0x1f: {  	s9 =	smul.u32 $0xF7A, s1;
	s8 =	simm.s32 @!p0 $0x1BF5;
	p2 =	por !p2, p0  }
0x20: {  	[sflag:s8] =	ssyncset.s32 @!p0 $0xFFFFF086;
	s6 =	sadd.s32 @!p0 s3, s7;
	s7 =	simm.s32 @!p0 $0x108  }
0x21: {  	s3 =	sadd.s32 s3, s9;
	s6 =	sadd.s32 @!p0 $0x88, s6;
	s7 =	simm.s32 @p2 $0x1082  }
0x22: {  	[simem:s7], [sflag:s8] =	dma.local @!p0 [hbm:s6], $0xF7A  }
0x23: {  	s9 =	sor.u32 $0xD0000000, s2;
	s6 =	simm.s32 $0x108;
	_ =	swait.ge @!p0 [sflag:s8], $0x0  }
0x24: {  	s3 =	sadd.s32 $0x88, s3;
	s6 =	simm.s32 @!p1 $0x1082;
	[sflag:s4] =	ssyncset.s32 $0xFFFFF086  }
0x25: {  	[simem:s6], [sflag:s4] =	dma.local [hbm:s3], $0xF7A  }
0x26: {  	[smem:$0x3F93] =	sst s1;
	(tag) =	ssettag s2;
	_ =	strace s9  }
0x27: {  	s1 =	sld [smem:$0x3FA3]  }
0x28: {  	s2 =	sld [smem:$0x3FA4]  }
0x29: {  	s4 =	sld [smem:$0x3FA6]  }
0x2a: {  	p0 =	seq.s32 s5, $0x0;
	s5 =	sld [smem:$0x3FA7]  }
0x2b: {  	s6 =	sld [smem:$0x3FA8]  }
0x2c: {  	s7 =	sld [smem:$0x3FA9]  }
0x2d: {  	s3 =	simm.s32 $0x108;
	s8 =	sld [smem:$0x3FAA]  }
0x2e: {  	s3 =	simm.s32 @!p0 $0x1082;
	s9 =	sld [smem:$0x3FAB]  }
0x2f: {  	lr =	sadd.s32 s0, s3;
	s0 =	sld [smem:$0x3FA2]  }
0x30: {  	s3 =	sld [smem:$0x3FA5]  }
0x31: {  	[smem:$0x3FAE] =	sst s10  }
0x32: {  	s10 =	sld [smem:$0x3FAC];
	_ =	sdelay $0x3  }
0x33: {  	p0 =	seq.s32 s10, $0x1;
	s10 =	sld [smem:$0x3FAE];
	_ =	sdelay $0x3  }
0x34: {  	[smem:$0x3FAE] =	sst s10  }
0x35: {  	s10 =	sld [smem:$0x3FAD];
	_ =	sdelay $0x3  }
0x36: {  	p1 =	seq.s32 s10, $0x1;
	s10 =	sld [smem:$0x3FAE];
	_ =	sdelay $0x3  }
0x37: {  	[smem:$0x3FAE] =	sst s10  }
0x38: {  	s10 =	sld [smem:$0x3FAF]  }
0x39: {  	_ = 	snop;
	(pc) =	sbr.ind lr, $3  }
0x3a: {  	_ = 	snop  }
0x3b: {  	_ = 	snop  }
0x3c: {  	p2 =	seq.s32 s10, $0x1;
	s10 =	sld [smem:$0x3FAE]  }
0x3d: {  	_ =	shalt  }
0x3e: {  	_ =	shalt  }
0x3f: {  	_ =	shalt  }
0x40: {  	_ =	shalt  }
0x41: {  	_ =	shalt  }
0x42: {  	_ =	shalt  }
0x43: {  	_ =	shalt  }
0x44: {  	_ =	shalt  }
0x45: {  	_ =	shalt  }
0x46: {  	_ =	shalt  }
0x47: {  	_ =	shalt  }
0x48: {  	_ =	shalt  }
0x49: {  	_ =	shalt  }
0x4a: {  	_ =	shalt  }
0x4b: {  	_ =	shalt  }
0x4c: {  	_ =	shalt  }
0x4d: {  	_ =	shalt  }
0x4e: {  	_ =	shalt  }
0x4f: {  	_ =	shalt  }
0x50: {  	_ =	shalt  }
0x51: {  	_ =	shalt  }
0x52: {  	_ =	shalt  }
0x53: {  	_ =	shalt  }
0x54: {  	_ =	shalt  }
0x55: {  	_ =	shalt  }
0x56: {  	_ =	shalt  }
0x57: {  	_ =	shalt  }
0x58: {  	_ =	shalt  }
0x59: {  	_ =	shalt  }
0x5a: {  	_ =	shalt  }
0x5b: {  	_ =	shalt  }
0x5c: {  	_ =	shalt  }
0x5d: {  	_ =	shalt  }
0x5e: {  	_ =	shalt  }
0x5f: {  	_ =	shalt  }
0x60: {  	_ =	shalt  }
0x61: {  	_ =	shalt  }
0x62: {  	_ =	shalt  }
0x63: {  	_ =	shalt  }
0x64: {  	_ =	shalt  }
0x65: {  	_ =	shalt  }
0x66: {  	_ =	shalt  }
0x67: {  	_ =	shalt  }
0x68: {  	_ =	shalt  }
0x69: {  	_ =	shalt  }
0x6a: {  	_ =	shalt  }
0x6b: {  	_ =	shalt  }
0x6c: {  	_ =	shalt  }
0x6d: {  	_ =	shalt  }
0x6e: {  	_ =	shalt  }
0x6f: {  	_ =	shalt  }
0x70: {  	_ =	shalt  }
0x71: {  	_ =	shalt  }
0x72: {  	_ =	shalt  }
0x73: {  	_ =	shalt  }
0x74: {  	_ =	shalt  }
0x75: {  	_ =	shalt  }
0x76: {  	_ =	shalt  }
0x77: {  	_ =	shalt  }
0x78: {  	_ =	shalt  }
0x79: {  	_ =	shalt  }
0x7a: {  	_ =	shalt  }
0x7b: {  	_ =	shalt  }
0x7c: {  	_ =	shalt  }
0x7d: {  	_ =	shalt  }
0x7e: {  	_ =	shalt  }
0x7f: {  	_ =	shalt  }
0x80: {  	_ =	shalt  }
0x81: {  	_ =	shalt  }
0x82: {  	_ =	shalt  }
0x83: {  	_ =	shalt  }
0x84: {  	_ =	shalt  }
0x85: {  	_ =	shalt  }
0x86: {  	_ =	shalt  }
0x87: {  	_ =	shalt  }
.Lfunc_end0:
.L_simem_size_0:
called_computation.4_lowered:
.L_overlay_start_0:
0x88: {  	s2 =	sld [smem:$0x3FD9]  }
0x89: {  	s3 =	sld [smem:$0x3FFE];
	_ =	sdelay $0x1  }
0x8a: {  	s1 =	srdreg.scid  }
0x8b: {  	s0 =	sand.u32 $0x1, s1  }
0x8c: {  	s17 =	sshll.u32 s0, $0xA;
	s2 =	sadd.s32 s3, s2  }
0x8d: {  	s2 =	sadd.s32 s2, s17  }
0x8e: {  	[smem:$0x3FBA] =	sst s2  }
0x8f: {  	_ = 	snop  }
0x90: {  	s2 =	sld [smem:$0x3FD0];
	(tm) =	ssettm $0x1  }
0x91: {  	s18 =	sld [smem:$0x3FFB];
	_ =	sdelay $0x3  }
0x92: {  	_ =	strace s18  }
0x93: {  	s3 =	sld [smem:$0x3FFC];
	_ =	sdelay $0x3  }
0x94: {  	_ =	strace s3  }
0x95: {  	s3 =	sld [smem:$0x3FFD];
	_ =	sdelay $0x3  }
0x96: {  	_ =	strace s3  }
0x97: {  	_ =	strace $0x8FFFFFFF  }
0x98: {  	s19 =	sld [smem:$0x3FDB];
	_ =	sdelay $0x1  }
0x99: {  	s4 =	simm.s32 $_scs_section_size  }
0x9a: {  	s5 =	simm.s32 $_size__tile_overlayer_lowered;
	s6 =	simm.s32 $_tile_overlayer_lowered  }
0x9b: {  	s22 =	simm.s32 $0x1BFF;
	s21 =	sshll.u32 s6, $0x1;
	s3 =	sadd.s32 s4, s19  }
0x9c: {  	s7 =	simm.s32 $0x0;
	s20 =	sshll.u32 s5, $0x1;
	s5 =	sadd.s32 s21, s3  }
0x9d: {  	[timem:s7], [sflag:s22] =	dma.local [hbm:s5], s20  }
0x9e: {  	_ =	swait.ge [sflag:s22], s20  }
0x9f: {  	s4 =	ssub.s32 $0x0, s20;
	[sflag:s22] =	ssyncset.done $0x0  }
0xa0: {  	[sflag:s22] =	ssyncadd.s32 s4;
	_ =	sdelay $0x1  }
0xa1: {  	s23 =	simm.s32 $0x1B8B  }
0xa2: {  	_ =	swait.ge [sflag:s23], $0x1  }
0xa3: {  	[sflag:s23] =	ssyncset.done $0x0  }
0xa4: {  	s25 =	simm.s32 $0x1B8E;
	s24 =	sld [smem:$0x3FFE];
	[sflag:s23] =	ssyncadd.s32 $0xFFFFFFFF  }
0xa5: {  	s26 =	simm.s32 $execute0_lowered;
	[smem:$0x3FD2] =	sst s25  }
0xa6: {  	s5 =	sshll.u32 s26, $0x1;
	_ =	strace $0x80000052;
	[dreg:$0x1] =	wrdreg $0xFFFFFFFF  }
0xa7: {  	s28 =	simm.s32 $_size_execute0_lowered;
	s3 =	sadd.s32 s3, s5;
	[dreg:$0x0] =	wrdreg $0x0  }
0xa8: {  	s5 =	sshll.u32 s28, $0x1;
	[dreg:$0x2] =	wrdreg s3  }
0xa9: {  	[dreg:$0x3] =	wrdreg s5  }
0xaa: {  	[dreg:$0x4] =	wrdreg $0xC0  }
0xab: {  	_ =	task [dreg:s7], $0x5FFFF  }
0xac: {  	[dreg:$0x1] =	wrdreg $0xFFFFFFFF  }
0xad: {  	[dreg:$0x0] =	wrdreg $0x60  }
0xae: {  	[dreg:$0x2] =	wrdreg s24  }
0xaf: {  	[dreg:$0x3] =	wrdreg s2  }
0xb0: {  	[dreg:$0x4] =	wrdreg $0x0  }
0xb1: {  	[dreg:$0x5] =	wrdreg $0x9  }
0xb2: {  	_ =	task.clear_ibuf [dreg:s7], $0x6FFFF;
	_ =	strace $0x90000052  }
0xb3: {  	s29 =	simm.s32 $0x9;
	_ =	strace $0x80000054  }
0xb4: {  	_ =	swait.ge [sflag:s29], $0x1  }
0xb5: {  	[sflag:s29] =	ssyncadd.s32 $0xFFFFFFFF  }
0xb6: {  	_ =	strace $0x90000054  }
0xb7: {  	_ =	sfence  }
0xb8: {  	s30 =	sld [smem:$0x0];
	_ =	sdelay $0x2  }
0xb9: {  	s31 =	sshll.u32 s1, $0xD;
	s1 =	sshrl.u32 s1, $0x2  }
0xba: {  	s3 =	sand.u32 $0x4000, s31;
	s1 =	sadd.s32 s1, s30  }
0xbb: {  	s0 =	sor.u32 s3, s0;
	s1 =	sshll.u32 s1, $0x11  }
0xbc: {  	s0 =	sor.u32 s1, s0  }
0xbd: {  	s0 =	sadd.s32 $0x8F2B, s0  }
0xbe: {  	[sflag:s0] =	ssyncadd.remote.s32 $0x1  }
0xbf: {  	_ =	sfence.sel $0xFFFF  }
0xc0: {  	[dreg:$0x0] =	wrdreg $0xFFFFFFFF;
	(pc) =	sbr.abs _section_cstart, $3  }
0xc1: {  	[dreg:$0x1] =	wrdreg $0xFFFFFFFF  }
0xc2: {  	_ =	task.clear_ibuf [dreg:s7], $0x2FFFF;
	_ =	strace $0x9FFFFFFF  }
0xc3: {  	(tm) =	ssettm $0x7FFFFFFF  }
tec
execute0_lowered:
.L_overlay_start_1:
0x0: {  	(tag) =	ssettag $0x1  }
0x1: {  	s7 =	rddreg [dreg:$0x0]  }
0x2: {  	s2 =	rddreg [dreg:$0x1]  }
0x3: {  	s0 =	srdreg.scid;
	s3 =	rddreg [dreg:$0x2];
	s4 =	simm.s32 $0x0  }
0x4: {  	s14 =	simm.s32 $0x9EC0;
	s15 =	simm.s32 $0x1E0;
	s16 =	simm.s32 $0xED80  }
0x5: {  	s17 =	simm.s32 $0x1;
	s18 =	simm.s32 $0x12980;
	s19 =	simm.s32 $0x3  }
0x6: {  	s20 =	simm.s32 $0x2;
	s21 =	simm.s32 $0x4;
	s22 =	simm.s32 $0x9CE0  }
0x7: {  	s23 =	simm.s32 $0xE9C0;
	s6 =	sand.u32 $0x1, s0;
	s0 =	stileid.u32  }
0x8: {  	s24 =	simm.s32 $0xEBA0;
	s25 =	simm.s32 $0x0;
	s9 =	smul.u32 $0x5000, s0  }
0x9: {  	[smem:$0x7FF] =	sst s4;
	s5 =	sadd.s32 $0xDE00, s7;
	s10 =	smul.u32 $0x50000, s6  }
0xa: {  	s1 =	sshll.u32 s6, $0x4;
	s11 =	smul.u32 $0x9D8, s0;
	s6 =	ssub.s32 $0x2, s6  }
0xb: {  	s31 =	sshll.u32 s0, $0x6;
	s1 =	sor.u32 s0, s1;
	s12 =	sshrl.u32 s6, $0x1  }
0xc: {  	s8 =	smul.u32 $0x9D8, s1;
	s1 =	rddreg [dreg:$0x3];
	_ =	strace $0x80000053  }
0xd: {  	s10 =	sadd.s32 s9, s10;
	s11 =	sadd.s32 s11, s7;
	s12 =	ssub.s32 s6, s12  }
0xe: {  	s13 =	sadd.s32 s9, s3;
	s10 =	sshrl.u32 s10, $0x3;
	s8 =	sadd.s32 s8, s7  }
0xf: {  	s6 =	sor.u32 $0x1C05, s31;
	s10 =	sadd.s32 s10, s7;
	s7 =	sadd.s32 $0x50000, s8  }
0x10: {  	s8 =	sadd.s32 $0x4000, s11;
	s9 =	sadd.s32 $0x21800, s10;
	s10 =	smax.u32 s12, $0x1  }
0x11: {  	s11 =	sshrl.u32 s13, $0x3;
	s12 =	simm.s32 $0x5;
	s13 =	simm.s32 $0x5000  }
.LBB2_1:
0x12: {  	[spmem:s11], [sflag:s6] =	dma.local [hbm:s2], $0xA00  }
0x13: {  	_ =	swait.ge [sflag:s12], $0xA00  }
0x14: {  	[sflag:s12] =	ssyncset.done $0x0  }
0x15: {  	[sflag:s12] =	ssyncadd.s32 $0xFFFFF600  }
0x16: {  	[tilespmem:s13], [sflag:$0x5] =	stream.linear.gather [hbm4b:s7+s4], $0x4EC0, $0x38;
	[tilespmem:$0x16580] =	vst v63  }
0x17: {  	_ =	swait.ge [sflag:s12], $0x4EC0  }
0x18: {  	[sflag:s12] =	ssyncset.done $0x0  }
0x19: {  	[sflag:s12] =	ssyncadd.s32 $0xFFFFB140  }
0x1a: {  	[tilespmem:s14], [sflag:$0x5] =	stream.linear.gather [hbm4b:s8+s4], $0x4EC0, $0x38;
	[tilespmem:$0x16580] =	vst v63  }
0x1b: {  	_ =	swait.ge [sflag:s12], $0x4EC0  }
0x1c: {  	[sflag:s12] =	ssyncset.done $0x0  }
0x1d: {  	[sflag:s12] =	ssyncadd.s32 $0xFFFFB140  }
0x1e: {  	[bflag:$0x0] =	sbarrier.arrive $0xFFFF  }
0x1f: {  	[tilespmem:s16], [sflag:$0x1] =	stream.indirect.gather [hbm4b:s5+s15], $0x20, s13, s15, $0xb8;
	[tilespmem:$0x16580] =	vst v63  }
0x20: {  	_ =	swait.ge [sflag:s17], $0x3C00  }
0x21: {  	[sflag:s17] =	ssyncset.done $0x0  }
0x22: {  	s26 =	simm.s32 $0x51E0;
	[sflag:s17] =	ssyncadd.s32 $0xFFFFC400  }
0x23: {  	[tilespmem:s18], [sflag:$0x2] =	stream.indirect.gather [hbm4b:s5+s15], $0x20, s26, s15, $0xb8;
	[tilespmem:$0x16580] =	vst v63  }
0x24: {  	s29 =	simm.s32 $0x9EC0  }
0x25: {  	[spmem:s3] =	stream.indirect.scatter.add.f32 [tilespmem:s16], [sflag:$0x3], $0x20, s29, s15, $0xb8;
	[tilespmem:$0x16580] =	vst v63  }
0x26: {  	_ =	swait.ge [sflag:s19], $0x3C00  }
0x27: {  	[sflag:s19] =	ssyncset.done $0x0  }
0x28: {  	s30 =	simm.s32 $0x53C0;
	[sflag:s19] =	ssyncadd.s32 $0xFFFFC400  }
0x29: {  	[tilespmem:s16], [sflag:$0x1] =	stream.indirect.gather [hbm4b:s5+s15], $0x20, s30, s15, $0xb8;
	[tilespmem:$0x16580] =	vst v63  }
0x2a: {  	_ =	swait.ge [sflag:s20], $0x3C00  }
0x2b: {  	[sflag:s20] =	ssyncset.done $0x0  }
0x2c: {  	s31 =	simm.s32 $0xA0A0;
	[sflag:s20] =	ssyncadd.s32 $0xFFFFC400  }
0x2d: {  	[spmem:s3] =	stream.indirect.scatter.add.f32 [tilespmem:s18], [sflag:$0x4], $0x20, s31, s15, $0xb8;
	[tilespmem:$0x16580] =	vst v63  }
0x2e: {  	_ =	swait.ge [sflag:s21], $0x3C00  }
0x2f: {  	s26 =	simm.s32 $0xF00;
	[sflag:s21] =	ssyncset.done $0x0  }
.LBB2_2:
0x30: {  	p0 =	sne.s32 s26, $0x11D00  }
0x31: {  	[sflag:s21] =	ssyncadd.s32 $0xFFFFC400;
	s28 =	smov.u32 s26;
	s26 =	sadd.s32 $0xF00, s26  }
0x32: {  	_ =	swait.ge [sflag:s17], $0x3C00  }
0x33: {  	s28 =	sshra.s32 s28, $0x2;
	[sflag:s17] =	ssyncset.done $0x0  }
0x34: {  	s29 =	sadd.s32 $0x51E0, s28;
	[sflag:s17] =	ssyncadd.s32 $0xFFFFC400  }
0x35: {  	[tilespmem:s18], [sflag:$0x2] =	stream.indirect.gather [hbm4b:s5+s15], $0x20, s29, s15, $0xb8;
	[tilespmem:$0x16580] =	vst v63  }
0x36: {  	s29 =	sadd.s32 $0x9EC0, s28  }
0x37: {  	[spmem:s3] =	stream.indirect.scatter.add.f32 [tilespmem:s16], [sflag:$0x3], $0x20, s29, s15, $0xb8;
	[tilespmem:$0x16580] =	vst v63  }
0x38: {  	_ =	swait.ge [sflag:s19], $0x3C00  }
0x39: {  	[sflag:s19] =	ssyncset.done $0x0  }
0x3a: {  	s29 =	sadd.s32 $0x53C0, s28;
	[sflag:s19] =	ssyncadd.s32 $0xFFFFC400  }
0x3b: {  	[tilespmem:s16], [sflag:$0x1] =	stream.indirect.gather [hbm4b:s5+s15], $0x20, s29, s15, $0xb8;
	[tilespmem:$0x16580] =	vst v63  }
0x3c: {  	_ =	swait.ge [sflag:s20], $0x3C00  }
.Ltmp0:
0x3d: {  	[sflag:s20] =	ssyncset.done $0x0;
	(pc) =	sbr.rel @p0 .LBB2_2-.Ltmp0, $4  }
0x3e: {  	s28 =	sadd.s32 $0xA0A0, s28;
	[sflag:s20] =	ssyncadd.s32 $0xFFFFC400  }
0x3f: {  	[spmem:s3] =	stream.indirect.scatter.add.f32 [tilespmem:s18], [sflag:$0x4], $0x20, s28, s15, $0xb8;
	[tilespmem:$0x16580] =	vst v63  }
0x40: {  	_ =	swait.ge [sflag:s21], $0x3C00  }
0x41: {  	[sflag:s21] =	ssyncset.done $0x0  }
0x42: {  	[sflag:s21] =	ssyncadd.s32 $0xFFFFC400  }
0x43: {  	_ =	swait.ge [sflag:s17], $0x3C00  }
0x44: {  	[sflag:s17] =	ssyncset.done $0x0  }
0x45: {  	[sflag:s17] =	ssyncadd.s32 $0xFFFFC400  }
0x46: {  	[tilespmem:s18], [sflag:$0x2] =	stream.indirect.gather [hbm4b:s5+s15], $0x20, s22, s15, $0xb8;
	[tilespmem:$0x16580] =	vst v63  }
0x47: {  	_ = 	snop  }
0x48: {  	[spmem:s3] =	stream.indirect.scatter.add.f32 [tilespmem:s16], [sflag:$0x3], $0x20, s23, s15, $0xb8;
	[tilespmem:$0x16580] =	vst v63  }
0x49: {  	_ =	swait.ge [sflag:s19], $0x3C00  }
0x4a: {  	[sflag:s19] =	ssyncset.done $0x0  }
0x4b: {  	[sflag:s19] =	ssyncadd.s32 $0xFFFFC400  }
0x4c: {  	_ =	swait.ge [sflag:s20], $0x3C00  }
0x4d: {  	[sflag:s20] =	ssyncset.done $0x0  }
0x4e: {  	[sflag:s20] =	ssyncadd.s32 $0xFFFFC400  }
0x4f: {  	[spmem:s3] =	stream.indirect.scatter.add.f32 [tilespmem:s18], [sflag:$0x4], $0x20, s24, s15, $0xb8;
	[tilespmem:$0x16580] =	vst v63  }
0x50: {  	_ =	swait.ge [sflag:s21], $0x3C00  }
0x51: {  	s25 =	sadd.s32 $0x1, s25;
	[sflag:s21] =	ssyncset.done $0x0  }
0x52: {  	p0 =	sne.s32 s25, s10;
	[sflag:s21] =	ssyncadd.s32 $0xFFFFC400  }
.Ltmp1:
0x53: {  	[bflag:$0x0] =	sbarrier.arrive $0xFFFF;
	(pc) =	sbr.rel @p0 .LBB2_1-.Ltmp1, $4  }
0x54: {  	[hbm:s9], [sflag:s6] =	dma.local [spmem:s11], $0xA00  }
0x55: {  	_ =	swait.ge [sflag:s12], $0xA00  }
0x56: {  	[sflag:s12] =	ssyncset.done $0x0  }
0x57: {  	[sflag:s12] =	ssyncadd.s32 $0xFFFFF600  }
0x58: {  	_ =	sfence.sel $0x180000  }
0x59: {  	[bflag:$0x0] =	sbarrier.arrive $0xFFFF  }
0x5a: {  	p0 =	sne.s32 s0, $0x0;
	_ =	strace $0x90000053  }
0x5b: {  	s0 =	sadd.s32 @!p0 $0x100000, s1;
	[bflag:$0x2] =	sbarrier.arrive $0xFFFF  }
0x5c: {  	[sflag:s0] =	ssyncadd.tile.s32 @!p0 $0x1;
	_ =	shalt  }
.Lfunc_end2:
_tile_overlayer_lowered:
.L_overlay_start_2:
0x5d: {  	(tag) =	ssettag $0x2  }
0x5e: {  	s0 =	rddreg [dreg:$0x0];
	s2 =	stileid.u32  }
0x5f: {  	s1 =	rddreg [dreg:$0x1];
	p0 =	sne.s32 s2, $0x0  }
0x60: {  	s3 =	rddreg [dreg:$0x2];
	[bflag:$0x3] =	sbarrier.arrive $0xFFFF;
	s2 =	simm.s32 @!p0 $0x1C05  }
0x61: {  	[timem:s3], [sflag:s2] =	dma.local @!p0 [hbm:s0], s1  }
0x62: {  	s0 =	simm.s32 @!p0 $0x5  }
0x63: {  	_ =	swait.ge @!p0 [sflag:s0], s1  }
0x64: {  	s1 =	ssub.s32 @!p0 $0x0, s1;
	[sflag:s0] =	ssyncset.done @!p0 $0x0  }
0x65: {  	[sflag:s0] =	ssyncadd.s32 @!p0 s1  }
0x66: {  	[bflag:$0x3] =	sbarrier.arrive $0xFFFF  }
0x67: {  	_ =	shalt  }

</sc_bundles>
